<compile_context>
chip_gen: v7x
topology: tpu7x:2x2x1
jax: 0.10.2.dev20260603
libtpu: 0.0.44.dev20260713+nightly
codegen_flags: <defaults>
</compile_context>

<pallas_src>
import functools

import jax
import jax.numpy as jnp
from jax import lax
from jax.experimental import pallas as pl
from jax.experimental.pallas import tpu as pltpu
from jax.experimental.pallas import tpu_sc as plsc

HIST = 50
BATCH = 4096
D = 64


def _sc_embed(table, xt):
    info = plsc.get_sparse_core_info()
    nc, ns = info.num_cores, info.num_subcores
    nw = nc * ns
    bb = BATCH // nw
    dt = D // 8
    mesh = plsc.VectorSubcoreMesh(core_axis_name="c", subcore_axis_name="s")

    @functools.partial(
        pl.kernel,
        out_type=jax.ShapeDtypeStruct((HIST, dt, nw, 8, bb), jnp.float32),
        mesh=mesh,
        scratch_types=[
            [pltpu.VMEM((bb,), jnp.int32) for _ in range(2)],
            [pltpu.VMEM((bb, D), jnp.float32) for _ in range(2)],
            [pltpu.VMEM((dt, 8, bb), jnp.float32) for _ in range(2)],
            [pltpu.VMEM((16, 17), jnp.float32) for _ in range(4)],
            [pltpu.SemaphoreType.DMA for _ in range(2)],
            [pltpu.SemaphoreType.DMA for _ in range(2)],
        ],
        compiler_params=pltpu.CompilerParams(
            use_tc_tiling_on_sc=False, needs_layout_passes=False
        ),
    )
    def body(tab_hbm, xt_hbm, out_hbm, idxs, gbufs, tbufs, blks, gsems, ssems):
        wid = lax.axis_index("s") * nc + lax.axis_index("c")
        b0 = wid * bb

        def load_idx(h, s):
            pltpu.sync_copy(xt_hbm.at[h, pl.ds(b0, bb)], idxs[s])

        def gather_desc(s):
            return pltpu.make_async_copy(tab_hbm.at[idxs[s]], gbufs[s], gsems[s])

        def store_desc(h, s):
            return pltpu.make_async_copy(tbufs[s], out_hbm.at[h, :, wid], ssems[s])

        def transpose(s):
            rows = lax.broadcasted_iota(jnp.int32, (16,), 0)

            def bg_body(bg, carry):
                b16 = bg * 16
                for dg in range(D // 16):
                    blk = blks[dg]
                    for i in range(16):
                        val = gbufs[s][b16 + i, pl.ds(dg * 16, 16)]
                        plsc.store_scatter(
                            blk, [rows, jnp.full((16,), i, jnp.int32)], val
                        )
                for dg in range(D // 16):
                    blk = blks[dg]
                    for j in range(16):
                        dd = dg * 16 + j
                        tbufs[s][dd // 8, dd % 8, pl.ds(b16, 16)] = blk[
                            j, pl.ds(0, 16)
                        ]
                return carry

            lax.fori_loop(0, bb // 16, bg_body, 0)

        load_idx(0, 0)
        gather_desc(0).start()

        def group(g, carry):
            for p in range(2):
                h = 2 * g + p

                @pl.when(h + 1 < HIST)
                def _():
                    load_idx(h + 1, 1 - p)
                    gather_desc(1 - p).start()

                gather_desc(p).wait()

                @pl.when(h >= 2)
                def _():
                    store_desc(h - 2, p).wait()

                transpose(p)
                store_desc(h, p).start()
            return carry

        lax.fori_loop(0, HIST // 2, group, 0)
        store_desc(HIST - 2, 0).wait()
        store_desc(HIST - 1, 1).wait()

    return body(table, xt)


def kernel(x, table):
    xt = jnp.swapaxes(x, 0, 1).astype(jnp.int32)
    out_l = _sc_embed(table, xt)
    out = jnp.transpose(out_l, (2, 4, 0, 1, 3)).reshape(BATCH, HIST, D)
    return out

# --- scband reference (transcript-rebuilt; emitter-appended) ---
"""Pipeline reference for scband-embedding-30597347017146 (READ-ONLY COPY).

The authoritative reference and input builder live on the scoring server;
editing this copy changes nothing except your own understanding.
"""

import jax, jax.numpy as jnp
import numpy as np

VOCAB = 100000
EMBED_DIM = 64
BATCH = 4096
HIST = 50


def setup_inputs(seed: int = 0) -> dict:
    key = jax.random.key(seed)
    k_idx, k_tab = jax.random.split(key)
    x = jax.random.randint(k_idx, (BATCH, HIST), 0, VOCAB, dtype=jnp.int64 if jax.config.jax_enable_x64 else jnp.int32)
    table = jax.random.normal(k_tab, (VOCAB, EMBED_DIM), dtype=jnp.float32)
    return {"x": x, "table": table}


def reference(x, table):
    # nn.Embedding forward: row gather from the embedding table
    out = jnp.take(table, x, axis=0)
    return out

if __name__ == "__main__":
    import jax
    _d = setup_inputs()
    print(jax.jit(kernel)(*tuple(_d.values())))

</pallas_src>

<mosaic_0001>
#map = affine_map<(d0, d1) -> (0, 0)>
#map1 = affine_map<(d0, d1) -> (0, 0, 0, 0, 0)>
module attributes {stable_mosaic.version = 14 : i64} {
  func.func @body(%arg0: i32, %arg1: i32, %arg2: memref<100000x64xf32, #tpu.memory_space<hbm>>, %arg3: memref<50x4096xi32, #tpu.memory_space<hbm>>, %arg4: memref<50x8x32x8x128xf32, #tpu.memory_space<hbm>>, %arg5: memref<128xi32, #tpu.memory_space<vmem>>, %arg6: memref<128xi32, #tpu.memory_space<vmem>>, %arg7: memref<128x64xf32, #tpu.memory_space<vmem>>, %arg8: memref<128x64xf32, #tpu.memory_space<vmem>>, %arg9: memref<8x8x128xf32, #tpu.memory_space<vmem>>, %arg10: memref<8x8x128xf32, #tpu.memory_space<vmem>>, %arg11: memref<16x17xf32, #tpu.memory_space<vmem>>, %arg12: memref<16x17xf32, #tpu.memory_space<vmem>>, %arg13: memref<16x17xf32, #tpu.memory_space<vmem>>, %arg14: memref<16x17xf32, #tpu.memory_space<vmem>>, %arg15: memref<!tpu.dma_semaphore, #tpu.memory_space<semaphore_mem>>, %arg16: memref<!tpu.dma_semaphore, #tpu.memory_space<semaphore_mem>>, %arg17: memref<!tpu.dma_semaphore, #tpu.memory_space<semaphore_mem>>, %arg18: memref<!tpu.dma_semaphore, #tpu.memory_space<semaphore_mem>>) attributes {dimension_semantics = [#tpu.dimension_semantics<core_parallel>, #tpu.dimension_semantics<subcore_parallel>], iteration_bounds = array<i64: 2, 16>, scalar_prefetch = 0 : i64, scratch_operands = 14 : i64, tpu.core_type = #tpu.core_type<sc_vector_subcore>, window_params = [{transform_indices = #map}, {transform_indices = #map}, {transform_indices = #map1}]} {
    %mul3A = arith.constant 2 : i32
    %mul3A_0 = arith.muli %arg1, %mul3A : i32
    %add3A = arith.addi %mul3A_0, %arg0 : i32
    %mul3A_1 = arith.constant 128 : i32
    %mul3A_2 = arith.muli %add3A, %mul3A_1 : i32
    %run_scoped3A = arith.constant 0 : i32
    "tpu.region"() ({
      %run_scoped3A_31 = tpu.sem_alloc : memref<!tpu.dma_semaphore, #tpu.memory_space<semaphore_mem>>
      %dma_start3A_32 = tpu.memref_slice %arg3[%run_scoped3A, %mul3A_2] : memref<50x4096xi32, #tpu.memory_space<hbm>> -> memref<1x128xi32, #tpu.memory_space<hbm>>
      %dma_start3A_33 = tpu.memref_squeeze %dma_start3A_32 : memref<1x128xi32, #tpu.memory_space<hbm>> -> memref<128xi32, #tpu.memory_space<hbm>>
      %dma_start3A_34 = tpu.memref_slice %arg3[%run_scoped3A, %mul3A_2] : memref<50x4096xi32, #tpu.memory_space<hbm>> -> memref<1x128xi32, #tpu.memory_space<hbm>>
      %dma_start3A_35 = tpu.memref_squeeze %dma_start3A_34 : memref<1x128xi32, #tpu.memory_space<hbm>> -> memref<128xi32, #tpu.memory_space<hbm>>
      tpu.enqueue_dma source(%dma_start3A_35 : memref<128xi32, #tpu.memory_space<hbm>>) target(%arg5 : memref<128xi32, #tpu.memory_space<vmem>>) target_semaphore(%run_scoped3A_31 : memref<!tpu.dma_semaphore, #tpu.memory_space<semaphore_mem>>)
      %dma_wait3A_36 = tpu.memref_slice %arg3[%run_scoped3A, %mul3A_2] : memref<50x4096xi32, #tpu.memory_space<hbm>> -> memref<1x128xi32, #tpu.memory_space<hbm>>
      %dma_wait3A_37 = tpu.memref_squeeze %dma_wait3A_36 : memref<1x128xi32, #tpu.memory_space<hbm>> -> memref<128xi32, #tpu.memory_space<hbm>>
      %dma_wait3A_38 = tpu.memref_slice %arg3[%run_scoped3A, %mul3A_2] : memref<50x4096xi32, #tpu.memory_space<hbm>> -> memref<1x128xi32, #tpu.memory_space<hbm>>
      %dma_wait3A_39 = tpu.memref_squeeze %dma_wait3A_38 : memref<1x128xi32, #tpu.memory_space<hbm>> -> memref<128xi32, #tpu.memory_space<hbm>>
      tpu.wait_dma2 semaphore(%run_scoped3A_31 : memref<!tpu.dma_semaphore, #tpu.memory_space<semaphore_mem>>) src(%dma_wait3A_39 : memref<128xi32, #tpu.memory_space<hbm>>) dst(%arg5 : memref<128xi32, #tpu.memory_space<vmem>>)
      tpu.yield
    }) : () -> ()
    %dma_start3A = arith.constant 0 : i32
    %dma_start3A_3 = arith.constant 0 : i32
    %dma_start3A_4 = tpu.memref_slice %arg2[%dma_start3A, %dma_start3A_3] : memref<100000x64xf32, #tpu.memory_space<hbm>> -> memref<100000x64xf32, #tpu.memory_space<hbm>>
    tpu.enqueue_indirect_dma source(%dma_start3A_4 : memref<100000x64xf32, #tpu.memory_space<hbm>>) target(%arg7 : memref<128x64xf32, #tpu.memory_space<vmem>>) offsets(%arg5 : memref<128xi32, #tpu.memory_space<vmem>>) semaphore(%arg15 : memref<!tpu.dma_semaphore, #tpu.memory_space<semaphore_mem>>)
    %scan3A = arith.constant 0 : i32
    %scan3A_5 = arith.constant 0 : i32
    %scan3A_6 = arith.constant 25 : i32
    %scan3A_7 = arith.addi %scan3A_5, %scan3A_6 : i32
    %scan3A_8 = arith.constant 1 : i32
    scf.for %scan3A_31 = %scan3A_5 to %scan3A_7 step %scan3A_8  : i32 {
      %mul3A_32 = arith.constant 2 : i32
      %mul3A_33 = arith.muli %mul3A_32, %scan3A_31 : i32
      %add3A_34 = arith.constant 0 : i32
      %add3A_35 = arith.addi %mul3A_33, %add3A_34 : i32
      %add3A_36 = arith.constant 1 : i32
      %add3A_37 = arith.addi %add3A_35, %add3A_36 : i32
      %lt3A = arith.constant 50 : i32
      %lt3A_38 = arith.cmpi slt, %add3A_37, %lt3A : i32
      %convert_element_type3A = arith.extui %lt3A_38 : i1 to i32
      %cond3A = arith.constant 0 : i32
      %cond3A_39 = arith.cmpi ne, %convert_element_type3A, %cond3A : i32
      scf.if %cond3A_39 {
        %add3A_99 = arith.constant 1 : i32
        %add3A_100 = arith.addi %add3A_35, %add3A_99 : i32
        "tpu.region"() ({
          %run_scoped3A_104 = tpu.sem_alloc : memref<!tpu.dma_semaphore, #tpu.memory_space<semaphore_mem>>
          %dma_start3A_105 = tpu.memref_slice %arg3[%add3A_100, %mul3A_2] : memref<50x4096xi32, #tpu.memory_space<hbm>> -> memref<1x128xi32, #tpu.memory_space<hbm>>
          %dma_start3A_106 = tpu.memref_squeeze %dma_start3A_105 : memref<1x128xi32, #tpu.memory_space<hbm>> -> memref<128xi32, #tpu.memory_space<hbm>>
          %dma_start3A_107 = tpu.memref_slice %arg3[%add3A_100, %mul3A_2] : memref<50x4096xi32, #tpu.memory_space<hbm>> -> memref<1x128xi32, #tpu.memory_space<hbm>>
          %dma_start3A_108 = tpu.memref_squeeze %dma_start3A_107 : memref<1x128xi32, #tpu.memory_space<hbm>> -> memref<128xi32, #tpu.memory_space<hbm>>
          tpu.enqueue_dma source(%dma_start3A_108 : memref<128xi32, #tpu.memory_space<hbm>>) target(%arg6 : memref<128xi32, #tpu.memory_space<vmem>>) target_semaphore(%run_scoped3A_104 : memref<!tpu.dma_semaphore, #tpu.memory_space<semaphore_mem>>)
          %dma_wait3A_109 = tpu.memref_slice %arg3[%add3A_100, %mul3A_2] : memref<50x4096xi32, #tpu.memory_space<hbm>> -> memref<1x128xi32, #tpu.memory_space<hbm>>
          %dma_wait3A_110 = tpu.memref_squeeze %dma_wait3A_109 : memref<1x128xi32, #tpu.memory_space<hbm>> -> memref<128xi32, #tpu.memory_space<hbm>>
          %dma_wait3A_111 = tpu.memref_slice %arg3[%add3A_100, %mul3A_2] : memref<50x4096xi32, #tpu.memory_space<hbm>> -> memref<1x128xi32, #tpu.memory_space<hbm>>
          %dma_wait3A_112 = tpu.memref_squeeze %dma_wait3A_111 : memref<1x128xi32, #tpu.memory_space<hbm>> -> memref<128xi32, #tpu.memory_space<hbm>>
          tpu.wait_dma2 semaphore(%run_scoped3A_104 : memref<!tpu.dma_semaphore, #tpu.memory_space<semaphore_mem>>) src(%dma_wait3A_112 : memref<128xi32, #tpu.memory_space<hbm>>) dst(%arg6 : memref<128xi32, #tpu.memory_space<vmem>>)
          tpu.yield
        }) : () -> ()
        %dma_start3A_101 = arith.constant 0 : i32
        %dma_start3A_102 = arith.constant 0 : i32
        %dma_start3A_103 = tpu.memref_slice %arg2[%dma_start3A_101, %dma_start3A_102] : memref<100000x64xf32, #tpu.memory_space<hbm>> -> memref<100000x64xf32, #tpu.memory_space<hbm>>
        tpu.enqueue_indirect_dma source(%dma_start3A_103 : memref<100000x64xf32, #tpu.memory_space<hbm>>) target(%arg8 : memref<128x64xf32, #tpu.memory_space<vmem>>) offsets(%arg6 : memref<128xi32, #tpu.memory_space<vmem>>) semaphore(%arg16 : memref<!tpu.dma_semaphore, #tpu.memory_space<semaphore_mem>>)
      } else {
      }
      %dma_wait3A_40 = arith.constant 0 : i32
      %dma_wait3A_41 = arith.constant 0 : i32
      %dma_wait3A_42 = tpu.memref_slice %arg2[%dma_wait3A_40, %dma_wait3A_41] : memref<100000x64xf32, #tpu.memory_space<hbm>> -> memref<100000x64xf32, #tpu.memory_space<hbm>>
      tpu.wait_indirect_dma semaphore(%arg15 : memref<!tpu.dma_semaphore, #tpu.memory_space<semaphore_mem>>) src(%dma_wait3A_42 : memref<100000x64xf32, #tpu.memory_space<hbm>>) dst(%arg7 : memref<128x64xf32, #tpu.memory_space<vmem>>)
      %ge3A = arith.constant 2 : i32
      %ge3A_43 = arith.cmpi sge, %add3A_35, %ge3A : i32
      %convert_element_type3A_44 = arith.extui %ge3A_43 : i1 to i32
      %cond3A_45 = arith.constant 0 : i32
      %cond3A_46 = arith.cmpi ne, %convert_element_type3A_44, %cond3A_45 : i32
      scf.if %cond3A_46 {
        %sub3A = arith.constant 2 : i32
        %sub3A_99 = arith.subi %add3A_35, %sub3A : i32
        %dma_wait3A_100 = arith.constant 0 : i32
        %dma_wait3A_101 = arith.constant 0 : i32
        %dma_wait3A_102 = arith.constant 0 : i32
        %dma_wait3A_103 = tpu.memref_slice %arg4[%sub3A_99, %dma_wait3A_100, %add3A, %dma_wait3A_101, %dma_wait3A_102] : memref<50x8x32x8x128xf32, #tpu.memory_space<hbm>> -> memref<1x8x1x8x128xf32, #tpu.memory_space<hbm>>
        %dma_wait3A_104 = tpu.memref_squeeze %dma_wait3A_103 : memref<1x8x1x8x128xf32, #tpu.memory_space<hbm>> -> memref<8x8x128xf32, #tpu.memory_space<hbm>>
        %dma_wait3A_105 = arith.constant 0 : i32
        %dma_wait3A_106 = arith.constant 0 : i32
        %dma_wait3A_107 = arith.constant 0 : i32
        %dma_wait3A_108 = tpu.memref_slice %arg4[%sub3A_99, %dma_wait3A_105, %add3A, %dma_wait3A_106, %dma_wait3A_107] : memref<50x8x32x8x128xf32, #tpu.memory_space<hbm>> -> memref<1x8x1x8x128xf32, #tpu.memory_space<hbm>>
        %dma_wait3A_109 = tpu.memref_squeeze %dma_wait3A_108 : memref<1x8x1x8x128xf32, #tpu.memory_space<hbm>> -> memref<8x8x128xf32, #tpu.memory_space<hbm>>
        tpu.wait_dma2 semaphore(%arg17 : memref<!tpu.dma_semaphore, #tpu.memory_space<semaphore_mem>>) src(%arg9 : memref<8x8x128xf32, #tpu.memory_space<vmem>>) dst(%dma_wait3A_109 : memref<8x8x128xf32, #tpu.memory_space<hbm>>)
      } else {
      }
      %iota3A = tpu.iota {dimensions = array<i32: 0>} : vector<16xi32>
      %scan3A_47 = arith.constant 0 : i32
      %scan3A_48 = arith.constant 0 : i32
      %scan3A_49 = arith.constant 8 : i32
      %scan3A_50 = arith.addi %scan3A_48, %scan3A_49 : i32
      %scan3A_51 = arith.constant 1 : i32
      scf.for %scan3A_99 = %scan3A_48 to %scan3A_50 step %scan3A_51  : i32 {
        %mul3A_100 = arith.constant 16 : i32
        %mul3A_101 = arith.muli %scan3A_99, %mul3A_100 : i32
        %add3A_102 = arith.constant 0 : i32
        %add3A_103 = arith.addi %mul3A_101, %add3A_102 : i32
        %get3A = arith.index_cast %add3A_103 : i32 to index
        %get3A_104 = arith.constant 0 : index
        %get3A_105 = tpu.vector_load %arg7[%get3A, %get3A_104] {strides = array<i32>} : memref<128x64xf32, #tpu.memory_space<vmem>>, vector<16xf32>,
        %broadcast_in_dim3A = arith.constant 0 : i32
        %broadcast_in_dim3A_106 = vector.broadcast %broadcast_in_dim3A : i32 to vector<16xi32>
        tpu.vector_store_idx %arg11[%iota3A, %broadcast_in_dim3A_106], %get3A_105 : memref<16x17xf32, #tpu.memory_space<vmem>>[vector<16xi32>, vector<16xi32>], vector<16xf32>,
        %add3A_107 = arith.constant 1 : i32
        %add3A_108 = arith.addi %mul3A_101, %add3A_107 : i32
        %get3A_109 = arith.index_cast %add3A_108 : i32 to index
        %get3A_110 = arith.constant 0 : index
        %get3A_111 = tpu.vector_load %arg7[%get3A_109, %get3A_110] {strides = array<i32>} : memref<128x64xf32, #tpu.memory_space<vmem>>, vector<16xf32>,
        %broadcast_in_dim3A_112 = arith.constant 1 : i32
        %broadcast_in_dim3A_113 = vector.broadcast %broadcast_in_dim3A_112 : i32 to vector<16xi32>
        tpu.vector_store_idx %arg11[%iota3A, %broadcast_in_dim3A_113], %get3A_111 : memref<16x17xf32, #tpu.memory_space<vmem>>[vector<16xi32>, vector<16xi32>], vector<16xf32>,
        %add3A_114 = arith.constant 2 : i32
        %add3A_115 = arith.addi %mul3A_101, %add3A_114 : i32
        %get3A_116 = arith.index_cast %add3A_115 : i32 to index
        %get3A_117 = arith.constant 0 : index
        %get3A_118 = tpu.vector_load %arg7[%get3A_116, %get3A_117] {strides = array<i32>} : memref<128x64xf32, #tpu.memory_space<vmem>>, vector<16xf32>,
        %broadcast_in_dim3A_119 = arith.constant 2 : i32
        %broadcast_in_dim3A_120 = vector.broadcast %broadcast_in_dim3A_119 : i32 to vector<16xi32>
        tpu.vector_store_idx %arg11[%iota3A, %broadcast_in_dim3A_120], %get3A_118 : memref<16x17xf32, #tpu.memory_space<vmem>>[vector<16xi32>, vector<16xi32>], vector<16xf32>,
        %add3A_121 = arith.constant 3 : i32
        %add3A_122 = arith.addi %mul3A_101, %add3A_121 : i32
        %get3A_123 = arith.index_cast %add3A_122 : i32 to index
        %get3A_124 = arith.constant 0 : index
        %get3A_125 = tpu.vector_load %arg7[%get3A_123, %get3A_124] {strides = array<i32>} : memref<128x64xf32, #tpu.memory_space<vmem>>, vector<16xf32>,
        %broadcast_in_dim3A_126 = arith.constant 3 : i32
        %broadcast_in_dim3A_127 = vector.broadcast %broadcast_in_dim3A_126 : i32 to vector<16xi32>
        tpu.vector_store_idx %arg11[%iota3A, %broadcast_in_dim3A_127], %get3A_125 : memref<16x17xf32, #tpu.memory_space<vmem>>[vector<16xi32>, vector<16xi32>], vector<16xf32>,
        %add3A_128 = arith.constant 4 : i32
        %add3A_129 = arith.addi %mul3A_101, %add3A_128 : i32
        %get3A_130 = arith.index_cast %add3A_129 : i32 to index
        %get3A_131 = arith.constant 0 : index
        %get3A_132 = tpu.vector_load %arg7[%get3A_130, %get3A_131] {strides = array<i32>} : memref<128x64xf32, #tpu.memory_space<vmem>>, vector<16xf32>,
        %broadcast_in_dim3A_133 = arith.constant 4 : i32
        %broadcast_in_dim3A_134 = vector.broadcast %broadcast_in_dim3A_133 : i32 to vector<16xi32>
        tpu.vector_store_idx %arg11[%iota3A, %broadcast_in_dim3A_134], %get3A_132 : memref<16x17xf32, #tpu.memory_space<vmem>>[vector<16xi32>, vector<16xi32>], vector<16xf32>,
        %add3A_135 = arith.constant 5 : i32
        %add3A_136 = arith.addi %mul3A_101, %add3A_135 : i32
        %get3A_137 = arith.index_cast %add3A_136 : i32 to index
        %get3A_138 = arith.constant 0 : index
        %get3A_139 = tpu.vector_load %arg7[%get3A_137, %get3A_138] {strides = array<i32>} : memref<128x64xf32, #tpu.memory_space<vmem>>, vector<16xf32>,
        %broadcast_in_dim3A_140 = arith.constant 5 : i32
        %broadcast_in_dim3A_141 = vector.broadcast %broadcast_in_dim3A_140 : i32 to vector<16xi32>
        tpu.vector_store_idx %arg11[%iota3A, %broadcast_in_dim3A_141], %get3A_139 : memref<16x17xf32, #tpu.memory_space<vmem>>[vector<16xi32>, vector<16xi32>], vector<16xf32>,
        %add3A_142 = arith.constant 6 : i32
        %add3A_143 = arith.addi %mul3A_101, %add3A_142 : i32
        %get3A_144 = arith.index_cast %add3A_143 : i32 to index
        %get3A_145 = arith.constant 0 : index
        %get3A_146 = tpu.vector_load %arg7[%get3A_144, %get3A_145] {strides = array<i32>} : memref<128x64xf32, #tpu.memory_space<vmem>>, vector<16xf32>,
        %broadcast_in_dim3A_147 = arith.constant 6 : i32
        %broadcast_in_dim3A_148 = vector.broadcast %broadcast_in_dim3A_147 : i32 to vector<16xi32>
        tpu.vector_store_idx %arg11[%iota3A, %broadcast_in_dim3A_148], %get3A_146 : memref<16x17xf32, #tpu.memory_space<vmem>>[vector<16xi32>, vector<16xi32>], vector<16xf32>,
        %add3A_149 = arith.constant 7 : i32
        %add3A_150 = arith.addi %mul3A_101, %add3A_149 : i32
        %get3A_151 = arith.index_cast %add3A_150 : i32 to index
        %get3A_152 = arith.constant 0 : index
        %get3A_153 = tpu.vector_load %arg7[%get3A_151, %get3A_152] {strides = array<i32>} : memref<128x64xf32, #tpu.memory_space<vmem>>, vector<16xf32>,
        %broadcast_in_dim3A_154 = arith.constant 7 : i32
        %broadcast_in_dim3A_155 = vector.broadcast %broadcast_in_dim3A_154 : i32 to vector<16xi32>
        tpu.vector_store_idx %arg11[%iota3A, %broadcast_in_dim3A_155], %get3A_153 : memref<16x17xf32, #tpu.memory_space<vmem>>[vector<16xi32>, vector<16xi32>], vector<16xf32>,
        %add3A_156 = arith.constant 8 : i32
        %add3A_157 = arith.addi %mul3A_101, %add3A_156 : i32
        %get3A_158 = arith.index_cast %add3A_157 : i32 to index
        %get3A_159 = arith.constant 0 : index
        %get3A_160 = tpu.vector_load %arg7[%get3A_158, %get3A_159] {strides = array<i32>} : memref<128x64xf32, #tpu.memory_space<vmem>>, vector<16xf32>,
        %broadcast_in_dim3A_161 = arith.constant 8 : i32
        %broadcast_in_dim3A_162 = vector.broadcast %broadcast_in_dim3A_161 : i32 to vector<16xi32>
        tpu.vector_store_idx %arg11[%iota3A, %broadcast_in_dim3A_162], %get3A_160 : memref<16x17xf32, #tpu.memory_space<vmem>>[vector<16xi32>, vector<16xi32>], vector<16xf32>,
        %add3A_163 = arith.constant 9 : i32
        %add3A_164 = arith.addi %mul3A_101, %add3A_163 : i32
        %get3A_165 = arith.index_cast %add3A_164 : i32 to index
        %get3A_166 = arith.constant 0 : index
        %get3A_167 = tpu.vector_load %arg7[%get3A_165, %get3A_166] {strides = array<i32>} : memref<128x64xf32, #tpu.memory_space<vmem>>, vector<16xf32>,
        %broadcast_in_dim3A_168 = arith.constant 9 : i32
        %broadcast_in_dim3A_169 = vector.broadcast %broadcast_in_dim3A_168 : i32 to vector<16xi32>
        tpu.vector_store_idx %arg11[%iota3A, %broadcast_in_dim3A_169], %get3A_167 : memref<16x17xf32, #tpu.memory_space<vmem>>[vector<16xi32>, vector<16xi32>], vector<16xf32>,
        %add3A_170 = arith.constant 10 : i32
        %add3A_171 = arith.addi %mul3A_101, %add3A_170 : i32
        %get3A_172 = arith.index_cast %add3A_171 : i32 to index
        %get3A_173 = arith.constant 0 : index
        %get3A_174 = tpu.vector_load %arg7[%get3A_172, %get3A_173] {strides = array<i32>} : memref<128x64xf32, #tpu.memory_space<vmem>>, vector<16xf32>,
        %broadcast_in_dim3A_175 = arith.constant 10 : i32
        %broadcast_in_dim3A_176 = vector.broadcast %broadcast_in_dim3A_175 : i32 to vector<16xi32>
        tpu.vector_store_idx %arg11[%iota3A, %broadcast_in_dim3A_176], %get3A_174 : memref<16x17xf32, #tpu.memory_space<vmem>>[vector<16xi32>, vector<16xi32>], vector<16xf32>,
        %add3A_177 = arith.constant 11 : i32
        %add3A_178 = arith.addi %mul3A_101, %add3A_177 : i32
        %get3A_179 = arith.index_cast %add3A_178 : i32 to index
        %get3A_180 = arith.constant 0 : index
        %get3A_181 = tpu.vector_load %arg7[%get3A_179, %get3A_180] {strides = array<i32>} : memref<128x64xf32, #tpu.memory_space<vmem>>, vector<16xf32>,
        %broadcast_in_dim3A_182 = arith.constant 11 : i32
        %broadcast_in_dim3A_183 = vector.broadcast %broadcast_in_dim3A_182 : i32 to vector<16xi32>
        tpu.vector_store_idx %arg11[%iota3A, %broadcast_in_dim3A_183], %get3A_181 : memref<16x17xf32, #tpu.memory_space<vmem>>[vector<16xi32>, vector<16xi32>], vector<16xf32>,
        %add3A_184 = arith.constant 12 : i32
        %add3A_185 = arith.addi %mul3A_101, %add3A_184 : i32
        %get3A_186 = arith.index_cast %add3A_185 : i32 to index
        %get3A_187 = arith.constant 0 : index
        %get3A_188 = tpu.vector_load %arg7[%get3A_186, %get3A_187] {strides = array<i32>} : memref<128x64xf32, #tpu.memory_space<vmem>>, vector<16xf32>,
        %broadcast_in_dim3A_189 = arith.constant 12 : i32
        %broadcast_in_dim3A_190 = vector.broadcast %broadcast_in_dim3A_189 : i32 to vector<16xi32>
        tpu.vector_store_idx %arg11[%iota3A, %broadcast_in_dim3A_190], %get3A_188 : memref<16x17xf32, #tpu.memory_space<vmem>>[vector<16xi32>, vector<16xi32>], vector<16xf32>,
        %add3A_191 = arith.constant 13 : i32
        %add3A_192 = arith.addi %mul3A_101, %add3A_191 : i32
        %get3A_193 = arith.index_cast %add3A_192 : i32 to index
        %get3A_194 = arith.constant 0 : index
        %get3A_195 = tpu.vector_load %arg7[%get3A_193, %get3A_194] {strides = array<i32>} : memref<128x64xf32, #tpu.memory_space<vmem>>, vector<16xf32>,
        %broadcast_in_dim3A_196 = arith.constant 13 : i32
        %broadcast_in_dim3A_197 = vector.broadcast %broadcast_in_dim3A_196 : i32 to vector<16xi32>
        tpu.vector_store_idx %arg11[%iota3A, %broadcast_in_dim3A_197], %get3A_195 : memref<16x17xf32, #tpu.memory_space<vmem>>[vector<16xi32>, vector<16xi32>], vector<16xf32>,
        %add3A_198 = arith.constant 14 : i32
        %add3A_199 = arith.addi %mul3A_101, %add3A_198 : i32
        %get3A_200 = arith.index_cast %add3A_199 : i32 to index
        %get3A_201 = arith.constant 0 : index
        %get3A_202 = tpu.vector_load %arg7[%get3A_200, %get3A_201] {strides = array<i32>} : memref<128x64xf32, #tpu.memory_space<vmem>>, vector<16xf32>,
        %broadcast_in_dim3A_203 = arith.constant 14 : i32
        %broadcast_in_dim3A_204 = vector.broadcast %broadcast_in_dim3A_203 : i32 to vector<16xi32>
        tpu.vector_store_idx %arg11[%iota3A, %broadcast_in_dim3A_204], %get3A_202 : memref<16x17xf32, #tpu.memory_space<vmem>>[vector<16xi32>, vector<16xi32>], vector<16xf32>,
        %add3A_205 = arith.constant 15 : i32
        %add3A_206 = arith.addi %mul3A_101, %add3A_205 : i32
        %get3A_207 = arith.index_cast %add3A_206 : i32 to index
        %get3A_208 = arith.constant 0 : index
        %get3A_209 = tpu.vector_load %arg7[%get3A_207, %get3A_208] {strides = array<i32>} : memref<128x64xf32, #tpu.memory_space<vmem>>, vector<16xf32>,
        %broadcast_in_dim3A_210 = arith.constant 15 : i32
        %broadcast_in_dim3A_211 = vector.broadcast %broadcast_in_dim3A_210 : i32 to vector<16xi32>
        tpu.vector_store_idx %arg11[%iota3A, %broadcast_in_dim3A_211], %get3A_209 : memref<16x17xf32, #tpu.memory_space<vmem>>[vector<16xi32>, vector<16xi32>], vector<16xf32>,
        %add3A_212 = arith.constant 0 : i32
        %add3A_213 = arith.addi %mul3A_101, %add3A_212 : i32
        %get3A_214 = arith.index_cast %add3A_213 : i32 to index
        %get3A_215 = arith.constant 16 : index
        %get3A_216 = tpu.vector_load %arg7[%get3A_214, %get3A_215] {strides = array<i32>} : memref<128x64xf32, #tpu.memory_space<vmem>>, vector<16xf32>,
        %broadcast_in_dim3A_217 = arith.constant 0 : i32
        %broadcast_in_dim3A_218 = vector.broadcast %broadcast_in_dim3A_217 : i32 to vector<16xi32>
        tpu.vector_store_idx %arg12[%iota3A, %broadcast_in_dim3A_218], %get3A_216 : memref<16x17xf32, #tpu.memory_space<vmem>>[vector<16xi32>, vector<16xi32>], vector<16xf32>,
        %add3A_219 = arith.constant 1 : i32
        %add3A_220 = arith.addi %mul3A_101, %add3A_219 : i32
        %get3A_221 = arith.index_cast %add3A_220 : i32 to index
        %get3A_222 = arith.constant 16 : index
        %get3A_223 = tpu.vector_load %arg7[%get3A_221, %get3A_222] {strides = array<i32>} : memref<128x64xf32, #tpu.memory_space<vmem>>, vector<16xf32>,
        %broadcast_in_dim3A_224 = arith.constant 1 : i32
        %broadcast_in_dim3A_225 = vector.broadcast %broadcast_in_dim3A_224 : i32 to vector<16xi32>
        tpu.vector_store_idx %arg12[%iota3A, %broadcast_in_dim3A_225], %get3A_223 : memref<16x17xf32, #tpu.memory_space<vmem>>[vector<16xi32>, vector<16xi32>], vector<16xf32>,
        %add3A_226 = arith.constant 2 : i32
        %add3A_227 = arith.addi %mul3A_101, %add3A_226 : i32
        %get3A_228 = arith.index_cast %add3A_227 : i32 to index
        %get3A_229 = arith.constant 16 : index
        %get3A_230 = tpu.vector_load %arg7[%get3A_228, %get3A_229] {strides = array<i32>} : memref<128x64xf32, #tpu.memory_space<vmem>>, vector<16xf32>,
        %broadcast_in_dim3A_231 = arith.constant 2 : i32
        %broadcast_in_dim3A_232 = vector.broadcast %broadcast_in_dim3A_231 : i32 to vector<16xi32>
        tpu.vector_store_idx %arg12[%iota3A, %broadcast_in_dim3A_232], %get3A_230 : memref<16x17xf32, #tpu.memory_space<vmem>>[vector<16xi32>, vector<16xi32>], vector<16xf32>,
        %add3A_233 = arith.constant 3 : i32
        %add3A_234 = arith.addi %mul3A_101, %add3A_233 : i32
        %get3A_235 = arith.index_cast %add3A_234 : i32 to index
        %get3A_236 = arith.constant 16 : index
        %get3A_237 = tpu.vector_load %arg7[%get3A_235, %get3A_236] {strides = array<i32>} : memref<128x64xf32, #tpu.memory_space<vmem>>, vector<16xf32>,
        %broadcast_in_dim3A_238 = arith.constant 3 : i32
        %broadcast_in_dim3A_239 = vector.broadcast %broadcast_in_dim3A_238 : i32 to vector<16xi32>
        tpu.vector_store_idx %arg12[%iota3A, %broadcast_in_dim3A_239], %get3A_237 : memref<16x17xf32, #tpu.memory_space<vmem>>[vector<16xi32>, vector<16xi32>], vector<16xf32>,
        %add3A_240 = arith.constant 4 : i32
        %add3A_241 = arith.addi %mul3A_101, %add3A_240 : i32
        %get3A_242 = arith.index_cast %add3A_241 : i32 to index
        %get3A_243 = arith.constant 16 : index
        %get3A_244 = tpu.vector_load %arg7[%get3A_242, %get3A_243] {strides = array<i32>} : memref<128x64xf32, #tpu.memory_space<vmem>>, vector<16xf32>,
        %broadcast_in_dim3A_245 = arith.constant 4 : i32
        %broadcast_in_dim3A_246 = vector.broadcast %broadcast_in_dim3A_245 : i32 to vector<16xi32>
        tpu.vector_store_idx %arg12[%iota3A, %broadcast_in_dim3A_246], %get3A_244 : memref<16x17xf32, #tpu.memory_space<vmem>>[vector<16xi32>, vector<16xi32>], vector<16xf32>,
        %add3A_247 = arith.constant 5 : i32
        %add3A_248 = arith.addi %mul3A_101, %add3A_247 : i32
        %get3A_249 = arith.index_cast %add3A_248 : i32 to index
        %get3A_250 = arith.constant 16 : index
        %get3A_251 = tpu.vector_load %arg7[%get3A_249, %get3A_250] {strides = array<i32>} : memref<128x64xf32, #tpu.memory_space<vmem>>, vector<16xf32>,
        %broadcast_in_dim3A_252 = arith.constant 5 : i32
        %broadcast_in_dim3A_253 = vector.broadcast %broadcast_in_dim3A_252 : i32 to vector<16xi32>
        tpu.vector_store_idx %arg12[%iota3A, %broadcast_in_dim3A_253], %get3A_251 : memref<16x17xf32, #tpu.memory_space<vmem>>[vector<16xi32>, vector<16xi32>], vector<16xf32>,
        %add3A_254 = arith.constant 6 : i32
        %add3A_255 = arith.addi %mul3A_101, %add3A_254 : i32
        %get3A_256 = arith.index_cast %add3A_255 : i32 to index
        %get3A_257 = arith.constant 16 : index
        %get3A_258 = tpu.vector_load %arg7[%get3A_256, %get3A_257] {strides = array<i32>} : memref<128x64xf32, #tpu.memory_space<vmem>>, vector<16xf32>,
        %broadcast_in_dim3A_259 = arith.constant 6 : i32
        %broadcast_in_dim3A_260 = vector.broadcast %broadcast_in_dim3A_259 : i32 to vector<16xi32>
        tpu.vector_store_idx %arg12[%iota3A, %broadcast_in_dim3A_260], %get3A_258 : memref<16x17xf32, #tpu.memory_space<vmem>>[vector<16xi32>, vector<16xi32>], vector<16xf32>,
        %add3A_261 = arith.constant 7 : i32
        %add3A_262 = arith.addi %mul3A_101, %add3A_261 : i32
        %get3A_263 = arith.index_cast %add3A_262 : i32 to index
        %get3A_264 = arith.constant 16 : index
        %get3A_265 = tpu.vector_load %arg7[%get3A_263, %get3A_264] {strides = array<i32>} : memref<128x64xf32, #tpu.memory_space<vmem>>, vector<16xf32>,
        %broadcast_in_dim3A_266 = arith.constant 7 : i32
        %broadcast_in_dim3A_267 = vector.broadcast %broadcast_in_dim3A_266 : i32 to vector<16xi32>
        tpu.vector_store_idx %arg12[%iota3A, %broadcast_in_dim3A_267], %get3A_265 : memref<16x17xf32, #tpu.memory_space<vmem>>[vector<16xi32>, vector<16xi32>], vector<16xf32>,
        %add3A_268 = arith.constant 8 : i32
        %add3A_269 = arith.addi %mul3A_101, %add3A_268 : i32
        %get3A_270 = arith.index_cast %add3A_269 : i32 to index
        %get3A_271 = arith.constant 16 : index
        %get3A_272 = tpu.vector_load %arg7[%get3A_270, %get3A_271] {strides = array<i32>} : memref<128x64xf32, #tpu.memory_space<vmem>>, vector<16xf32>,
        %broadcast_in_dim3A_273 = arith.constant 8 : i32
        %broadcast_in_dim3A_274 = vector.broadcast %broadcast_in_dim3A_273 : i32 to vector<16xi32>
        tpu.vector_store_idx %arg12[%iota3A, %broadcast_in_dim3A_274], %get3A_272 : memref<16x17xf32, #tpu.memory_space<vmem>>[vector<16xi32>, vector<16xi32>], vector<16xf32>,
        %add3A_275 = arith.constant 9 : i32
        %add3A_276 = arith.addi %mul3A_101, %add3A_275 : i32
        %get3A_277 = arith.index_cast %add3A_276 : i32 to index
        %get3A_278 = arith.constant 16 : index
        %get3A_279 = tpu.vector_load %arg7[%get3A_277, %get3A_278] {strides = array<i32>} : memref<128x64xf32, #tpu.memory_space<vmem>>, vector<16xf32>,
        %broadcast_in_dim3A_280 = arith.constant 9 : i32
        %broadcast_in_dim3A_281 = vector.broadcast %broadcast_in_dim3A_280 : i32 to vector<16xi32>
        tpu.vector_store_idx %arg12[%iota3A, %broadcast_in_dim3A_281], %get3A_279 : memref<16x17xf32, #tpu.memory_space<vmem>>[vector<16xi32>, vector<16xi32>], vector<16xf32>,
        %add3A_282 = arith.constant 10 : i32
        %add3A_283 = arith.addi %mul3A_101, %add3A_282 : i32
        %get3A_284 = arith.index_cast %add3A_283 : i32 to index
        %get3A_285 = arith.constant 16 : index
        %get3A_286 = tpu.vector_load %arg7[%get3A_284, %get3A_285] {strides = array<i32>} : memref<128x64xf32, #tpu.memory_space<vmem>>, vector<16xf32>,
        %broadcast_in_dim3A_287 = arith.constant 10 : i32
        %broadcast_in_dim3A_288 = vector.broadcast %broadcast_in_dim3A_287 : i32 to vector<16xi32>
        tpu.vector_store_idx %arg12[%iota3A, %broadcast_in_dim3A_288], %get3A_286 : memref<16x17xf32, #tpu.memory_space<vmem>>[vector<16xi32>, vector<16xi32>], vector<16xf32>,
        %add3A_289 = arith.constant 11 : i32
        %add3A_290 = arith.addi %mul3A_101, %add3A_289 : i32
        %get3A_291 = arith.index_cast %add3A_290 : i32 to index
        %get3A_292 = arith.constant 16 : index
        %get3A_293 = tpu.vector_load %arg7[%get3A_291, %get3A_292] {strides = array<i32>} : memref<128x64xf32, #tpu.memory_space<vmem>>, vector<16xf32>,
        %broadcast_in_dim3A_294 = arith.constant 11 : i32
        %broadcast_in_dim3A_295 = vector.broadcast %broadcast_in_dim3A_294 : i32 to vector<16xi32>
        tpu.vector_store_idx %arg12[%iota3A, %broadcast_in_dim3A_295], %get3A_293 : memref<16x17xf32, #tpu.memory_space<vmem>>[vector<16xi32>, vector<16xi32>], vector<16xf32>,
        %add3A_296 = arith.constant 12 : i32
        %add3A_297 = arith.addi %mul3A_101, %add3A_296 : i32
        %get3A_298 = arith.index_cast %add3A_297 : i32 to index
        %get3A_299 = arith.constant 16 : index
        %get3A_300 = tpu.vector_load %arg7[%get3A_298, %get3A_299] {strides = array<i32>} : memref<128x64xf32, #tpu.memory_space<vmem>>, vector<16xf32>,
        %broadcast_in_dim3A_301 = arith.constant 12 : i32
        %broadcast_in_dim3A_302 = vector.broadcast %broadcast_in_dim3A_301 : i32 to vector<16xi32>
        tpu.vector_store_idx %arg12[%iota3A, %broadcast_in_dim3A_302], %get3A_300 : memref<16x17xf32, #tpu.memory_space<vmem>>[vector<16xi32>, vector<16xi32>], vector<16xf32>,
        %add3A_303 = arith.constant 13 : i32
        %add3A_304 = arith.addi %mul3A_101, %add3A_303 : i32
        %get3A_305 = arith.index_cast %add3A_304 : i32 to index
        %get3A_306 = arith.constant 16 : index
        %get3A_307 = tpu.vector_load %arg7[%get3A_305, %get3A_306] {strides = array<i32>} : memref<128x64xf32, #tpu.memory_space<vmem>>, vector<16xf32>,
        %broadcast_in_dim3A_308 = arith.constant 13 : i32
        %broadcast_in_dim3A_309 = vector.broadcast %broadcast_in_dim3A_308 : i32 to vector<16xi32>
        tpu.vector_store_idx %arg12[%iota3A, %broadcast_in_dim3A_309], %get3A_307 : memref<16x17xf32, #tpu.memory_space<vmem>>[vector<16xi32>, vector<16xi32>], vector<16xf32>,
        %add3A_310 = arith.constant 14 : i32
        %add3A_311 = arith.addi %mul3A_101, %add3A_310 : i32
        %get3A_312 = arith.index_cast %add3A_311 : i32 to index
        %get3A_313 = arith.constant 16 : index
        %get3A_314 = tpu.vector_load %arg7[%get3A_312, %get3A_313] {strides = array<i32>} : memref<128x64xf32, #tpu.memory_space<vmem>>, vector<16xf32>,
        %broadcast_in_dim3A_315 = arith.constant 14 : i32
        %broadcast_in_dim3A_316 = vector.broadcast %broadcast_in_dim3A_315 : i32 to vector<16xi32>
        tpu.vector_store_idx %arg12[%iota3A, %broadcast_in_dim3A_316], %get3A_314 : memref<16x17xf32, #tpu.memory_space<vmem>>[vector<16xi32>, vector<16xi32>], vector<16xf32>,
        %add3A_317 = arith.constant 15 : i32
        %add3A_318 = arith.addi %mul3A_101, %add3A_317 : i32
        %get3A_319 = arith.index_cast %add3A_318 : i32 to index
        %get3A_320 = arith.constant 16 : index
        %get3A_321 = tpu.vector_load %arg7[%get3A_319, %get3A_320] {strides = array<i32>} : memref<128x64xf32, #tpu.memory_space<vmem>>, vector<16xf32>,
        %broadcast_in_dim3A_322 = arith.constant 15 : i32
        %broadcast_in_dim3A_323 = vector.broadcast %broadcast_in_dim3A_322 : i32 to vector<16xi32>
        tpu.vector_store_idx %arg12[%iota3A, %broadcast_in_dim3A_323], %get3A_321 : memref<16x17xf32, #tpu.memory_space<vmem>>[vector<16xi32>, vector<16xi32>], vector<16xf32>,
        %add3A_324 = arith.constant 0 : i32
        %add3A_325 = arith.addi %mul3A_101, %add3A_324 : i32
        %get3A_326 = arith.index_cast %add3A_325 : i32 to index
        %get3A_327 = arith.constant 32 : index
        %get3A_328 = tpu.vector_load %arg7[%get3A_326, %get3A_327] {strides = array<i32>} : memref<128x64xf32, #tpu.memory_space<vmem>>, vector<16xf32>,
        %broadcast_in_dim3A_329 = arith.constant 0 : i32
        %broadcast_in_dim3A_330 = vector.broadcast %broadcast_in_dim3A_329 : i32 to vector<16xi32>
        tpu.vector_store_idx %arg13[%iota3A, %broadcast_in_dim3A_330], %get3A_328 : memref<16x17xf32, #tpu.memory_space<vmem>>[vector<16xi32>, vector<16xi32>], vector<16xf32>,
        %add3A_331 = arith.constant 1 : i32
        %add3A_332 = arith.addi %mul3A_101, %add3A_331 : i32
        %get3A_333 = arith.index_cast %add3A_332 : i32 to index
        %get3A_334 = arith.constant 32 : index
        %get3A_335 = tpu.vector_load %arg7[%get3A_333, %get3A_334] {strides = array<i32>} : memref<128x64xf32, #tpu.memory_space<vmem>>, vector<16xf32>,
        %broadcast_in_dim3A_336 = arith.constant 1 : i32
        %broadcast_in_dim3A_337 = vector.broadcast %broadcast_in_dim3A_336 : i32 to vector<16xi32>
        tpu.vector_store_idx %arg13[%iota3A, %broadcast_in_dim3A_337], %get3A_335 : memref<16x17xf32, #tpu.memory_space<vmem>>[vector<16xi32>, vector<16xi32>], vector<16xf32>,
        %add3A_338 = arith.constant 2 : i32
        %add3A_339 = arith.addi %mul3A_101, %add3A_338 : i32
        %get3A_340 = arith.index_cast %add3A_339 : i32 to index
        %get3A_341 = arith.constant 32 : index
        %get3A_342 = tpu.vector_load %arg7[%get3A_340, %get3A_341] {strides = array<i32>} : memref<128x64xf32, #tpu.memory_space<vmem>>, vector<16xf32>,
        %broadcast_in_dim3A_343 = arith.constant 2 : i32
        %broadcast_in_dim3A_344 = vector.broadcast %broadcast_in_dim3A_343 : i32 to vector<16xi32>
        tpu.vector_store_idx %arg13[%iota3A, %broadcast_in_dim3A_344], %get3A_342 : memref<16x17xf32, #tpu.memory_space<vmem>>[vector<16xi32>, vector<16xi32>], vector<16xf32>,
        %add3A_345 = arith.constant 3 : i32
        %add3A_346 = arith.addi %mul3A_101, %add3A_345 : i32
        %get3A_347 = arith.index_cast %add3A_346 : i32 to index
        %get3A_348 = arith.constant 32 : index
        %get3A_349 = tpu.vector_load %arg7[%get3A_347, %get3A_348] {strides = array<i32>} : memref<128x64xf32, #tpu.memory_space<vmem>>, vector<16xf32>,
        %broadcast_in_dim3A_350 = arith.constant 3 : i32
        %broadcast_in_dim3A_351 = vector.broadcast %broadcast_in_dim3A_350 : i32 to vector<16xi32>
        tpu.vector_store_idx %arg13[%iota3A, %broadcast_in_dim3A_351], %get3A_349 : memref<16x17xf32, #tpu.memory_space<vmem>>[vector<16xi32>, vector<16xi32>], vector<16xf32>,
        %add3A_352 = arith.constant 4 : i32
        %add3A_353 = arith.addi %mul3A_101, %add3A_352 : i32
        %get3A_354 = arith.index_cast %add3A_353 : i32 to index
        %get3A_355 = arith.constant 32 : index
        %get3A_356 = tpu.vector_load %arg7[%get3A_354, %get3A_355] {strides = array<i32>} : memref<128x64xf32, #tpu.memory_space<vmem>>, vector<16xf32>,
        %broadcast_in_dim3A_357 = arith.constant 4 : i32
        %broadcast_in_dim3A_358 = vector.broadcast %broadcast_in_dim3A_357 : i32 to vector<16xi32>
        tpu.vector_store_idx %arg13[%iota3A, %broadcast_in_dim3A_358], %get3A_356 : memref<16x17xf32, #tpu.memory_space<vmem>>[vector<16xi32>, vector<16xi32>], vector<16xf32>,
        %add3A_359 = arith.constant 5 : i32
        %add3A_360 = arith.addi %mul3A_101, %add3A_359 : i32
        %get3A_361 = arith.index_cast %add3A_360 : i32 to index
        %get3A_362 = arith.constant 32 : index
        %get3A_363 = tpu.vector_load %arg7[%get3A_361, %get3A_362] {strides = array<i32>} : memref<128x64xf32, #tpu.memory_space<vmem>>, vector<16xf32>,
        %broadcast_in_dim3A_364 = arith.constant 5 : i32
        %broadcast_in_dim3A_365 = vector.broadcast %broadcast_in_dim3A_364 : i32 to vector<16xi32>
        tpu.vector_store_idx %arg13[%iota3A, %broadcast_in_dim3A_365], %get3A_363 : memref<16x17xf32, #tpu.memory_space<vmem>>[vector<16xi32>, vector<16xi32>], vector<16xf32>,
        %add3A_366 = arith.constant 6 : i32
        %add3A_367 = arith.addi %mul3A_101, %add3A_366 : i32
        %get3A_368 = arith.index_cast %add3A_367 : i32 to index
        %get3A_369 = arith.constant 32 : index
        %get3A_370 = tpu.vector_load %arg7[%get3A_368, %get3A_369] {strides = array<i32>} : memref<128x64xf32, #tpu.memory_space<vmem>>, vector<16xf32>,
        %broadcast_in_dim3A_371 = arith.constant 6 : i32
        %broadcast_in_dim3A_372 = vector.broadcast %broadcast_in_dim3A_371 : i32 to vector<16xi32>
        tpu.vector_store_idx %arg13[%iota3A, %broadcast_in_dim3A_372], %get3A_370 : memref<16x17xf32, #tpu.memory_space<vmem>>[vector<16xi32>, vector<16xi32>], vector<16xf32>,
        %add3A_373 = arith.constant 7 : i32
        %add3A_374 = arith.addi %mul3A_101, %add3A_373 : i32
        %get3A_375 = arith.index_cast %add3A_374 : i32 to index
        %get3A_376 = arith.constant 32 : index
        %get3A_377 = tpu.vector_load %arg7[%get3A_375, %get3A_376] {strides = array<i32>} : memref<128x64xf32, #tpu.memory_space<vmem>>, vector<16xf32>,
        %broadcast_in_dim3A_378 = arith.constant 7 : i32
        %broadcast_in_dim3A_379 = vector.broadcast %broadcast_in_dim3A_378 : i32 to vector<16xi32>
        tpu.vector_store_idx %arg13[%iota3A, %broadcast_in_dim3A_379], %get3A_377 : memref<16x17xf32, #tpu.memory_space<vmem>>[vector<16xi32>, vector<16xi32>], vector<16xf32>,
        %add3A_380 = arith.constant 8 : i32
        %add3A_381 = arith.addi %mul3A_101, %add3A_380 : i32
        %get3A_382 = arith.index_cast %add3A_381 : i32 to index
        %get3A_383 = arith.constant 32 : index
        %get3A_384 = tpu.vector_load %arg7[%get3A_382, %get3A_383] {strides = array<i32>} : memref<128x64xf32, #tpu.memory_space<vmem>>, vector<16xf32>,
        %broadcast_in_dim3A_385 = arith.constant 8 : i32
        %broadcast_in_dim3A_386 = vector.broadcast %broadcast_in_dim3A_385 : i32 to vector<16xi32>
        tpu.vector_store_idx %arg13[%iota3A, %broadcast_in_dim3A_386], %get3A_384 : memref<16x17xf32, #tpu.memory_space<vmem>>[vector<16xi32>, vector<16xi32>], vector<16xf32>,
        %add3A_387 = arith.constant 9 : i32
        %add3A_388 = arith.addi %mul3A_101, %add3A_387 : i32
        %get3A_389 = arith.index_cast %add3A_388 : i32 to index
        %get3A_390 = arith.constant 32 : index
        %get3A_391 = tpu.vector_load %arg7[%get3A_389, %get3A_390] {strides = array<i32>} : memref<128x64xf32, #tpu.memory_space<vmem>>, vector<16xf32>,
        %broadcast_in_dim3A_392 = arith.constant 9 : i32
        %broadcast_in_dim3A_393 = vector.broadcast %broadcast_in_dim3A_392 : i32 to vector<16xi32>
        tpu.vector_store_idx %arg13[%iota3A, %broadcast_in_dim3A_393], %get3A_391 : memref<16x17xf32, #tpu.memory_space<vmem>>[vector<16xi32>, vector<16xi32>], vector<16xf32>,
        %add3A_394 = arith.constant 10 : i32
        %add3A_395 = arith.addi %mul3A_101, %add3A_394 : i32
        %get3A_396 = arith.index_cast %add3A_395 : i32 to index
        %get3A_397 = arith.constant 32 : index
        %get3A_398 = tpu.vector_load %arg7[%get3A_396, %get3A_397] {strides = array<i32>} : memref<128x64xf32, #tpu.memory_space<vmem>>, vector<16xf32>,
        %broadcast_in_dim3A_399 = arith.constant 10 : i32
        %broadcast_in_dim3A_400 = vector.broadcast %broadcast_in_dim3A_399 : i32 to vector<16xi32>
        tpu.vector_store_idx %arg13[%iota3A, %broadcast_in_dim3A_400], %get3A_398 : memref<16x17xf32, #tpu.memory_space<vmem>>[vector<16xi32>, vector<16xi32>], vector<16xf32>,
        %add3A_401 = arith.constant 11 : i32
        %add3A_402 = arith.addi %mul3A_101, %add3A_401 : i32
        %get3A_403 = arith.index_cast %add3A_402 : i32 to index
        %get3A_404 = arith.constant 32 : index
        %get3A_405 = tpu.vector_load %arg7[%get3A_403, %get3A_404] {strides = array<i32>} : memref<128x64xf32, #tpu.memory_space<vmem>>, vector<16xf32>,
        %broadcast_in_dim3A_406 = arith.constant 11 : i32
        %broadcast_in_dim3A_407 = vector.broadcast %broadcast_in_dim3A_406 : i32 to vector<16xi32>
        tpu.vector_store_idx %arg13[%iota3A, %broadcast_in_dim3A_407], %get3A_405 : memref<16x17xf32, #tpu.memory_space<vmem>>[vector<16xi32>, vector<16xi32>], vector<16xf32>,
        %add3A_408 = arith.constant 12 : i32
        %add3A_409 = arith.addi %mul3A_101, %add3A_408 : i32
        %get3A_410 = arith.index_cast %add3A_409 : i32 to index
        %get3A_411 = arith.constant 32 : index
        %get3A_412 = tpu.vector_load %arg7[%get3A_410, %get3A_411] {strides = array<i32>} : memref<128x64xf32, #tpu.memory_space<vmem>>, vector<16xf32>,
        %broadcast_in_dim3A_413 = arith.constant 12 : i32
        %broadcast_in_dim3A_414 = vector.broadcast %broadcast_in_dim3A_413 : i32 to vector<16xi32>
        tpu.vector_store_idx %arg13[%iota3A, %broadcast_in_dim3A_414], %get3A_412 : memref<16x17xf32, #tpu.memory_space<vmem>>[vector<16xi32>, vector<16xi32>], vector<16xf32>,
        %add3A_415 = arith.constant 13 : i32
        %add3A_416 = arith.addi %mul3A_101, %add3A_415 : i32
        %get3A_417 = arith.index_cast %add3A_416 : i32 to index
        %get3A_418 = arith.constant 32 : index
        %get3A_419 = tpu.vector_load %arg7[%get3A_417, %get3A_418] {strides = array<i32>} : memref<128x64xf32, #tpu.memory_space<vmem>>, vector<16xf32>,
        %broadcast_in_dim3A_420 = arith.constant 13 : i32
        %broadcast_in_dim3A_421 = vector.broadcast %broadcast_in_dim3A_420 : i32 to vector<16xi32>
        tpu.vector_store_idx %arg13[%iota3A, %broadcast_in_dim3A_421], %get3A_419 : memref<16x17xf32, #tpu.memory_space<vmem>>[vector<16xi32>, vector<16xi32>], vector<16xf32>,
        %add3A_422 = arith.constant 14 : i32
        %add3A_423 = arith.addi %mul3A_101, %add3A_422 : i32
        %get3A_424 = arith.index_cast %add3A_423 : i32 to index
        %get3A_425 = arith.constant 32 : index
        %get3A_426 = tpu.vector_load %arg7[%get3A_424, %get3A_425] {strides = array<i32>} : memref<128x64xf32, #tpu.memory_space<vmem>>, vector<16xf32>,
        %broadcast_in_dim3A_427 = arith.constant 14 : i32
        %broadcast_in_dim3A_428 = vector.broadcast %broadcast_in_dim3A_427 : i32 to vector<16xi32>
        tpu.vector_store_idx %arg13[%iota3A, %broadcast_in_dim3A_428], %get3A_426 : memref<16x17xf32, #tpu.memory_space<vmem>>[vector<16xi32>, vector<16xi32>], vector<16xf32>,
        %add3A_429 = arith.constant 15 : i32
        %add3A_430 = arith.addi %mul3A_101, %add3A_429 : i32
        %get3A_431 = arith.index_cast %add3A_430 : i32 to index
        %get3A_432 = arith.constant 32 : index
        %get3A_433 = tpu.vector_load %arg7[%get3A_431, %get3A_432] {strides = array<i32>} : memref<128x64xf32, #tpu.memory_space<vmem>>, vector<16xf32>,
        %broadcast_in_dim3A_434 = arith.constant 15 : i32
        %broadcast_in_dim3A_435 = vector.broadcast %broadcast_in_dim3A_434 : i32 to vector<16xi32>
        tpu.vector_store_idx %arg13[%iota3A, %broadcast_in_dim3A_435], %get3A_433 : memref<16x17xf32, #tpu.memory_space<vmem>>[vector<16xi32>, vector<16xi32>], vector<16xf32>,
        %add3A_436 = arith.constant 0 : i32
        %add3A_437 = arith.addi %mul3A_101, %add3A_436 : i32
        %get3A_438 = arith.index_cast %add3A_437 : i32 to index
        %get3A_439 = arith.constant 48 : index
        %get3A_440 = tpu.vector_load %arg7[%get3A_438, %get3A_439] {strides = array<i32>} : memref<128x64xf32, #tpu.memory_space<vmem>>, vector<16xf32>,
        %broadcast_in_dim3A_441 = arith.constant 0 : i32
        %broadcast_in_dim3A_442 = vector.broadcast %broadcast_in_dim3A_441 : i32 to vector<16xi32>
        tpu.vector_store_idx %arg14[%iota3A, %broadcast_in_dim3A_442], %get3A_440 : memref<16x17xf32, #tpu.memory_space<vmem>>[vector<16xi32>, vector<16xi32>], vector<16xf32>,
        %add3A_443 = arith.constant 1 : i32
        %add3A_444 = arith.addi %mul3A_101, %add3A_443 : i32
        %get3A_445 = arith.index_cast %add3A_444 : i32 to index
        %get3A_446 = arith.constant 48 : index
        %get3A_447 = tpu.vector_load %arg7[%get3A_445, %get3A_446] {strides = array<i32>} : memref<128x64xf32, #tpu.memory_space<vmem>>, vector<16xf32>,
        %broadcast_in_dim3A_448 = arith.constant 1 : i32
        %broadcast_in_dim3A_449 = vector.broadcast %broadcast_in_dim3A_448 : i32 to vector<16xi32>
        tpu.vector_store_idx %arg14[%iota3A, %broadcast_in_dim3A_449], %get3A_447 : memref<16x17xf32, #tpu.memory_space<vmem>>[vector<16xi32>, vector<16xi32>], vector<16xf32>,
        %add3A_450 = arith.constant 2 : i32
        %add3A_451 = arith.addi %mul3A_101, %add3A_450 : i32
        %get3A_452 = arith.index_cast %add3A_451 : i32 to index
        %get3A_453 = arith.constant 48 : index
        %get3A_454 = tpu.vector_load %arg7[%get3A_452, %get3A_453] {strides = array<i32>} : memref<128x64xf32, #tpu.memory_space<vmem>>, vector<16xf32>,
        %broadcast_in_dim3A_455 = arith.constant 2 : i32
        %broadcast_in_dim3A_456 = vector.broadcast %broadcast_in_dim3A_455 : i32 to vector<16xi32>
        tpu.vector_store_idx %arg14[%iota3A, %broadcast_in_dim3A_456], %get3A_454 : memref<16x17xf32, #tpu.memory_space<vmem>>[vector<16xi32>, vector<16xi32>], vector<16xf32>,
        %add3A_457 = arith.constant 3 : i32
        %add3A_458 = arith.addi %mul3A_101, %add3A_457 : i32
        %get3A_459 = arith.index_cast %add3A_458 : i32 to index
        %get3A_460 = arith.constant 48 : index
        %get3A_461 = tpu.vector_load %arg7[%get3A_459, %get3A_460] {strides = array<i32>} : memref<128x64xf32, #tpu.memory_space<vmem>>, vector<16xf32>,
        %broadcast_in_dim3A_462 = arith.constant 3 : i32
        %broadcast_in_dim3A_463 = vector.broadcast %broadcast_in_dim3A_462 : i32 to vector<16xi32>
        tpu.vector_store_idx %arg14[%iota3A, %broadcast_in_dim3A_463], %get3A_461 : memref<16x17xf32, #tpu.memory_space<vmem>>[vector<16xi32>, vector<16xi32>], vector<16xf32>,
        %add3A_464 = arith.constant 4 : i32
        %add3A_465 = arith.addi %mul3A_101, %add3A_464 : i32
        %get3A_466 = arith.index_cast %add3A_465 : i32 to index
        %get3A_467 = arith.constant 48 : index
        %get3A_468 = tpu.vector_load %arg7[%get3A_466, %get3A_467] {strides = array<i32>} : memref<128x64xf32, #tpu.memory_space<vmem>>, vector<16xf32>,
        %broadcast_in_dim3A_469 = arith.constant 4 : i32
        %broadcast_in_dim3A_470 = vector.broadcast %broadcast_in_dim3A_469 : i32 to vector<16xi32>
        tpu.vector_store_idx %arg14[%iota3A, %broadcast_in_dim3A_470], %get3A_468 : memref<16x17xf32, #tpu.memory_space<vmem>>[vector<16xi32>, vector<16xi32>], vector<16xf32>,
        %add3A_471 = arith.constant 5 : i32
        %add3A_472 = arith.addi %mul3A_101, %add3A_471 : i32
        %get3A_473 = arith.index_cast %add3A_472 : i32 to index
        %get3A_474 = arith.constant 48 : index
        %get3A_475 = tpu.vector_load %arg7[%get3A_473, %get3A_474] {strides = array<i32>} : memref<128x64xf32, #tpu.memory_space<vmem>>, vector<16xf32>,
        %broadcast_in_dim3A_476 = arith.constant 5 : i32
        %broadcast_in_dim3A_477 = vector.broadcast %broadcast_in_dim3A_476 : i32 to vector<16xi32>
        tpu.vector_store_idx %arg14[%iota3A, %broadcast_in_dim3A_477], %get3A_475 : memref<16x17xf32, #tpu.memory_space<vmem>>[vector<16xi32>, vector<16xi32>], vector<16xf32>,
        %add3A_478 = arith.constant 6 : i32
        %add3A_479 = arith.addi %mul3A_101, %add3A_478 : i32
        %get3A_480 = arith.index_cast %add3A_479 : i32 to index
        %get3A_481 = arith.constant 48 : index
        %get3A_482 = tpu.vector_load %arg7[%get3A_480, %get3A_481] {strides = array<i32>} : memref<128x64xf32, #tpu.memory_space<vmem>>, vector<16xf32>,
        %broadcast_in_dim3A_483 = arith.constant 6 : i32
        %broadcast_in_dim3A_484 = vector.broadcast %broadcast_in_dim3A_483 : i32 to vector<16xi32>
        tpu.vector_store_idx %arg14[%iota3A, %broadcast_in_dim3A_484], %get3A_482 : memref<16x17xf32, #tpu.memory_space<vmem>>[vector<16xi32>, vector<16xi32>], vector<16xf32>,
        %add3A_485 = arith.constant 7 : i32
        %add3A_486 = arith.addi %mul3A_101, %add3A_485 : i32
        %get3A_487 = arith.index_cast %add3A_486 : i32 to index
        %get3A_488 = arith.constant 48 : index
        %get3A_489 = tpu.vector_load %arg7[%get3A_487, %get3A_488] {strides = array<i32>} : memref<128x64xf32, #tpu.memory_space<vmem>>, vector<16xf32>,
        %broadcast_in_dim3A_490 = arith.constant 7 : i32
        %broadcast_in_dim3A_491 = vector.broadcast %broadcast_in_dim3A_490 : i32 to vector<16xi32>
        tpu.vector_store_idx %arg14[%iota3A, %broadcast_in_dim3A_491], %get3A_489 : memref<16x17xf32, #tpu.memory_space<vmem>>[vector<16xi32>, vector<16xi32>], vector<16xf32>,
        %add3A_492 = arith.constant 8 : i32
        %add3A_493 = arith.addi %mul3A_101, %add3A_492 : i32
        %get3A_494 = arith.index_cast %add3A_493 : i32 to index
        %get3A_495 = arith.constant 48 : index
        %get3A_496 = tpu.vector_load %arg7[%get3A_494, %get3A_495] {strides = array<i32>} : memref<128x64xf32, #tpu.memory_space<vmem>>, vector<16xf32>,
        %broadcast_in_dim3A_497 = arith.constant 8 : i32
        %broadcast_in_dim3A_498 = vector.broadcast %broadcast_in_dim3A_497 : i32 to vector<16xi32>
        tpu.vector_store_idx %arg14[%iota3A, %broadcast_in_dim3A_498], %get3A_496 : memref<16x17xf32, #tpu.memory_space<vmem>>[vector<16xi32>, vector<16xi32>], vector<16xf32>,
        %add3A_499 = arith.constant 9 : i32
        %add3A_500 = arith.addi %mul3A_101, %add3A_499 : i32
        %get3A_501 = arith.index_cast %add3A_500 : i32 to index
        %get3A_502 = arith.constant 48 : index
        %get3A_503 = tpu.vector_load %arg7[%get3A_501, %get3A_502] {strides = array<i32>} : memref<128x64xf32, #tpu.memory_space<vmem>>, vector<16xf32>,
        %broadcast_in_dim3A_504 = arith.constant 9 : i32
        %broadcast_in_dim3A_505 = vector.broadcast %broadcast_in_dim3A_504 : i32 to vector<16xi32>
        tpu.vector_store_idx %arg14[%iota3A, %broadcast_in_dim3A_505], %get3A_503 : memref<16x17xf32, #tpu.memory_space<vmem>>[vector<16xi32>, vector<16xi32>], vector<16xf32>,
        %add3A_506 = arith.constant 10 : i32
        %add3A_507 = arith.addi %mul3A_101, %add3A_506 : i32
        %get3A_508 = arith.index_cast %add3A_507 : i32 to index
        %get3A_509 = arith.constant 48 : index
        %get3A_510 = tpu.vector_load %arg7[%get3A_508, %get3A_509] {strides = array<i32>} : memref<128x64xf32, #tpu.memory_space<vmem>>, vector<16xf32>,
        %broadcast_in_dim3A_511 = arith.constant 10 : i32
        %broadcast_in_dim3A_512 = vector.broadcast %broadcast_in_dim3A_511 : i32 to vector<16xi32>
        tpu.vector_store_idx %arg14[%iota3A, %broadcast_in_dim3A_512], %get3A_510 : memref<16x17xf32, #tpu.memory_space<vmem>>[vector<16xi32>, vector<16xi32>], vector<16xf32>,
        %add3A_513 = arith.constant 11 : i32
        %add3A_514 = arith.addi %mul3A_101, %add3A_513 : i32
        %get3A_515 = arith.index_cast %add3A_514 : i32 to index
        %get3A_516 = arith.constant 48 : index
        %get3A_517 = tpu.vector_load %arg7[%get3A_515, %get3A_516] {strides = array<i32>} : memref<128x64xf32, #tpu.memory_space<vmem>>, vector<16xf32>,
        %broadcast_in_dim3A_518 = arith.constant 11 : i32
        %broadcast_in_dim3A_519 = vector.broadcast %broadcast_in_dim3A_518 : i32 to vector<16xi32>
        tpu.vector_store_idx %arg14[%iota3A, %broadcast_in_dim3A_519], %get3A_517 : memref<16x17xf32, #tpu.memory_space<vmem>>[vector<16xi32>, vector<16xi32>], vector<16xf32>,
        %add3A_520 = arith.constant 12 : i32
        %add3A_521 = arith.addi %mul3A_101, %add3A_520 : i32
        %get3A_522 = arith.index_cast %add3A_521 : i32 to index
        %get3A_523 = arith.constant 48 : index
        %get3A_524 = tpu.vector_load %arg7[%get3A_522, %get3A_523] {strides = array<i32>} : memref<128x64xf32, #tpu.memory_space<vmem>>, vector<16xf32>,
        %broadcast_in_dim3A_525 = arith.constant 12 : i32
        %broadcast_in_dim3A_526 = vector.broadcast %broadcast_in_dim3A_525 : i32 to vector<16xi32>
        tpu.vector_store_idx %arg14[%iota3A, %broadcast_in_dim3A_526], %get3A_524 : memref<16x17xf32, #tpu.memory_space<vmem>>[vector<16xi32>, vector<16xi32>], vector<16xf32>,
        %add3A_527 = arith.constant 13 : i32
        %add3A_528 = arith.addi %mul3A_101, %add3A_527 : i32
        %get3A_529 = arith.index_cast %add3A_528 : i32 to index
        %get3A_530 = arith.constant 48 : index
        %get3A_531 = tpu.vector_load %arg7[%get3A_529, %get3A_530] {strides = array<i32>} : memref<128x64xf32, #tpu.memory_space<vmem>>, vector<16xf32>,
        %broadcast_in_dim3A_532 = arith.constant 13 : i32
        %broadcast_in_dim3A_533 = vector.broadcast %broadcast_in_dim3A_532 : i32 to vector<16xi32>
        tpu.vector_store_idx %arg14[%iota3A, %broadcast_in_dim3A_533], %get3A_531 : memref<16x17xf32, #tpu.memory_space<vmem>>[vector<16xi32>, vector<16xi32>], vector<16xf32>,
        %add3A_534 = arith.constant 14 : i32
        %add3A_535 = arith.addi %mul3A_101, %add3A_534 : i32
        %get3A_536 = arith.index_cast %add3A_535 : i32 to index
        %get3A_537 = arith.constant 48 : index
        %get3A_538 = tpu.vector_load %arg7[%get3A_536, %get3A_537] {strides = array<i32>} : memref<128x64xf32, #tpu.memory_space<vmem>>, vector<16xf32>,
        %broadcast_in_dim3A_539 = arith.constant 14 : i32
        %broadcast_in_dim3A_540 = vector.broadcast %broadcast_in_dim3A_539 : i32 to vector<16xi32>
        tpu.vector_store_idx %arg14[%iota3A, %broadcast_in_dim3A_540], %get3A_538 : memref<16x17xf32, #tpu.memory_space<vmem>>[vector<16xi32>, vector<16xi32>], vector<16xf32>,
        %add3A_541 = arith.constant 15 : i32
        %add3A_542 = arith.addi %mul3A_101, %add3A_541 : i32
        %get3A_543 = arith.index_cast %add3A_542 : i32 to index
        %get3A_544 = arith.constant 48 : index
        %get3A_545 = tpu.vector_load %arg7[%get3A_543, %get3A_544] {strides = array<i32>} : memref<128x64xf32, #tpu.memory_space<vmem>>, vector<16xf32>,
        %broadcast_in_dim3A_546 = arith.constant 15 : i32
        %broadcast_in_dim3A_547 = vector.broadcast %broadcast_in_dim3A_546 : i32 to vector<16xi32>
        tpu.vector_store_idx %arg14[%iota3A, %broadcast_in_dim3A_547], %get3A_545 : memref<16x17xf32, #tpu.memory_space<vmem>>[vector<16xi32>, vector<16xi32>], vector<16xf32>,
        %get3A_548 = arith.constant 0 : i32
        %get3A_549 = arith.index_cast %get3A_548 : i32 to index
        %get3A_550 = arith.constant 0 : index
        %get3A_551 = tpu.vector_load %arg11[%get3A_549, %get3A_550] {strides = array<i32>} : memref<16x17xf32, #tpu.memory_space<vmem>>, vector<16xf32>,
        %swap3A = arith.constant 0 : i32
        %swap3A_552 = arith.constant 0 : i32
        %swap3A_553 = arith.index_cast %swap3A : i32 to index
        %swap3A_554 = arith.index_cast %swap3A_552 : i32 to index
        %swap3A_555 = arith.index_cast %mul3A_101 : i32 to index
        %swap3A_556 = tpu.vector_load %arg9[%swap3A_553, %swap3A_554, %swap3A_555] {strides = array<i32>} : memref<8x8x128xf32, #tpu.memory_space<vmem>>, vector<16xf32>,
        tpu.vector_store %arg9[%swap3A_553, %swap3A_554, %swap3A_555], %get3A_551 {strides = array<i32>} : memref<8x8x128xf32, #tpu.memory_space<vmem>>, vector<16xf32>,
        %get3A_557 = arith.constant 1 : i32
        %get3A_558 = arith.index_cast %get3A_557 : i32 to index
        %get3A_559 = arith.constant 0 : index
        %get3A_560 = tpu.vector_load %arg11[%get3A_558, %get3A_559] {strides = array<i32>} : memref<16x17xf32, #tpu.memory_space<vmem>>, vector<16xf32>,
        %swap3A_561 = arith.constant 0 : i32
        %swap3A_562 = arith.constant 1 : i32
        %swap3A_563 = arith.index_cast %swap3A_561 : i32 to index
        %swap3A_564 = arith.index_cast %swap3A_562 : i32 to index
        %swap3A_565 = arith.index_cast %mul3A_101 : i32 to index
        %swap3A_566 = tpu.vector_load %arg9[%swap3A_563, %swap3A_564, %swap3A_565] {strides = array<i32>} : memref<8x8x128xf32, #tpu.memory_space<vmem>>, vector<16xf32>,
        tpu.vector_store %arg9[%swap3A_563, %swap3A_564, %swap3A_565], %get3A_560 {strides = array<i32>} : memref<8x8x128xf32, #tpu.memory_space<vmem>>, vector<16xf32>,
        %get3A_567 = arith.constant 2 : i32
        %get3A_568 = arith.index_cast %get3A_567 : i32 to index
        %get3A_569 = arith.constant 0 : index
        %get3A_570 = tpu.vector_load %arg11[%get3A_568, %get3A_569] {strides = array<i32>} : memref<16x17xf32, #tpu.memory_space<vmem>>, vector<16xf32>,
        %swap3A_571 = arith.constant 0 : i32
        %swap3A_572 = arith.constant 2 : i32
        %swap3A_573 = arith.index_cast %swap3A_571 : i32 to index
        %swap3A_574 = arith.index_cast %swap3A_572 : i32 to index
        %swap3A_575 = arith.index_cast %mul3A_101 : i32 to index
        %swap3A_576 = tpu.vector_load %arg9[%swap3A_573, %swap3A_574, %swap3A_575] {strides = array<i32>} : memref<8x8x128xf32, #tpu.memory_space<vmem>>, vector<16xf32>,
        tpu.vector_store %arg9[%swap3A_573, %swap3A_574, %swap3A_575], %get3A_570 {strides = array<i32>} : memref<8x8x128xf32, #tpu.memory_space<vmem>>, vector<16xf32>,
        %get3A_577 = arith.constant 3 : i32
        %get3A_578 = arith.index_cast %get3A_577 : i32 to index
        %get3A_579 = arith.constant 0 : index
        %get3A_580 = tpu.vector_load %arg11[%get3A_578, %get3A_579] {strides = array<i32>} : memref<16x17xf32, #tpu.memory_space<vmem>>, vector<16xf32>,
        %swap3A_581 = arith.constant 0 : i32
        %swap3A_582 = arith.constant 3 : i32
        %swap3A_583 = arith.index_cast %swap3A_581 : i32 to index
        %swap3A_584 = arith.index_cast %swap3A_582 : i32 to index
        %swap3A_585 = arith.index_cast %mul3A_101 : i32 to index
        %swap3A_586 = tpu.vector_load %arg9[%swap3A_583, %swap3A_584, %swap3A_585] {strides = array<i32>} : memref<8x8x128xf32, #tpu.memory_space<vmem>>, vector<16xf32>,
        tpu.vector_store %arg9[%swap3A_583, %swap3A_584, %swap3A_585], %get3A_580 {strides = array<i32>} : memref<8x8x128xf32, #tpu.memory_space<vmem>>, vector<16xf32>,
        %get3A_587 = arith.constant 4 : i32
        %get3A_588 = arith.index_cast %get3A_587 : i32 to index
        %get3A_589 = arith.constant 0 : index
        %get3A_590 = tpu.vector_load %arg11[%get3A_588, %get3A_589] {strides = array<i32>} : memref<16x17xf32, #tpu.memory_space<vmem>>, vector<16xf32>,
        %swap3A_591 = arith.constant 0 : i32
        %swap3A_592 = arith.constant 4 : i32
        %swap3A_593 = arith.index_cast %swap3A_591 : i32 to index
        %swap3A_594 = arith.index_cast %swap3A_592 : i32 to index
        %swap3A_595 = arith.index_cast %mul3A_101 : i32 to index
        %swap3A_596 = tpu.vector_load %arg9[%swap3A_593, %swap3A_594, %swap3A_595] {strides = array<i32>} : memref<8x8x128xf32, #tpu.memory_space<vmem>>, vector<16xf32>,
        tpu.vector_store %arg9[%swap3A_593, %swap3A_594, %swap3A_595], %get3A_590 {strides = array<i32>} : memref<8x8x128xf32, #tpu.memory_space<vmem>>, vector<16xf32>,
        %get3A_597 = arith.constant 5 : i32
        %get3A_598 = arith.index_cast %get3A_597 : i32 to index
        %get3A_599 = arith.constant 0 : index
        %get3A_600 = tpu.vector_load %arg11[%get3A_598, %get3A_599] {strides = array<i32>} : memref<16x17xf32, #tpu.memory_space<vmem>>, vector<16xf32>,
        %swap3A_601 = arith.constant 0 : i32
        %swap3A_602 = arith.constant 5 : i32
        %swap3A_603 = arith.index_cast %swap3A_601 : i32 to index
        %swap3A_604 = arith.index_cast %swap3A_602 : i32 to index
        %swap3A_605 = arith.index_cast %mul3A_101 : i32 to index
        %swap3A_606 = tpu.vector_load %arg9[%swap3A_603, %swap3A_604, %swap3A_605] {strides = array<i32>} : memref<8x8x128xf32, #tpu.memory_space<vmem>>, vector<16xf32>,
        tpu.vector_store %arg9[%swap3A_603, %swap3A_604, %swap3A_605], %get3A_600 {strides = array<i32>} : memref<8x8x128xf32, #tpu.memory_space<vmem>>, vector<16xf32>,
        %get3A_607 = arith.constant 6 : i32
        %get3A_608 = arith.index_cast %get3A_607 : i32 to index
        %get3A_609 = arith.constant 0 : index
        %get3A_610 = tpu.vector_load %arg11[%get3A_608, %get3A_609] {strides = array<i32>} : memref<16x17xf32, #tpu.memory_space<vmem>>, vector<16xf32>,
        %swap3A_611 = arith.constant 0 : i32
        %swap3A_612 = arith.constant 6 : i32
        %swap3A_613 = arith.index_cast %swap3A_611 : i32 to index
        %swap3A_614 = arith.index_cast %swap3A_612 : i32 to index
        %swap3A_615 = arith.index_cast %mul3A_101 : i32 to index
        %swap3A_616 = tpu.vector_load %arg9[%swap3A_613, %swap3A_614, %swap3A_615] {strides = array<i32>} : memref<8x8x128xf32, #tpu.memory_space<vmem>>, vector<16xf32>,
        tpu.vector_store %arg9[%swap3A_613, %swap3A_614, %swap3A_615], %get3A_610 {strides = array<i32>} : memref<8x8x128xf32, #tpu.memory_space<vmem>>, vector<16xf32>,
        %get3A_617 = arith.constant 7 : i32
        %get3A_618 = arith.index_cast %get3A_617 : i32 to index
        %get3A_619 = arith.constant 0 : index
        %get3A_620 = tpu.vector_load %arg11[%get3A_618, %get3A_619] {strides = array<i32>} : memref<16x17xf32, #tpu.memory_space<vmem>>, vector<16xf32>,
        %swap3A_621 = arith.constant 0 : i32
        %swap3A_622 = arith.constant 7 : i32
        %swap3A_623 = arith.index_cast %swap3A_621 : i32 to index
        %swap3A_624 = arith.index_cast %swap3A_622 : i32 to index
        %swap3A_625 = arith.index_cast %mul3A_101 : i32 to index
        %swap3A_626 = tpu.vector_load %arg9[%swap3A_623, %swap3A_624, %swap3A_625] {strides = array<i32>} : memref<8x8x128xf32, #tpu.memory_space<vmem>>, vector<16xf32>,
        tpu.vector_store %arg9[%swap3A_623, %swap3A_624, %swap3A_625], %get3A_620 {strides = array<i32>} : memref<8x8x128xf32, #tpu.memory_space<vmem>>, vector<16xf32>,
        %get3A_627 = arith.constant 8 : i32
        %get3A_628 = arith.index_cast %get3A_627 : i32 to index
        %get3A_629 = arith.constant 0 : index
        %get3A_630 = tpu.vector_load %arg11[%get3A_628, %get3A_629] {strides = array<i32>} : memref<16x17xf32, #tpu.memory_space<vmem>>, vector<16xf32>,
        %swap3A_631 = arith.constant 1 : i32
        %swap3A_632 = arith.constant 0 : i32
        %swap3A_633 = arith.index_cast %swap3A_631 : i32 to index
        %swap3A_634 = arith.index_cast %swap3A_632 : i32 to index
        %swap3A_635 = arith.index_cast %mul3A_101 : i32 to index
        %swap3A_636 = tpu.vector_load %arg9[%swap3A_633, %swap3A_634, %swap3A_635] {strides = array<i32>} : memref<8x8x128xf32, #tpu.memory_space<vmem>>, vector<16xf32>,
        tpu.vector_store %arg9[%swap3A_633, %swap3A_634, %swap3A_635], %get3A_630 {strides = array<i32>} : memref<8x8x128xf32, #tpu.memory_space<vmem>>, vector<16xf32>,
        %get3A_637 = arith.constant 9 : i32
        %get3A_638 = arith.index_cast %get3A_637 : i32 to index
        %get3A_639 = arith.constant 0 : index
        %get3A_640 = tpu.vector_load %arg11[%get3A_638, %get3A_639] {strides = array<i32>} : memref<16x17xf32, #tpu.memory_space<vmem>>, vector<16xf32>,
        %swap3A_641 = arith.constant 1 : i32
        %swap3A_642 = arith.constant 1 : i32
        %swap3A_643 = arith.index_cast %swap3A_641 : i32 to index
        %swap3A_644 = arith.index_cast %swap3A_642 : i32 to index
        %swap3A_645 = arith.index_cast %mul3A_101 : i32 to index
        %swap3A_646 = tpu.vector_load %arg9[%swap3A_643, %swap3A_644, %swap3A_645] {strides = array<i32>} : memref<8x8x128xf32, #tpu.memory_space<vmem>>, vector<16xf32>,
        tpu.vector_store %arg9[%swap3A_643, %swap3A_644, %swap3A_645], %get3A_640 {strides = array<i32>} : memref<8x8x128xf32, #tpu.memory_space<vmem>>, vector<16xf32>,
        %get3A_647 = arith.constant 10 : i32
        %get3A_648 = arith.index_cast %get3A_647 : i32 to index
        %get3A_649 = arith.constant 0 : index
        %get3A_650 = tpu.vector_load %arg11[%get3A_648, %get3A_649] {strides = array<i32>} : memref<16x17xf32, #tpu.memory_space<vmem>>, vector<16xf32>,
        %swap3A_651 = arith.constant 1 : i32
        %swap3A_652 = arith.constant 2 : i32
        %swap3A_653 = arith.index_cast %swap3A_651 : i32 to index
        %swap3A_654 = arith.index_cast %swap3A_652 : i32 to index
        %swap3A_655 = arith.index_cast %mul3A_101 : i32 to index
        %swap3A_656 = tpu.vector_load %arg9[%swap3A_653, %swap3A_654, %swap3A_655] {strides = array<i32>} : memref<8x8x128xf32, #tpu.memory_space<vmem>>, vector<16xf32>,
        tpu.vector_store %arg9[%swap3A_653, %swap3A_654, %swap3A_655], %get3A_650 {strides = array<i32>} : memref<8x8x128xf32, #tpu.memory_space<vmem>>, vector<16xf32>,
        %get3A_657 = arith.constant 11 : i32
        %get3A_658 = arith.index_cast %get3A_657 : i32 to index
        %get3A_659 = arith.constant 0 : index
        %get3A_660 = tpu.vector_load %arg11[%get3A_658, %get3A_659] {strides = array<i32>} : memref<16x17xf32, #tpu.memory_space<vmem>>, vector<16xf32>,
        %swap3A_661 = arith.constant 1 : i32
        %swap3A_662 = arith.constant 3 : i32
        %swap3A_663 = arith.index_cast %swap3A_661 : i32 to index
        %swap3A_664 = arith.index_cast %swap3A_662 : i32 to index
        %swap3A_665 = arith.index_cast %mul3A_101 : i32 to index
        %swap3A_666 = tpu.vector_load %arg9[%swap3A_663, %swap3A_664, %swap3A_665] {strides = array<i32>} : memref<8x8x128xf32, #tpu.memory_space<vmem>>, vector<16xf32>,
        tpu.vector_store %arg9[%swap3A_663, %swap3A_664, %swap3A_665], %get3A_660 {strides = array<i32>} : memref<8x8x128xf32, #tpu.memory_space<vmem>>, vector<16xf32>,
        %get3A_667 = arith.constant 12 : i32
        %get3A_668 = arith.index_cast %get3A_667 : i32 to index
        %get3A_669 = arith.constant 0 : index
        %get3A_670 = tpu.vector_load %arg11[%get3A_668, %get3A_669] {strides = array<i32>} : memref<16x17xf32, #tpu.memory_space<vmem>>, vector<16xf32>,
        %swap3A_671 = arith.constant 1 : i32
        %swap3A_672 = arith.constant 4 : i32
        %swap3A_673 = arith.index_cast %swap3A_671 : i32 to index
        %swap3A_674 = arith.index_cast %swap3A_672 : i32 to index
        %swap3A_675 = arith.index_cast %mul3A_101 : i32 to index
        %swap3A_676 = tpu.vector_load %arg9[%swap3A_673, %swap3A_674, %swap3A_675] {strides = array<i32>} : memref<8x8x128xf32, #tpu.memory_space<vmem>>, vector<16xf32>,
        tpu.vector_store %arg9[%swap3A_673, %swap3A_674, %swap3A_675], %get3A_670 {strides = array<i32>} : memref<8x8x128xf32, #tpu.memory_space<vmem>>, vector<16xf32>,
        %get3A_677 = arith.constant 13 : i32
        %get3A_678 = arith.index_cast %get3A_677 : i32 to index
        %get3A_679 = arith.constant 0 : index
        %get3A_680 = tpu.vector_load %arg11[%get3A_678, %get3A_679] {strides = array<i32>} : memref<16x17xf32, #tpu.memory_space<vmem>>, vector<16xf32>,
        %swap3A_681 = arith.constant 1 : i32
        %swap3A_682 = arith.constant 5 : i32
        %swap3A_683 = arith.index_cast %swap3A_681 : i32 to index
        %swap3A_684 = arith.index_cast %swap3A_682 : i32 to index
        %swap3A_685 = arith.index_cast %mul3A_101 : i32 to index
        %swap3A_686 = tpu.vector_load %arg9[%swap3A_683, %swap3A_684, %swap3A_685] {strides = array<i32>} : memref<8x8x128xf32, #tpu.memory_space<vmem>>, vector<16xf32>,
        tpu.vector_store %arg9[%swap3A_683, %swap3A_684, %swap3A_685], %get3A_680 {strides = array<i32>} : memref<8x8x128xf32, #tpu.memory_space<vmem>>, vector<16xf32>,
        %get3A_687 = arith.constant 14 : i32
        %get3A_688 = arith.index_cast %get3A_687 : i32 to index
        %get3A_689 = arith.constant 0 : index
        %get3A_690 = tpu.vector_load %arg11[%get3A_688, %get3A_689] {strides = array<i32>} : memref<16x17xf32, #tpu.memory_space<vmem>>, vector<16xf32>,
        %swap3A_691 = arith.constant 1 : i32
        %swap3A_692 = arith.constant 6 : i32
        %swap3A_693 = arith.index_cast %swap3A_691 : i32 to index
        %swap3A_694 = arith.index_cast %swap3A_692 : i32 to index
        %swap3A_695 = arith.index_cast %mul3A_101 : i32 to index
        %swap3A_696 = tpu.vector_load %arg9[%swap3A_693, %swap3A_694, %swap3A_695] {strides = array<i32>} : memref<8x8x128xf32, #tpu.memory_space<vmem>>, vector<16xf32>,
        tpu.vector_store %arg9[%swap3A_693, %swap3A_694, %swap3A_695], %get3A_690 {strides = array<i32>} : memref<8x8x128xf32, #tpu.memory_space<vmem>>, vector<16xf32>,
        %get3A_697 = arith.constant 15 : i32
        %get3A_698 = arith.index_cast %get3A_697 : i32 to index
        %get3A_699 = arith.constant 0 : index
        %get3A_700 = tpu.vector_load %arg11[%get3A_698, %get3A_699] {strides = array<i32>} : memref<16x17xf32, #tpu.memory_space<vmem>>, vector<16xf32>,
        %swap3A_701 = arith.constant 1 : i32
        %swap3A_702 = arith.constant 7 : i32
        %swap3A_703 = arith.index_cast %swap3A_701 : i32 to index
        %swap3A_704 = arith.index_cast %swap3A_702 : i32 to index
        %swap3A_705 = arith.index_cast %mul3A_101 : i32 to index
        %swap3A_706 = tpu.vector_load %arg9[%swap3A_703, %swap3A_704, %swap3A_705] {strides = array<i32>} : memref<8x8x128xf32, #tpu.memory_space<vmem>>, vector<16xf32>,
        tpu.vector_store %arg9[%swap3A_703, %swap3A_704, %swap3A_705], %get3A_700 {strides = array<i32>} : memref<8x8x128xf32, #tpu.memory_space<vmem>>, vector<16xf32>,
        %get3A_707 = arith.constant 0 : i32
        %get3A_708 = arith.index_cast %get3A_707 : i32 to index
        %get3A_709 = arith.constant 0 : index
        %get3A_710 = tpu.vector_load %arg12[%get3A_708, %get3A_709] {strides = array<i32>} : memref<16x17xf32, #tpu.memory_space<vmem>>, vector<16xf32>,
        %swap3A_711 = arith.constant 2 : i32
        %swap3A_712 = arith.constant 0 : i32
        %swap3A_713 = arith.index_cast %swap3A_711 : i32 to index
        %swap3A_714 = arith.index_cast %swap3A_712 : i32 to index
        %swap3A_715 = arith.index_cast %mul3A_101 : i32 to index
        %swap3A_716 = tpu.vector_load %arg9[%swap3A_713, %swap3A_714, %swap3A_715] {strides = array<i32>} : memref<8x8x128xf32, #tpu.memory_space<vmem>>, vector<16xf32>,
        tpu.vector_store %arg9[%swap3A_713, %swap3A_714, %swap3A_715], %get3A_710 {strides = array<i32>} : memref<8x8x128xf32, #tpu.memory_space<vmem>>, vector<16xf32>,
        %get3A_717 = arith.constant 1 : i32
        %get3A_718 = arith.index_cast %get3A_717 : i32 to index
        %get3A_719 = arith.constant 0 : index
        %get3A_720 = tpu.vector_load %arg12[%get3A_718, %get3A_719] {strides = array<i32>} : memref<16x17xf32, #tpu.memory_space<vmem>>, vector<16xf32>,
        %swap3A_721 = arith.constant 2 : i32
        %swap3A_722 = arith.constant 1 : i32
        %swap3A_723 = arith.index_cast %swap3A_721 : i32 to index
        %swap3A_724 = arith.index_cast %swap3A_722 : i32 to index
        %swap3A_725 = arith.index_cast %mul3A_101 : i32 to index
        %swap3A_726 = tpu.vector_load %arg9[%swap3A_723, %swap3A_724, %swap3A_725] {strides = array<i32>} : memref<8x8x128xf32, #tpu.memory_space<vmem>>, vector<16xf32>,
        tpu.vector_store %arg9[%swap3A_723, %swap3A_724, %swap3A_725], %get3A_720 {strides = array<i32>} : memref<8x8x128xf32, #tpu.memory_space<vmem>>, vector<16xf32>,
        %get3A_727 = arith.constant 2 : i32
        %get3A_728 = arith.index_cast %get3A_727 : i32 to index
        %get3A_729 = arith.constant 0 : index
        %get3A_730 = tpu.vector_load %arg12[%get3A_728, %get3A_729] {strides = array<i32>} : memref<16x17xf32, #tpu.memory_space<vmem>>, vector<16xf32>,
        %swap3A_731 = arith.constant 2 : i32
        %swap3A_732 = arith.constant 2 : i32
        %swap3A_733 = arith.index_cast %swap3A_731 : i32 to index
        %swap3A_734 = arith.index_cast %swap3A_732 : i32 to index
        %swap3A_735 = arith.index_cast %mul3A_101 : i32 to index
        %swap3A_736 = tpu.vector_load %arg9[%swap3A_733, %swap3A_734, %swap3A_735] {strides = array<i32>} : memref<8x8x128xf32, #tpu.memory_space<vmem>>, vector<16xf32>,
        tpu.vector_store %arg9[%swap3A_733, %swap3A_734, %swap3A_735], %get3A_730 {strides = array<i32>} : memref<8x8x128xf32, #tpu.memory_space<vmem>>, vector<16xf32>,
        %get3A_737 = arith.constant 3 : i32
        %get3A_738 = arith.index_cast %get3A_737 : i32 to index
        %get3A_739 = arith.constant 0 : index
        %get3A_740 = tpu.vector_load %arg12[%get3A_738, %get3A_739] {strides = array<i32>} : memref<16x17xf32, #tpu.memory_space<vmem>>, vector<16xf32>,
        %swap3A_741 = arith.constant 2 : i32
        %swap3A_742 = arith.constant 3 : i32
        %swap3A_743 = arith.index_cast %swap3A_741 : i32 to index
        %swap3A_744 = arith.index_cast %swap3A_742 : i32 to index
        %swap3A_745 = arith.index_cast %mul3A_101 : i32 to index
        %swap3A_746 = tpu.vector_load %arg9[%swap3A_743, %swap3A_744, %swap3A_745] {strides = array<i32>} : memref<8x8x128xf32, #tpu.memory_space<vmem>>, vector<16xf32>,
        tpu.vector_store %arg9[%swap3A_743, %swap3A_744, %swap3A_745], %get3A_740 {strides = array<i32>} : memref<8x8x128xf32, #tpu.memory_space<vmem>>, vector<16xf32>,
        %get3A_747 = arith.constant 4 : i32
        %get3A_748 = arith.index_cast %get3A_747 : i32 to index
        %get3A_749 = arith.constant 0 : index
        %get3A_750 = tpu.vector_load %arg12[%get3A_748, %get3A_749] {strides = array<i32>} : memref<16x17xf32, #tpu.memory_space<vmem>>, vector<16xf32>,
        %swap3A_751 = arith.constant 2 : i32
        %swap3A_752 = arith.constant 4 : i32
        %swap3A_753 = arith.index_cast %swap3A_751 : i32 to index
        %swap3A_754 = arith.index_cast %swap3A_752 : i32 to index
        %swap3A_755 = arith.index_cast %mul3A_101 : i32 to index
        %swap3A_756 = tpu.vector_load %arg9[%swap3A_753, %swap3A_754, %swap3A_755] {strides = array<i32>} : memref<8x8x128xf32, #tpu.memory_space<vmem>>, vector<16xf32>,
        tpu.vector_store %arg9[%swap3A_753, %swap3A_754, %swap3A_755], %get3A_750 {strides = array<i32>} : memref<8x8x128xf32, #tpu.memory_space<vmem>>, vector<16xf32>,
        %get3A_757 = arith.constant 5 : i32
        %get3A_758 = arith.index_cast %get3A_757 : i32 to index
        %get3A_759 = arith.constant 0 : index
        %get3A_760 = tpu.vector_load %arg12[%get3A_758, %get3A_759] {strides = array<i32>} : memref<16x17xf32, #tpu.memory_space<vmem>>, vector<16xf32>,
        %swap3A_761 = arith.constant 2 : i32
        %swap3A_762 = arith.constant 5 : i32
        %swap3A_763 = arith.index_cast %swap3A_761 : i32 to index
        %swap3A_764 = arith.index_cast %swap3A_762 : i32 to index
        %swap3A_765 = arith.index_cast %mul3A_101 : i32 to index
        %swap3A_766 = tpu.vector_load %arg9[%swap3A_763, %swap3A_764, %swap3A_765] {strides = array<i32>} : memref<8x8x128xf32, #tpu.memory_space<vmem>>, vector<16xf32>,
        tpu.vector_store %arg9[%swap3A_763, %swap3A_764, %swap3A_765], %get3A_760 {strides = array<i32>} : memref<8x8x128xf32, #tpu.memory_space<vmem>>, vector<16xf32>,
        %get3A_767 = arith.constant 6 : i32
        %get3A_768 = arith.index_cast %get3A_767 : i32 to index
        %get3A_769 = arith.constant 0 : index
        %get3A_770 = tpu.vector_load %arg12[%get3A_768, %get3A_769] {strides = array<i32>} : memref<16x17xf32, #tpu.memory_space<vmem>>, vector<16xf32>,
        %swap3A_771 = arith.constant 2 : i32
        %swap3A_772 = arith.constant 6 : i32
        %swap3A_773 = arith.index_cast %swap3A_771 : i32 to index
        %swap3A_774 = arith.index_cast %swap3A_772 : i32 to index
        %swap3A_775 = arith.index_cast %mul3A_101 : i32 to index
        %swap3A_776 = tpu.vector_load %arg9[%swap3A_773, %swap3A_774, %swap3A_775] {strides = array<i32>} : memref<8x8x128xf32, #tpu.memory_space<vmem>>, vector<16xf32>,
        tpu.vector_store %arg9[%swap3A_773, %swap3A_774, %swap3A_775], %get3A_770 {strides = array<i32>} : memref<8x8x128xf32, #tpu.memory_space<vmem>>, vector<16xf32>,
        %get3A_777 = arith.constant 7 : i32
        %get3A_778 = arith.index_cast %get3A_777 : i32 to index
        %get3A_779 = arith.constant 0 : index
        %get3A_780 = tpu.vector_load %arg12[%get3A_778, %get3A_779] {strides = array<i32>} : memref<16x17xf32, #tpu.memory_space<vmem>>, vector<16xf32>,
        %swap3A_781 = arith.constant 2 : i32
        %swap3A_782 = arith.constant 7 : i32
        %swap3A_783 = arith.index_cast %swap3A_781 : i32 to index
        %swap3A_784 = arith.index_cast %swap3A_782 : i32 to index
        %swap3A_785 = arith.index_cast %mul3A_101 : i32 to index
        %swap3A_786 = tpu.vector_load %arg9[%swap3A_783, %swap3A_784, %swap3A_785] {strides = array<i32>} : memref<8x8x128xf32, #tpu.memory_space<vmem>>, vector<16xf32>,
        tpu.vector_store %arg9[%swap3A_783, %swap3A_784, %swap3A_785], %get3A_780 {strides = array<i32>} : memref<8x8x128xf32, #tpu.memory_space<vmem>>, vector<16xf32>,
        %get3A_787 = arith.constant 8 : i32
        %get3A_788 = arith.index_cast %get3A_787 : i32 to index
        %get3A_789 = arith.constant 0 : index
        %get3A_790 = tpu.vector_load %arg12[%get3A_788, %get3A_789] {strides = array<i32>} : memref<16x17xf32, #tpu.memory_space<vmem>>, vector<16xf32>,
        %swap3A_791 = arith.constant 3 : i32
        %swap3A_792 = arith.constant 0 : i32
        %swap3A_793 = arith.index_cast %swap3A_791 : i32 to index
        %swap3A_794 = arith.index_cast %swap3A_792 : i32 to index
        %swap3A_795 = arith.index_cast %mul3A_101 : i32 to index
        %swap3A_796 = tpu.vector_load %arg9[%swap3A_793, %swap3A_794, %swap3A_795] {strides = array<i32>} : memref<8x8x128xf32, #tpu.memory_space<vmem>>, vector<16xf32>,
        tpu.vector_store %arg9[%swap3A_793, %swap3A_794, %swap3A_795], %get3A_790 {strides = array<i32>} : memref<8x8x128xf32, #tpu.memory_space<vmem>>, vector<16xf32>,
        %get3A_797 = arith.constant 9 : i32
        %get3A_798 = arith.index_cast %get3A_797 : i32 to index
        %get3A_799 = arith.constant 0 : index
        %get3A_800 = tpu.vector_load %arg12[%get3A_798, %get3A_799] {strides = array<i32>} : memref<16x17xf32, #tpu.memory_space<vmem>>, vector<16xf32>,
        %swap3A_801 = arith.constant 3 : i32
        %swap3A_802 = arith.constant 1 : i32
        %swap3A_803 = arith.index_cast %swap3A_801 : i32 to index
        %swap3A_804 = arith.index_cast %swap3A_802 : i32 to index
        %swap3A_805 = arith.index_cast %mul3A_101 : i32 to index
        %swap3A_806 = tpu.vector_load %arg9[%swap3A_803, %swap3A_804, %swap3A_805] {strides = array<i32>} : memref<8x8x128xf32, #tpu.memory_space<vmem>>, vector<16xf32>,
        tpu.vector_store %arg9[%swap3A_803, %swap3A_804, %swap3A_805], %get3A_800 {strides = array<i32>} : memref<8x8x128xf32, #tpu.memory_space<vmem>>, vector<16xf32>,
        %get3A_807 = arith.constant 10 : i32
        %get3A_808 = arith.index_cast %get3A_807 : i32 to index
        %get3A_809 = arith.constant 0 : index
        %get3A_810 = tpu.vector_load %arg12[%get3A_808, %get3A_809] {strides = array<i32>} : memref<16x17xf32, #tpu.memory_space<vmem>>, vector<16xf32>,
        %swap3A_811 = arith.constant 3 : i32
        %swap3A_812 = arith.constant 2 : i32
        %swap3A_813 = arith.index_cast %swap3A_811 : i32 to index
        %swap3A_814 = arith.index_cast %swap3A_812 : i32 to index
        %swap3A_815 = arith.index_cast %mul3A_101 : i32 to index
        %swap3A_816 = tpu.vector_load %arg9[%swap3A_813, %swap3A_814, %swap3A_815] {strides = array<i32>} : memref<8x8x128xf32, #tpu.memory_space<vmem>>, vector<16xf32>,
        tpu.vector_store %arg9[%swap3A_813, %swap3A_814, %swap3A_815], %get3A_810 {strides = array<i32>} : memref<8x8x128xf32, #tpu.memory_space<vmem>>, vector<16xf32>,
        %get3A_817 = arith.constant 11 : i32
        %get3A_818 = arith.index_cast %get3A_817 : i32 to index
        %get3A_819 = arith.constant 0 : index
        %get3A_820 = tpu.vector_load %arg12[%get3A_818, %get3A_819] {strides = array<i32>} : memref<16x17xf32, #tpu.memory_space<vmem>>, vector<16xf32>,
        %swap3A_821 = arith.constant 3 : i32
        %swap3A_822 = arith.constant 3 : i32
        %swap3A_823 = arith.index_cast %swap3A_821 : i32 to index
        %swap3A_824 = arith.index_cast %swap3A_822 : i32 to index
        %swap3A_825 = arith.index_cast %mul3A_101 : i32 to index
        %swap3A_826 = tpu.vector_load %arg9[%swap3A_823, %swap3A_824, %swap3A_825] {strides = array<i32>} : memref<8x8x128xf32, #tpu.memory_space<vmem>>, vector<16xf32>,
        tpu.vector_store %arg9[%swap3A_823, %swap3A_824, %swap3A_825], %get3A_820 {strides = array<i32>} : memref<8x8x128xf32, #tpu.memory_space<vmem>>, vector<16xf32>,
        %get3A_827 = arith.constant 12 : i32
        %get3A_828 = arith.index_cast %get3A_827 : i32 to index
        %get3A_829 = arith.constant 0 : index
        %get3A_830 = tpu.vector_load %arg12[%get3A_828, %get3A_829] {strides = array<i32>} : memref<16x17xf32, #tpu.memory_space<vmem>>, vector<16xf32>,
        %swap3A_831 = arith.constant 3 : i32
        %swap3A_832 = arith.constant 4 : i32
        %swap3A_833 = arith.index_cast %swap3A_831 : i32 to index
        %swap3A_834 = arith.index_cast %swap3A_832 : i32 to index
        %swap3A_835 = arith.index_cast %mul3A_101 : i32 to index
        %swap3A_836 = tpu.vector_load %arg9[%swap3A_833, %swap3A_834, %swap3A_835] {strides = array<i32>} : memref<8x8x128xf32, #tpu.memory_space<vmem>>, vector<16xf32>,
        tpu.vector_store %arg9[%swap3A_833, %swap3A_834, %swap3A_835], %get3A_830 {strides = array<i32>} : memref<8x8x128xf32, #tpu.memory_space<vmem>>, vector<16xf32>,
        %get3A_837 = arith.constant 13 : i32
        %get3A_838 = arith.index_cast %get3A_837 : i32 to index
        %get3A_839 = arith.constant 0 : index
        %get3A_840 = tpu.vector_load %arg12[%get3A_838, %get3A_839] {strides = array<i32>} : memref<16x17xf32, #tpu.memory_space<vmem>>, vector<16xf32>,
        %swap3A_841 = arith.constant 3 : i32
        %swap3A_842 = arith.constant 5 : i32
        %swap3A_843 = arith.index_cast %swap3A_841 : i32 to index
        %swap3A_844 = arith.index_cast %swap3A_842 : i32 to index
        %swap3A_845 = arith.index_cast %mul3A_101 : i32 to index
        %swap3A_846 = tpu.vector_load %arg9[%swap3A_843, %swap3A_844, %swap3A_845] {strides = array<i32>} : memref<8x8x128xf32, #tpu.memory_space<vmem>>, vector<16xf32>,
        tpu.vector_store %arg9[%swap3A_843, %swap3A_844, %swap3A_845], %get3A_840 {strides = array<i32>} : memref<8x8x128xf32, #tpu.memory_space<vmem>>, vector<16xf32>,
        %get3A_847 = arith.constant 14 : i32
        %get3A_848 = arith.index_cast %get3A_847 : i32 to index
        %get3A_849 = arith.constant 0 : index
        %get3A_850 = tpu.vector_load %arg12[%get3A_848, %get3A_849] {strides = array<i32>} : memref<16x17xf32, #tpu.memory_space<vmem>>, vector<16xf32>,
        %swap3A_851 = arith.constant 3 : i32
        %swap3A_852 = arith.constant 6 : i32
        %swap3A_853 = arith.index_cast %swap3A_851 : i32 to index
        %swap3A_854 = arith.index_cast %swap3A_852 : i32 to index
        %swap3A_855 = arith.index_cast %mul3A_101 : i32 to index
        %swap3A_856 = tpu.vector_load %arg9[%swap3A_853, %swap3A_854, %swap3A_855] {strides = array<i32>} : memref<8x8x128xf32, #tpu.memory_space<vmem>>, vector<16xf32>,
        tpu.vector_store %arg9[%swap3A_853, %swap3A_854, %swap3A_855], %get3A_850 {strides = array<i32>} : memref<8x8x128xf32, #tpu.memory_space<vmem>>, vector<16xf32>,
        %get3A_857 = arith.constant 15 : i32
        %get3A_858 = arith.index_cast %get3A_857 : i32 to index
        %get3A_859 = arith.constant 0 : index
        %get3A_860 = tpu.vector_load %arg12[%get3A_858, %get3A_859] {strides = array<i32>} : memref<16x17xf32, #tpu.memory_space<vmem>>, vector<16xf32>,
        %swap3A_861 = arith.constant 3 : i32
        %swap3A_862 = arith.constant 7 : i32
        %swap3A_863 = arith.index_cast %swap3A_861 : i32 to index
        %swap3A_864 = arith.index_cast %swap3A_862 : i32 to index
        %swap3A_865 = arith.index_cast %mul3A_101 : i32 to index
        %swap3A_866 = tpu.vector_load %arg9[%swap3A_863, %swap3A_864, %swap3A_865] {strides = array<i32>} : memref<8x8x128xf32, #tpu.memory_space<vmem>>, vector<16xf32>,
        tpu.vector_store %arg9[%swap3A_863, %swap3A_864, %swap3A_865], %get3A_860 {strides = array<i32>} : memref<8x8x128xf32, #tpu.memory_space<vmem>>, vector<16xf32>,
        %get3A_867 = arith.constant 0 : i32
        %get3A_868 = arith.index_cast %get3A_867 : i32 to index
        %get3A_869 = arith.constant 0 : index
        %get3A_870 = tpu.vector_load %arg13[%get3A_868, %get3A_869] {strides = array<i32>} : memref<16x17xf32, #tpu.memory_space<vmem>>, vector<16xf32>,
        %swap3A_871 = arith.constant 4 : i32
        %swap3A_872 = arith.constant 0 : i32
        %swap3A_873 = arith.index_cast %swap3A_871 : i32 to index
        %swap3A_874 = arith.index_cast %swap3A_872 : i32 to index
        %swap3A_875 = arith.index_cast %mul3A_101 : i32 to index
        %swap3A_876 = tpu.vector_load %arg9[%swap3A_873, %swap3A_874, %swap3A_875] {strides = array<i32>} : memref<8x8x128xf32, #tpu.memory_space<vmem>>, vector<16xf32>,
        tpu.vector_store %arg9[%swap3A_873, %swap3A_874, %swap3A_875], %get3A_870 {strides = array<i32>} : memref<8x8x128xf32, #tpu.memory_space<vmem>>, vector<16xf32>,
        %get3A_877 = arith.constant 1 : i32
        %get3A_878 = arith.index_cast %get3A_877 : i32 to index
        %get3A_879 = arith.constant 0 : index
        %get3A_880 = tpu.vector_load %arg13[%get3A_878, %get3A_879] {strides = array<i32>} : memref<16x17xf32, #tpu.memory_space<vmem>>, vector<16xf32>,
        %swap3A_881 = arith.constant 4 : i32
        %swap3A_882 = arith.constant 1 : i32
        %swap3A_883 = arith.index_cast %swap3A_881 : i32 to index
        %swap3A_884 = arith.index_cast %swap3A_882 : i32 to index
        %swap3A_885 = arith.index_cast %mul3A_101 : i32 to index
        %swap3A_886 = tpu.vector_load %arg9[%swap3A_883, %swap3A_884, %swap3A_885] {strides = array<i32>} : memref<8x8x128xf32, #tpu.memory_space<vmem>>, vector<16xf32>,
        tpu.vector_store %arg9[%swap3A_883, %swap3A_884, %swap3A_885], %get3A_880 {strides = array<i32>} : memref<8x8x128xf32, #tpu.memory_space<vmem>>, vector<16xf32>,
        %get3A_887 = arith.constant 2 : i32
        %get3A_888 = arith.index_cast %get3A_887 : i32 to index
        %get3A_889 = arith.constant 0 : index
        %get3A_890 = tpu.vector_load %arg13[%get3A_888, %get3A_889] {strides = array<i32>} : memref<16x17xf32, #tpu.memory_space<vmem>>, vector<16xf32>,
        %swap3A_891 = arith.constant 4 : i32
        %swap3A_892 = arith.constant 2 : i32
        %swap3A_893 = arith.index_cast %swap3A_891 : i32 to index
        %swap3A_894 = arith.index_cast %swap3A_892 : i32 to index
        %swap3A_895 = arith.index_cast %mul3A_101 : i32 to index
        %swap3A_896 = tpu.vector_load %arg9[%swap3A_893, %swap3A_894, %swap3A_895] {strides = array<i32>} : memref<8x8x128xf32, #tpu.memory_space<vmem>>, vector<16xf32>,
        tpu.vector_store %arg9[%swap3A_893, %swap3A_894, %swap3A_895], %get3A_890 {strides = array<i32>} : memref<8x8x128xf32, #tpu.memory_space<vmem>>, vector<16xf32>,
        %get3A_897 = arith.constant 3 : i32
        %get3A_898 = arith.index_cast %get3A_897 : i32 to index
        %get3A_899 = arith.constant 0 : index
        %get3A_900 = tpu.vector_load %arg13[%get3A_898, %get3A_899] {strides = array<i32>} : memref<16x17xf32, #tpu.memory_space<vmem>>, vector<16xf32>,
        %swap3A_901 = arith.constant 4 : i32
        %swap3A_902 = arith.constant 3 : i32
        %swap3A_903 = arith.index_cast %swap3A_901 : i32 to index
        %swap3A_904 = arith.index_cast %swap3A_902 : i32 to index
        %swap3A_905 = arith.index_cast %mul3A_101 : i32 to index
        %swap3A_906 = tpu.vector_load %arg9[%swap3A_903, %swap3A_904, %swap3A_905] {strides = array<i32>} : memref<8x8x128xf32, #tpu.memory_space<vmem>>, vector<16xf32>,
        tpu.vector_store %arg9[%swap3A_903, %swap3A_904, %swap3A_905], %get3A_900 {strides = array<i32>} : memref<8x8x128xf32, #tpu.memory_space<vmem>>, vector<16xf32>,
        %get3A_907 = arith.constant 4 : i32
        %get3A_908 = arith.index_cast %get3A_907 : i32 to index
        %get3A_909 = arith.constant 0 : index
        %get3A_910 = tpu.vector_load %arg13[%get3A_908, %get3A_909] {strides = array<i32>} : memref<16x17xf32, #tpu.memory_space<vmem>>, vector<16xf32>,
        %swap3A_911 = arith.constant 4 : i32
        %swap3A_912 = arith.constant 4 : i32
        %swap3A_913 = arith.index_cast %swap3A_911 : i32 to index
        %swap3A_914 = arith.index_cast %swap3A_912 : i32 to index
        %swap3A_915 = arith.index_cast %mul3A_101 : i32 to index
        %swap3A_916 = tpu.vector_load %arg9[%swap3A_913, %swap3A_914, %swap3A_915] {strides = array<i32>} : memref<8x8x128xf32, #tpu.memory_space<vmem>>, vector<16xf32>,
        tpu.vector_store %arg9[%swap3A_913, %swap3A_914, %swap3A_915], %get3A_910 {strides = array<i32>} : memref<8x8x128xf32, #tpu.memory_space<vmem>>, vector<16xf32>,
        %get3A_917 = arith.constant 5 : i32
        %get3A_918 = arith.index_cast %get3A_917 : i32 to index
        %get3A_919 = arith.constant 0 : index
        %get3A_920 = tpu.vector_load %arg13[%get3A_918, %get3A_919] {strides = array<i32>} : memref<16x17xf32, #tpu.memory_space<vmem>>, vector<16xf32>,
        %swap3A_921 = arith.constant 4 : i32
        %swap3A_922 = arith.constant 5 : i32
        %swap3A_923 = arith.index_cast %swap3A_921 : i32 to index
        %swap3A_924 = arith.index_cast %swap3A_922 : i32 to index
        %swap3A_925 = arith.index_cast %mul3A_101 : i32 to index
        %swap3A_926 = tpu.vector_load %arg9[%swap3A_923, %swap3A_924, %swap3A_925] {strides = array<i32>} : memref<8x8x128xf32, #tpu.memory_space<vmem>>, vector<16xf32>,
        tpu.vector_store %arg9[%swap3A_923, %swap3A_924, %swap3A_925], %get3A_920 {strides = array<i32>} : memref<8x8x128xf32, #tpu.memory_space<vmem>>, vector<16xf32>,
        %get3A_927 = arith.constant 6 : i32
        %get3A_928 = arith.index_cast %get3A_927 : i32 to index
        %get3A_929 = arith.constant 0 : index
        %get3A_930 = tpu.vector_load %arg13[%get3A_928, %get3A_929] {strides = array<i32>} : memref<16x17xf32, #tpu.memory_space<vmem>>, vector<16xf32>,
        %swap3A_931 = arith.constant 4 : i32
        %swap3A_932 = arith.constant 6 : i32
        %swap3A_933 = arith.index_cast %swap3A_931 : i32 to index
        %swap3A_934 = arith.index_cast %swap3A_932 : i32 to index
        %swap3A_935 = arith.index_cast %mul3A_101 : i32 to index
        %swap3A_936 = tpu.vector_load %arg9[%swap3A_933, %swap3A_934, %swap3A_935] {strides = array<i32>} : memref<8x8x128xf32, #tpu.memory_space<vmem>>, vector<16xf32>,
        tpu.vector_store %arg9[%swap3A_933, %swap3A_934, %swap3A_935], %get3A_930 {strides = array<i32>} : memref<8x8x128xf32, #tpu.memory_space<vmem>>, vector<16xf32>,
        %get3A_937 = arith.constant 7 : i32
        %get3A_938 = arith.index_cast %get3A_937 : i32 to index
        %get3A_939 = arith.constant 0 : index
        %get3A_940 = tpu.vector_load %arg13[%get3A_938, %get3A_939] {strides = array<i32>} : memref<16x17xf32, #tpu.memory_space<vmem>>, vector<16xf32>,
        %swap3A_941 = arith.constant 4 : i32
        %swap3A_942 = arith.constant 7 : i32
        %swap3A_943 = arith.index_cast %swap3A_941 : i32 to index
        %swap3A_944 = arith.index_cast %swap3A_942 : i32 to index
        %swap3A_945 = arith.index_cast %mul3A_101 : i32 to index
        %swap3A_946 = tpu.vector_load %arg9[%swap3A_943, %swap3A_944, %swap3A_945] {strides = array<i32>} : memref<8x8x128xf32, #tpu.memory_space<vmem>>, vector<16xf32>,
        tpu.vector_store %arg9[%swap3A_943, %swap3A_944, %swap3A_945], %get3A_940 {strides = array<i32>} : memref<8x8x128xf32, #tpu.memory_space<vmem>>, vector<16xf32>,
        %get3A_947 = arith.constant 8 : i32
        %get3A_948 = arith.index_cast %get3A_947 : i32 to index
        %get3A_949 = arith.constant 0 : index
        %get3A_950 = tpu.vector_load %arg13[%get3A_948, %get3A_949] {strides = array<i32>} : memref<16x17xf32, #tpu.memory_space<vmem>>, vector<16xf32>,
        %swap3A_951 = arith.constant 5 : i32
        %swap3A_952 = arith.constant 0 : i32
        %swap3A_953 = arith.index_cast %swap3A_951 : i32 to index
        %swap3A_954 = arith.index_cast %swap3A_952 : i32 to index
        %swap3A_955 = arith.index_cast %mul3A_101 : i32 to index
        %swap3A_956 = tpu.vector_load %arg9[%swap3A_953, %swap3A_954, %swap3A_955] {strides = array<i32>} : memref<8x8x128xf32, #tpu.memory_space<vmem>>, vector<16xf32>,
        tpu.vector_store %arg9[%swap3A_953, %swap3A_954, %swap3A_955], %get3A_950 {strides = array<i32>} : memref<8x8x128xf32, #tpu.memory_space<vmem>>, vector<16xf32>,
        %get3A_957 = arith.constant 9 : i32
        %get3A_958 = arith.index_cast %get3A_957 : i32 to index
        %get3A_959 = arith.constant 0 : index
        %get3A_960 = tpu.vector_load %arg13[%get3A_958, %get3A_959] {strides = array<i32>} : memref<16x17xf32, #tpu.memory_space<vmem>>, vector<16xf32>,
        %swap3A_961 = arith.constant 5 : i32
        %swap3A_962 = arith.constant 1 : i32
        %swap3A_963 = arith.index_cast %swap3A_961 : i32 to index
        %swap3A_964 = arith.index_cast %swap3A_962 : i32 to index
        %swap3A_965 = arith.index_cast %mul3A_101 : i32 to index
        %swap3A_966 = tpu.vector_load %arg9[%swap3A_963, %swap3A_964, %swap3A_965] {strides = array<i32>} : memref<8x8x128xf32, #tpu.memory_space<vmem>>, vector<16xf32>,
        tpu.vector_store %arg9[%swap3A_963, %swap3A_964, %swap3A_965], %get3A_960 {strides = array<i32>} : memref<8x8x128xf32, #tpu.memory_space<vmem>>, vector<16xf32>,
        %get3A_967 = arith.constant 10 : i32
        %get3A_968 = arith.index_cast %get3A_967 : i32 to index
        %get3A_969 = arith.constant 0 : index
        %get3A_970 = tpu.vector_load %arg13[%get3A_968, %get3A_969] {strides = array<i32>} : memref<16x17xf32, #tpu.memory_space<vmem>>, vector<16xf32>,
        %swap3A_971 = arith.constant 5 : i32
        %swap3A_972 = arith.constant 2 : i32
        %swap3A_973 = arith.index_cast %swap3A_971 : i32 to index
        %swap3A_974 = arith.index_cast %swap3A_972 : i32 to index
        %swap3A_975 = arith.index_cast %mul3A_101 : i32 to index
        %swap3A_976 = tpu.vector_load %arg9[%swap3A_973, %swap3A_974, %swap3A_975] {strides = array<i32>} : memref<8x8x128xf32, #tpu.memory_space<vmem>>, vector<16xf32>,
        tpu.vector_store %arg9[%swap3A_973, %swap3A_974, %swap3A_975], %get3A_970 {strides = array<i32>} : memref<8x8x128xf32, #tpu.memory_space<vmem>>, vector<16xf32>,
        %get3A_977 = arith.constant 11 : i32
        %get3A_978 = arith.index_cast %get3A_977 : i32 to index
        %get3A_979 = arith.constant 0 : index
        %get3A_980 = tpu.vector_load %arg13[%get3A_978, %get3A_979] {strides = array<i32>} : memref<16x17xf32, #tpu.memory_space<vmem>>, vector<16xf32>,
        %swap3A_981 = arith.constant 5 : i32
        %swap3A_982 = arith.constant 3 : i32
        %swap3A_983 = arith.index_cast %swap3A_981 : i32 to index
        %swap3A_984 = arith.index_cast %swap3A_982 : i32 to index
        %swap3A_985 = arith.index_cast %mul3A_101 : i32 to index
        %swap3A_986 = tpu.vector_load %arg9[%swap3A_983, %swap3A_984, %swap3A_985] {strides = array<i32>} : memref<8x8x128xf32, #tpu.memory_space<vmem>>, vector<16xf32>,
        tpu.vector_store %arg9[%swap3A_983, %swap3A_984, %swap3A_985], %get3A_980 {strides = array<i32>} : memref<8x8x128xf32, #tpu.memory_space<vmem>>, vector<16xf32>,
        %get3A_987 = arith.constant 12 : i32
        %get3A_988 = arith.index_cast %get3A_987 : i32 to index
        %get3A_989 = arith.constant 0 : index
        %get3A_990 = tpu.vector_load %arg13[%get3A_988, %get3A_989] {strides = array<i32>} : memref<16x17xf32, #tpu.memory_space<vmem>>, vector<16xf32>,
        %swap3A_991 = arith.constant 5 : i32
        %swap3A_992 = arith.constant 4 : i32
        %swap3A_993 = arith.index_cast %swap3A_991 : i32 to index
        %swap3A_994 = arith.index_cast %swap3A_992 : i32 to index
        %swap3A_995 = arith.index_cast %mul3A_101 : i32 to index
        %swap3A_996 = tpu.vector_load %arg9[%swap3A_993, %swap3A_994, %swap3A_995] {strides = array<i32>} : memref<8x8x128xf32, #tpu.memory_space<vmem>>, vector<16xf32>,
        tpu.vector_store %arg9[%swap3A_993, %swap3A_994, %swap3A_995], %get3A_990 {strides = array<i32>} : memref<8x8x128xf32, #tpu.memory_space<vmem>>, vector<16xf32>,
        %get3A_997 = arith.constant 13 : i32
        %get3A_998 = arith.index_cast %get3A_997 : i32 to index
        %get3A_999 = arith.constant 0 : index
        %get3A_1000 = tpu.vector_load %arg13[%get3A_998, %get3A_999] {strides = array<i32>} : memref<16x17xf32, #tpu.memory_space<vmem>>, vector<16xf32>,
        %swap3A_1001 = arith.constant 5 : i32
        %swap3A_1002 = arith.constant 5 : i32
        %swap3A_1003 = arith.index_cast %swap3A_1001 : i32 to index
        %swap3A_1004 = arith.index_cast %swap3A_1002 : i32 to index
        %swap3A_1005 = arith.index_cast %mul3A_101 : i32 to index
        %swap3A_1006 = tpu.vector_load %arg9[%swap3A_1003, %swap3A_1004, %swap3A_1005] {strides = array<i32>} : memref<8x8x128xf32, #tpu.memory_space<vmem>>, vector<16xf32>,
        tpu.vector_store %arg9[%swap3A_1003, %swap3A_1004, %swap3A_1005], %get3A_1000 {strides = array<i32>} : memref<8x8x128xf32, #tpu.memory_space<vmem>>, vector<16xf32>,
        %get3A_1007 = arith.constant 14 : i32
        %get3A_1008 = arith.index_cast %get3A_1007 : i32 to index
        %get3A_1009 = arith.constant 0 : index
        %get3A_1010 = tpu.vector_load %arg13[%get3A_1008, %get3A_1009] {strides = array<i32>} : memref<16x17xf32, #tpu.memory_space<vmem>>, vector<16xf32>,
        %swap3A_1011 = arith.constant 5 : i32
        %swap3A_1012 = arith.constant 6 : i32
        %swap3A_1013 = arith.index_cast %swap3A_1011 : i32 to index
        %swap3A_1014 = arith.index_cast %swap3A_1012 : i32 to index
        %swap3A_1015 = arith.index_cast %mul3A_101 : i32 to index
        %swap3A_1016 = tpu.vector_load %arg9[%swap3A_1013, %swap3A_1014, %swap3A_1015] {strides = array<i32>} : memref<8x8x128xf32, #tpu.memory_space<vmem>>, vector<16xf32>,
        tpu.vector_store %arg9[%swap3A_1013, %swap3A_1014, %swap3A_1015], %get3A_1010 {strides = array<i32>} : memref<8x8x128xf32, #tpu.memory_space<vmem>>, vector<16xf32>,
        %get3A_1017 = arith.constant 15 : i32
        %get3A_1018 = arith.index_cast %get3A_1017 : i32 to index
        %get3A_1019 = arith.constant 0 : index
        %get3A_1020 = tpu.vector_load %arg13[%get3A_1018, %get3A_1019] {strides = array<i32>} : memref<16x17xf32, #tpu.memory_space<vmem>>, vector<16xf32>,
        %swap3A_1021 = arith.constant 5 : i32
        %swap3A_1022 = arith.constant 7 : i32
        %swap3A_1023 = arith.index_cast %swap3A_1021 : i32 to index
        %swap3A_1024 = arith.index_cast %swap3A_1022 : i32 to index
        %swap3A_1025 = arith.index_cast %mul3A_101 : i32 to index
        %swap3A_1026 = tpu.vector_load %arg9[%swap3A_1023, %swap3A_1024, %swap3A_1025] {strides = array<i32>} : memref<8x8x128xf32, #tpu.memory_space<vmem>>, vector<16xf32>,
        tpu.vector_store %arg9[%swap3A_1023, %swap3A_1024, %swap3A_1025], %get3A_1020 {strides = array<i32>} : memref<8x8x128xf32, #tpu.memory_space<vmem>>, vector<16xf32>,
        %get3A_1027 = arith.constant 0 : i32
        %get3A_1028 = arith.index_cast %get3A_1027 : i32 to index
        %get3A_1029 = arith.constant 0 : index
        %get3A_1030 = tpu.vector_load %arg14[%get3A_1028, %get3A_1029] {strides = array<i32>} : memref<16x17xf32, #tpu.memory_space<vmem>>, vector<16xf32>,
        %swap3A_1031 = arith.constant 6 : i32
        %swap3A_1032 = arith.constant 0 : i32
        %swap3A_1033 = arith.index_cast %swap3A_1031 : i32 to index
        %swap3A_1034 = arith.index_cast %swap3A_1032 : i32 to index
        %swap3A_1035 = arith.index_cast %mul3A_101 : i32 to index
        %swap3A_1036 = tpu.vector_load %arg9[%swap3A_1033, %swap3A_1034, %swap3A_1035] {strides = array<i32>} : memref<8x8x128xf32, #tpu.memory_space<vmem>>, vector<16xf32>,
        tpu.vector_store %arg9[%swap3A_1033, %swap3A_1034, %swap3A_1035], %get3A_1030 {strides = array<i32>} : memref<8x8x128xf32, #tpu.memory_space<vmem>>, vector<16xf32>,
        %get3A_1037 = arith.constant 1 : i32
        %get3A_1038 = arith.index_cast %get3A_1037 : i32 to index
        %get3A_1039 = arith.constant 0 : index
        %get3A_1040 = tpu.vector_load %arg14[%get3A_1038, %get3A_1039] {strides = array<i32>} : memref<16x17xf32, #tpu.memory_space<vmem>>, vector<16xf32>,
        %swap3A_1041 = arith.constant 6 : i32
        %swap3A_1042 = arith.constant 1 : i32
        %swap3A_1043 = arith.index_cast %swap3A_1041 : i32 to index
        %swap3A_1044 = arith.index_cast %swap3A_1042 : i32 to index
        %swap3A_1045 = arith.index_cast %mul3A_101 : i32 to index
        %swap3A_1046 = tpu.vector_load %arg9[%swap3A_1043, %swap3A_1044, %swap3A_1045] {strides = array<i32>} : memref<8x8x128xf32, #tpu.memory_space<vmem>>, vector<16xf32>,
        tpu.vector_store %arg9[%swap3A_1043, %swap3A_1044, %swap3A_1045], %get3A_1040 {strides = array<i32>} : memref<8x8x128xf32, #tpu.memory_space<vmem>>, vector<16xf32>,
        %get3A_1047 = arith.constant 2 : i32
        %get3A_1048 = arith.index_cast %get3A_1047 : i32 to index
        %get3A_1049 = arith.constant 0 : index
        %get3A_1050 = tpu.vector_load %arg14[%get3A_1048, %get3A_1049] {strides = array<i32>} : memref<16x17xf32, #tpu.memory_space<vmem>>, vector<16xf32>,
        %swap3A_1051 = arith.constant 6 : i32
        %swap3A_1052 = arith.constant 2 : i32
        %swap3A_1053 = arith.index_cast %swap3A_1051 : i32 to index
        %swap3A_1054 = arith.index_cast %swap3A_1052 : i32 to index
        %swap3A_1055 = arith.index_cast %mul3A_101 : i32 to index
        %swap3A_1056 = tpu.vector_load %arg9[%swap3A_1053, %swap3A_1054, %swap3A_1055] {strides = array<i32>} : memref<8x8x128xf32, #tpu.memory_space<vmem>>, vector<16xf32>,
        tpu.vector_store %arg9[%swap3A_1053, %swap3A_1054, %swap3A_1055], %get3A_1050 {strides = array<i32>} : memref<8x8x128xf32, #tpu.memory_space<vmem>>, vector<16xf32>,
        %get3A_1057 = arith.constant 3 : i32
        %get3A_1058 = arith.index_cast %get3A_1057 : i32 to index
        %get3A_1059 = arith.constant 0 : index
        %get3A_1060 = tpu.vector_load %arg14[%get3A_1058, %get3A_1059] {strides = array<i32>} : memref<16x17xf32, #tpu.memory_space<vmem>>, vector<16xf32>,
        %swap3A_1061 = arith.constant 6 : i32
        %swap3A_1062 = arith.constant 3 : i32
        %swap3A_1063 = arith.index_cast %swap3A_1061 : i32 to index
        %swap3A_1064 = arith.index_cast %swap3A_1062 : i32 to index
        %swap3A_1065 = arith.index_cast %mul3A_101 : i32 to index
        %swap3A_1066 = tpu.vector_load %arg9[%swap3A_1063, %swap3A_1064, %swap3A_1065] {strides = array<i32>} : memref<8x8x128xf32, #tpu.memory_space<vmem>>, vector<16xf32>,
        tpu.vector_store %arg9[%swap3A_1063, %swap3A_1064, %swap3A_1065], %get3A_1060 {strides = array<i32>} : memref<8x8x128xf32, #tpu.memory_space<vmem>>, vector<16xf32>,
        %get3A_1067 = arith.constant 4 : i32
        %get3A_1068 = arith.index_cast %get3A_1067 : i32 to index
        %get3A_1069 = arith.constant 0 : index
        %get3A_1070 = tpu.vector_load %arg14[%get3A_1068, %get3A_1069] {strides = array<i32>} : memref<16x17xf32, #tpu.memory_space<vmem>>, vector<16xf32>,
        %swap3A_1071 = arith.constant 6 : i32
        %swap3A_1072 = arith.constant 4 : i32
        %swap3A_1073 = arith.index_cast %swap3A_1071 : i32 to index
        %swap3A_1074 = arith.index_cast %swap3A_1072 : i32 to index
        %swap3A_1075 = arith.index_cast %mul3A_101 : i32 to index
        %swap3A_1076 = tpu.vector_load %arg9[%swap3A_1073, %swap3A_1074, %swap3A_1075] {strides = array<i32>} : memref<8x8x128xf32, #tpu.memory_space<vmem>>, vector<16xf32>,
        tpu.vector_store %arg9[%swap3A_1073, %swap3A_1074, %swap3A_1075], %get3A_1070 {strides = array<i32>} : memref<8x8x128xf32, #tpu.memory_space<vmem>>, vector<16xf32>,
        %get3A_1077 = arith.constant 5 : i32
        %get3A_1078 = arith.index_cast %get3A_1077 : i32 to index
        %get3A_1079 = arith.constant 0 : index
        %get3A_1080 = tpu.vector_load %arg14[%get3A_1078, %get3A_1079] {strides = array<i32>} : memref<16x17xf32, #tpu.memory_space<vmem>>, vector<16xf32>,
        %swap3A_1081 = arith.constant 6 : i32
        %swap3A_1082 = arith.constant 5 : i32
        %swap3A_1083 = arith.index_cast %swap3A_1081 : i32 to index
        %swap3A_1084 = arith.index_cast %swap3A_1082 : i32 to index
        %swap3A_1085 = arith.index_cast %mul3A_101 : i32 to index
        %swap3A_1086 = tpu.vector_load %arg9[%swap3A_1083, %swap3A_1084, %swap3A_1085] {strides = array<i32>} : memref<8x8x128xf32, #tpu.memory_space<vmem>>, vector<16xf32>,
        tpu.vector_store %arg9[%swap3A_1083, %swap3A_1084, %swap3A_1085], %get3A_1080 {strides = array<i32>} : memref<8x8x128xf32, #tpu.memory_space<vmem>>, vector<16xf32>,
        %get3A_1087 = arith.constant 6 : i32
        %get3A_1088 = arith.index_cast %get3A_1087 : i32 to index
        %get3A_1089 = arith.constant 0 : index
        %get3A_1090 = tpu.vector_load %arg14[%get3A_1088, %get3A_1089] {strides = array<i32>} : memref<16x17xf32, #tpu.memory_space<vmem>>, vector<16xf32>,
        %swap3A_1091 = arith.constant 6 : i32
        %swap3A_1092 = arith.constant 6 : i32
        %swap3A_1093 = arith.index_cast %swap3A_1091 : i32 to index
        %swap3A_1094 = arith.index_cast %swap3A_1092 : i32 to index
        %swap3A_1095 = arith.index_cast %mul3A_101 : i32 to index
        %swap3A_1096 = tpu.vector_load %arg9[%swap3A_1093, %swap3A_1094, %swap3A_1095] {strides = array<i32>} : memref<8x8x128xf32, #tpu.memory_space<vmem>>, vector<16xf32>,
        tpu.vector_store %arg9[%swap3A_1093, %swap3A_1094, %swap3A_1095], %get3A_1090 {strides = array<i32>} : memref<8x8x128xf32, #tpu.memory_space<vmem>>, vector<16xf32>,
        %get3A_1097 = arith.constant 7 : i32
        %get3A_1098 = arith.index_cast %get3A_1097 : i32 to index
        %get3A_1099 = arith.constant 0 : index
        %get3A_1100 = tpu.vector_load %arg14[%get3A_1098, %get3A_1099] {strides = array<i32>} : memref<16x17xf32, #tpu.memory_space<vmem>>, vector<16xf32>,
        %swap3A_1101 = arith.constant 6 : i32
        %swap3A_1102 = arith.constant 7 : i32
        %swap3A_1103 = arith.index_cast %swap3A_1101 : i32 to index
        %swap3A_1104 = arith.index_cast %swap3A_1102 : i32 to index
        %swap3A_1105 = arith.index_cast %mul3A_101 : i32 to index
        %swap3A_1106 = tpu.vector_load %arg9[%swap3A_1103, %swap3A_1104, %swap3A_1105] {strides = array<i32>} : memref<8x8x128xf32, #tpu.memory_space<vmem>>, vector<16xf32>,
        tpu.vector_store %arg9[%swap3A_1103, %swap3A_1104, %swap3A_1105], %get3A_1100 {strides = array<i32>} : memref<8x8x128xf32, #tpu.memory_space<vmem>>, vector<16xf32>,
        %get3A_1107 = arith.constant 8 : i32
        %get3A_1108 = arith.index_cast %get3A_1107 : i32 to index
        %get3A_1109 = arith.constant 0 : index
        %get3A_1110 = tpu.vector_load %arg14[%get3A_1108, %get3A_1109] {strides = array<i32>} : memref<16x17xf32, #tpu.memory_space<vmem>>, vector<16xf32>,
        %swap3A_1111 = arith.constant 7 : i32
        %swap3A_1112 = arith.constant 0 : i32
        %swap3A_1113 = arith.index_cast %swap3A_1111 : i32 to index
        %swap3A_1114 = arith.index_cast %swap3A_1112 : i32 to index
        %swap3A_1115 = arith.index_cast %mul3A_101 : i32 to index
        %swap3A_1116 = tpu.vector_load %arg9[%swap3A_1113, %swap3A_1114, %swap3A_1115] {strides = array<i32>} : memref<8x8x128xf32, #tpu.memory_space<vmem>>, vector<16xf32>,
        tpu.vector_store %arg9[%swap3A_1113, %swap3A_1114, %swap3A_1115], %get3A_1110 {strides = array<i32>} : memref<8x8x128xf32, #tpu.memory_space<vmem>>, vector<16xf32>,
        %get3A_1117 = arith.constant 9 : i32
        %get3A_1118 = arith.index_cast %get3A_1117 : i32 to index
        %get3A_1119 = arith.constant 0 : index
        %get3A_1120 = tpu.vector_load %arg14[%get3A_1118, %get3A_1119] {strides = array<i32>} : memref<16x17xf32, #tpu.memory_space<vmem>>, vector<16xf32>,
        %swap3A_1121 = arith.constant 7 : i32
        %swap3A_1122 = arith.constant 1 : i32
        %swap3A_1123 = arith.index_cast %swap3A_1121 : i32 to index
        %swap3A_1124 = arith.index_cast %swap3A_1122 : i32 to index
        %swap3A_1125 = arith.index_cast %mul3A_101 : i32 to index
        %swap3A_1126 = tpu.vector_load %arg9[%swap3A_1123, %swap3A_1124, %swap3A_1125] {strides = array<i32>} : memref<8x8x128xf32, #tpu.memory_space<vmem>>, vector<16xf32>,
        tpu.vector_store %arg9[%swap3A_1123, %swap3A_1124, %swap3A_1125], %get3A_1120 {strides = array<i32>} : memref<8x8x128xf32, #tpu.memory_space<vmem>>, vector<16xf32>,
        %get3A_1127 = arith.constant 10 : i32
        %get3A_1128 = arith.index_cast %get3A_1127 : i32 to index
        %get3A_1129 = arith.constant 0 : index
        %get3A_1130 = tpu.vector_load %arg14[%get3A_1128, %get3A_1129] {strides = array<i32>} : memref<16x17xf32, #tpu.memory_space<vmem>>, vector<16xf32>,
        %swap3A_1131 = arith.constant 7 : i32
        %swap3A_1132 = arith.constant 2 : i32
        %swap3A_1133 = arith.index_cast %swap3A_1131 : i32 to index
        %swap3A_1134 = arith.index_cast %swap3A_1132 : i32 to index
        %swap3A_1135 = arith.index_cast %mul3A_101 : i32 to index
        %swap3A_1136 = tpu.vector_load %arg9[%swap3A_1133, %swap3A_1134, %swap3A_1135] {strides = array<i32>} : memref<8x8x128xf32, #tpu.memory_space<vmem>>, vector<16xf32>,
        tpu.vector_store %arg9[%swap3A_1133, %swap3A_1134, %swap3A_1135], %get3A_1130 {strides = array<i32>} : memref<8x8x128xf32, #tpu.memory_space<vmem>>, vector<16xf32>,
        %get3A_1137 = arith.constant 11 : i32
        %get3A_1138 = arith.index_cast %get3A_1137 : i32 to index
        %get3A_1139 = arith.constant 0 : index
        %get3A_1140 = tpu.vector_load %arg14[%get3A_1138, %get3A_1139] {strides = array<i32>} : memref<16x17xf32, #tpu.memory_space<vmem>>, vector<16xf32>,
        %swap3A_1141 = arith.constant 7 : i32
        %swap3A_1142 = arith.constant 3 : i32
        %swap3A_1143 = arith.index_cast %swap3A_1141 : i32 to index
        %swap3A_1144 = arith.index_cast %swap3A_1142 : i32 to index
        %swap3A_1145 = arith.index_cast %mul3A_101 : i32 to index
        %swap3A_1146 = tpu.vector_load %arg9[%swap3A_1143, %swap3A_1144, %swap3A_1145] {strides = array<i32>} : memref<8x8x128xf32, #tpu.memory_space<vmem>>, vector<16xf32>,
        tpu.vector_store %arg9[%swap3A_1143, %swap3A_1144, %swap3A_1145], %get3A_1140 {strides = array<i32>} : memref<8x8x128xf32, #tpu.memory_space<vmem>>, vector<16xf32>,
        %get3A_1147 = arith.constant 12 : i32
        %get3A_1148 = arith.index_cast %get3A_1147 : i32 to index
        %get3A_1149 = arith.constant 0 : index
        %get3A_1150 = tpu.vector_load %arg14[%get3A_1148, %get3A_1149] {strides = array<i32>} : memref<16x17xf32, #tpu.memory_space<vmem>>, vector<16xf32>,
        %swap3A_1151 = arith.constant 7 : i32
        %swap3A_1152 = arith.constant 4 : i32
        %swap3A_1153 = arith.index_cast %swap3A_1151 : i32 to index
        %swap3A_1154 = arith.index_cast %swap3A_1152 : i32 to index
        %swap3A_1155 = arith.index_cast %mul3A_101 : i32 to index
        %swap3A_1156 = tpu.vector_load %arg9[%swap3A_1153, %swap3A_1154, %swap3A_1155] {strides = array<i32>} : memref<8x8x128xf32, #tpu.memory_space<vmem>>, vector<16xf32>,
        tpu.vector_store %arg9[%swap3A_1153, %swap3A_1154, %swap3A_1155], %get3A_1150 {strides = array<i32>} : memref<8x8x128xf32, #tpu.memory_space<vmem>>, vector<16xf32>,
        %get3A_1157 = arith.constant 13 : i32
        %get3A_1158 = arith.index_cast %get3A_1157 : i32 to index
        %get3A_1159 = arith.constant 0 : index
        %get3A_1160 = tpu.vector_load %arg14[%get3A_1158, %get3A_1159] {strides = array<i32>} : memref<16x17xf32, #tpu.memory_space<vmem>>, vector<16xf32>,
        %swap3A_1161 = arith.constant 7 : i32
        %swap3A_1162 = arith.constant 5 : i32
        %swap3A_1163 = arith.index_cast %swap3A_1161 : i32 to index
        %swap3A_1164 = arith.index_cast %swap3A_1162 : i32 to index
        %swap3A_1165 = arith.index_cast %mul3A_101 : i32 to index
        %swap3A_1166 = tpu.vector_load %arg9[%swap3A_1163, %swap3A_1164, %swap3A_1165] {strides = array<i32>} : memref<8x8x128xf32, #tpu.memory_space<vmem>>, vector<16xf32>,
        tpu.vector_store %arg9[%swap3A_1163, %swap3A_1164, %swap3A_1165], %get3A_1160 {strides = array<i32>} : memref<8x8x128xf32, #tpu.memory_space<vmem>>, vector<16xf32>,
        %get3A_1167 = arith.constant 14 : i32
        %get3A_1168 = arith.index_cast %get3A_1167 : i32 to index
        %get3A_1169 = arith.constant 0 : index
        %get3A_1170 = tpu.vector_load %arg14[%get3A_1168, %get3A_1169] {strides = array<i32>} : memref<16x17xf32, #tpu.memory_space<vmem>>, vector<16xf32>,
        %swap3A_1171 = arith.constant 7 : i32
        %swap3A_1172 = arith.constant 6 : i32
        %swap3A_1173 = arith.index_cast %swap3A_1171 : i32 to index
        %swap3A_1174 = arith.index_cast %swap3A_1172 : i32 to index
        %swap3A_1175 = arith.index_cast %mul3A_101 : i32 to index
        %swap3A_1176 = tpu.vector_load %arg9[%swap3A_1173, %swap3A_1174, %swap3A_1175] {strides = array<i32>} : memref<8x8x128xf32, #tpu.memory_space<vmem>>, vector<16xf32>,
        tpu.vector_store %arg9[%swap3A_1173, %swap3A_1174, %swap3A_1175], %get3A_1170 {strides = array<i32>} : memref<8x8x128xf32, #tpu.memory_space<vmem>>, vector<16xf32>,
        %get3A_1177 = arith.constant 15 : i32
        %get3A_1178 = arith.index_cast %get3A_1177 : i32 to index
        %get3A_1179 = arith.constant 0 : index
        %get3A_1180 = tpu.vector_load %arg14[%get3A_1178, %get3A_1179] {strides = array<i32>} : memref<16x17xf32, #tpu.memory_space<vmem>>, vector<16xf32>,
        %swap3A_1181 = arith.constant 7 : i32
        %swap3A_1182 = arith.constant 7 : i32
        %swap3A_1183 = arith.index_cast %swap3A_1181 : i32 to index
        %swap3A_1184 = arith.index_cast %swap3A_1182 : i32 to index
        %swap3A_1185 = arith.index_cast %mul3A_101 : i32 to index
        %swap3A_1186 = tpu.vector_load %arg9[%swap3A_1183, %swap3A_1184, %swap3A_1185] {strides = array<i32>} : memref<8x8x128xf32, #tpu.memory_space<vmem>>, vector<16xf32>,
        tpu.vector_store %arg9[%swap3A_1183, %swap3A_1184, %swap3A_1185], %get3A_1180 {strides = array<i32>} : memref<8x8x128xf32, #tpu.memory_space<vmem>>, vector<16xf32>,
      }
      %scan3A_52 = arith.constant 8 : i32
      %dma_start3A_53 = arith.constant 0 : i32
      %dma_start3A_54 = arith.constant 0 : i32
      %dma_start3A_55 = arith.constant 0 : i32
      %dma_start3A_56 = tpu.memref_slice %arg4[%add3A_35, %dma_start3A_53, %add3A, %dma_start3A_54, %dma_start3A_55] : memref<50x8x32x8x128xf32, #tpu.memory_space<hbm>> -> memref<1x8x1x8x128xf32, #tpu.memory_space<hbm>>
      %dma_start3A_57 = tpu.memref_squeeze %dma_start3A_56 : memref<1x8x1x8x128xf32, #tpu.memory_space<hbm>> -> memref<8x8x128xf32, #tpu.memory_space<hbm>>
      %dma_start3A_58 = arith.constant 0 : i32
      %dma_start3A_59 = arith.constant 0 : i32
      %dma_start3A_60 = arith.constant 0 : i32
      %dma_start3A_61 = tpu.memref_slice %arg4[%add3A_35, %dma_start3A_58, %add3A, %dma_start3A_59, %dma_start3A_60] : memref<50x8x32x8x128xf32, #tpu.memory_space<hbm>> -> memref<1x8x1x8x128xf32, #tpu.memory_space<hbm>>
      %dma_start3A_62 = tpu.memref_squeeze %dma_start3A_61 : memref<1x8x1x8x128xf32, #tpu.memory_space<hbm>> -> memref<8x8x128xf32, #tpu.memory_space<hbm>>
      tpu.enqueue_dma source(%arg9 : memref<8x8x128xf32, #tpu.memory_space<vmem>>) target(%dma_start3A_62 : memref<8x8x128xf32, #tpu.memory_space<hbm>>) target_semaphore(%arg17 : memref<!tpu.dma_semaphore, #tpu.memory_space<semaphore_mem>>)
      %mul3A_63 = arith.constant 2 : i32
      %mul3A_64 = arith.muli %mul3A_63, %scan3A_31 : i32
      %add3A_65 = arith.constant 1 : i32
      %add3A_66 = arith.addi %mul3A_64, %add3A_65 : i32
      %add3A_67 = arith.constant 1 : i32
      %add3A_68 = arith.addi %add3A_66, %add3A_67 : i32
      %lt3A_69 = arith.constant 50 : i32
      %lt3A_70 = arith.cmpi slt, %add3A_68, %lt3A_69 : i32
      %convert_element_type3A_71 = arith.extui %lt3A_70 : i1 to i32
      %cond3A_72 = arith.constant 0 : i32
      %cond3A_73 = arith.cmpi ne, %convert_element_type3A_71, %cond3A_72 : i32
      scf.if %cond3A_73 {
        %add3A_99 = arith.constant 1 : i32
        %add3A_100 = arith.addi %add3A_66, %add3A_99 : i32
        "tpu.region"() ({
          %run_scoped3A_104 = tpu.sem_alloc : memref<!tpu.dma_semaphore, #tpu.memory_space<semaphore_mem>>
          %dma_start3A_105 = tpu.memref_slice %arg3[%add3A_100, %mul3A_2] : memref<50x4096xi32, #tpu.memory_space<hbm>> -> memref<1x128xi32, #tpu.memory_space<hbm>>
          %dma_start3A_106 = tpu.memref_squeeze %dma_start3A_105 : memref<1x128xi32, #tpu.memory_space<hbm>> -> memref<128xi32, #tpu.memory_space<hbm>>
          %dma_start3A_107 = tpu.memref_slice %arg3[%add3A_100, %mul3A_2] : memref<50x4096xi32, #tpu.memory_space<hbm>> -> memref<1x128xi32, #tpu.memory_space<hbm>>
          %dma_start3A_108 = tpu.memref_squeeze %dma_start3A_107 : memref<1x128xi32, #tpu.memory_space<hbm>> -> memref<128xi32, #tpu.memory_space<hbm>>
          tpu.enqueue_dma source(%dma_start3A_108 : memref<128xi32, #tpu.memory_space<hbm>>) target(%arg5 : memref<128xi32, #tpu.memory_space<vmem>>) target_semaphore(%run_scoped3A_104 : memref<!tpu.dma_semaphore, #tpu.memory_space<semaphore_mem>>)
          %dma_wait3A_109 = tpu.memref_slice %arg3[%add3A_100, %mul3A_2] : memref<50x4096xi32, #tpu.memory_space<hbm>> -> memref<1x128xi32, #tpu.memory_space<hbm>>
          %dma_wait3A_110 = tpu.memref_squeeze %dma_wait3A_109 : memref<1x128xi32, #tpu.memory_space<hbm>> -> memref<128xi32, #tpu.memory_space<hbm>>
          %dma_wait3A_111 = tpu.memref_slice %arg3[%add3A_100, %mul3A_2] : memref<50x4096xi32, #tpu.memory_space<hbm>> -> memref<1x128xi32, #tpu.memory_space<hbm>>
          %dma_wait3A_112 = tpu.memref_squeeze %dma_wait3A_111 : memref<1x128xi32, #tpu.memory_space<hbm>> -> memref<128xi32, #tpu.memory_space<hbm>>
          tpu.wait_dma2 semaphore(%run_scoped3A_104 : memref<!tpu.dma_semaphore, #tpu.memory_space<semaphore_mem>>) src(%dma_wait3A_112 : memref<128xi32, #tpu.memory_space<hbm>>) dst(%arg5 : memref<128xi32, #tpu.memory_space<vmem>>)
          tpu.yield
        }) : () -> ()
        %dma_start3A_101 = arith.constant 0 : i32
        %dma_start3A_102 = arith.constant 0 : i32
        %dma_start3A_103 = tpu.memref_slice %arg2[%dma_start3A_101, %dma_start3A_102] : memref<100000x64xf32, #tpu.memory_space<hbm>> -> memref<100000x64xf32, #tpu.memory_space<hbm>>
        tpu.enqueue_indirect_dma source(%dma_start3A_103 : memref<100000x64xf32, #tpu.memory_space<hbm>>) target(%arg7 : memref<128x64xf32, #tpu.memory_space<vmem>>) offsets(%arg5 : memref<128xi32, #tpu.memory_space<vmem>>) semaphore(%arg15 : memref<!tpu.dma_semaphore, #tpu.memory_space<semaphore_mem>>)
      } else {
      }
      %dma_wait3A_74 = arith.constant 0 : i32
      %dma_wait3A_75 = arith.constant 0 : i32
      %dma_wait3A_76 = tpu.memref_slice %arg2[%dma_wait3A_74, %dma_wait3A_75] : memref<100000x64xf32, #tpu.memory_space<hbm>> -> memref<100000x64xf32, #tpu.memory_space<hbm>>
      tpu.wait_indirect_dma semaphore(%arg16 : memref<!tpu.dma_semaphore, #tpu.memory_space<semaphore_mem>>) src(%dma_wait3A_76 : memref<100000x64xf32, #tpu.memory_space<hbm>>) dst(%arg8 : memref<128x64xf32, #tpu.memory_space<vmem>>)
      %ge3A_77 = arith.constant 2 : i32
      %ge3A_78 = arith.cmpi sge, %add3A_66, %ge3A_77 : i32
      %convert_element_type3A_79 = arith.extui %ge3A_78 : i1 to i32
      %cond3A_80 = arith.constant 0 : i32
      %cond3A_81 = arith.cmpi ne, %convert_element_type3A_79, %cond3A_80 : i32
      scf.if %cond3A_81 {
        %sub3A = arith.constant 2 : i32
        %sub3A_99 = arith.subi %add3A_66, %sub3A : i32
        %dma_wait3A_100 = arith.constant 0 : i32
        %dma_wait3A_101 = arith.constant 0 : i32
        %dma_wait3A_102 = arith.constant 0 : i32
        %dma_wait3A_103 = tpu.memref_slice %arg4[%sub3A_99, %dma_wait3A_100, %add3A, %dma_wait3A_101, %dma_wait3A_102] : memref<50x8x32x8x128xf32, #tpu.memory_space<hbm>> -> memref<1x8x1x8x128xf32, #tpu.memory_space<hbm>>
        %dma_wait3A_104 = tpu.memref_squeeze %dma_wait3A_103 : memref<1x8x1x8x128xf32, #tpu.memory_space<hbm>> -> memref<8x8x128xf32, #tpu.memory_space<hbm>>
        %dma_wait3A_105 = arith.constant 0 : i32
        %dma_wait3A_106 = arith.constant 0 : i32
        %dma_wait3A_107 = arith.constant 0 : i32
        %dma_wait3A_108 = tpu.memref_slice %arg4[%sub3A_99, %dma_wait3A_105, %add3A, %dma_wait3A_106, %dma_wait3A_107] : memref<50x8x32x8x128xf32, #tpu.memory_space<hbm>> -> memref<1x8x1x8x128xf32, #tpu.memory_space<hbm>>
        %dma_wait3A_109 = tpu.memref_squeeze %dma_wait3A_108 : memref<1x8x1x8x128xf32, #tpu.memory_space<hbm>> -> memref<8x8x128xf32, #tpu.memory_space<hbm>>
        tpu.wait_dma2 semaphore(%arg18 : memref<!tpu.dma_semaphore, #tpu.memory_space<semaphore_mem>>) src(%arg10 : memref<8x8x128xf32, #tpu.memory_space<vmem>>) dst(%dma_wait3A_109 : memref<8x8x128xf32, #tpu.memory_space<hbm>>)
      } else {
      }
      %iota3A_82 = tpu.iota {dimensions = array<i32: 0>} : vector<16xi32>
      %scan3A_83 = arith.constant 0 : i32
      %scan3A_84 = arith.constant 0 : i32
      %scan3A_85 = arith.constant 8 : i32
      %scan3A_86 = arith.addi %scan3A_84, %scan3A_85 : i32
      %scan3A_87 = arith.constant 1 : i32
      scf.for %scan3A_99 = %scan3A_84 to %scan3A_86 step %scan3A_87  : i32 {
        %mul3A_100 = arith.constant 16 : i32
        %mul3A_101 = arith.muli %scan3A_99, %mul3A_100 : i32
        %add3A_102 = arith.constant 0 : i32
        %add3A_103 = arith.addi %mul3A_101, %add3A_102 : i32
        %get3A = arith.index_cast %add3A_103 : i32 to index
        %get3A_104 = arith.constant 0 : index
        %get3A_105 = tpu.vector_load %arg8[%get3A, %get3A_104] {strides = array<i32>} : memref<128x64xf32, #tpu.memory_space<vmem>>, vector<16xf32>,
        %broadcast_in_dim3A = arith.constant 0 : i32
        %broadcast_in_dim3A_106 = vector.broadcast %broadcast_in_dim3A : i32 to vector<16xi32>
        tpu.vector_store_idx %arg11[%iota3A_82, %broadcast_in_dim3A_106], %get3A_105 : memref<16x17xf32, #tpu.memory_space<vmem>>[vector<16xi32>, vector<16xi32>], vector<16xf32>,
        %add3A_107 = arith.constant 1 : i32
        %add3A_108 = arith.addi %mul3A_101, %add3A_107 : i32
        %get3A_109 = arith.index_cast %add3A_108 : i32 to index
        %get3A_110 = arith.constant 0 : index
        %get3A_111 = tpu.vector_load %arg8[%get3A_109, %get3A_110] {strides = array<i32>} : memref<128x64xf32, #tpu.memory_space<vmem>>, vector<16xf32>,
        %broadcast_in_dim3A_112 = arith.constant 1 : i32
        %broadcast_in_dim3A_113 = vector.broadcast %broadcast_in_dim3A_112 : i32 to vector<16xi32>
        tpu.vector_store_idx %arg11[%iota3A_82, %broadcast_in_dim3A_113], %get3A_111 : memref<16x17xf32, #tpu.memory_space<vmem>>[vector<16xi32>, vector<16xi32>], vector<16xf32>,
        %add3A_114 = arith.constant 2 : i32
        %add3A_115 = arith.addi %mul3A_101, %add3A_114 : i32
        %get3A_116 = arith.index_cast %add3A_115 : i32 to index
        %get3A_117 = arith.constant 0 : index
        %get3A_118 = tpu.vector_load %arg8[%get3A_116, %get3A_117] {strides = array<i32>} : memref<128x64xf32, #tpu.memory_space<vmem>>, vector<16xf32>,
        %broadcast_in_dim3A_119 = arith.constant 2 : i32
        %broadcast_in_dim3A_120 = vector.broadcast %broadcast_in_dim3A_119 : i32 to vector<16xi32>
        tpu.vector_store_idx %arg11[%iota3A_82, %broadcast_in_dim3A_120], %get3A_118 : memref<16x17xf32, #tpu.memory_space<vmem>>[vector<16xi32>, vector<16xi32>], vector<16xf32>,
        %add3A_121 = arith.constant 3 : i32
        %add3A_122 = arith.addi %mul3A_101, %add3A_121 : i32
        %get3A_123 = arith.index_cast %add3A_122 : i32 to index
        %get3A_124 = arith.constant 0 : index
        %get3A_125 = tpu.vector_load %arg8[%get3A_123, %get3A_124] {strides = array<i32>} : memref<128x64xf32, #tpu.memory_space<vmem>>, vector<16xf32>,
        %broadcast_in_dim3A_126 = arith.constant 3 : i32
        %broadcast_in_dim3A_127 = vector.broadcast %broadcast_in_dim3A_126 : i32 to vector<16xi32>
        tpu.vector_store_idx %arg11[%iota3A_82, %broadcast_in_dim3A_127], %get3A_125 : memref<16x17xf32, #tpu.memory_space<vmem>>[vector<16xi32>, vector<16xi32>], vector<16xf32>,
        %add3A_128 = arith.constant 4 : i32
        %add3A_129 = arith.addi %mul3A_101, %add3A_128 : i32
        %get3A_130 = arith.index_cast %add3A_129 : i32 to index
        %get3A_131 = arith.constant 0 : index
        %get3A_132 = tpu.vector_load %arg8[%get3A_130, %get3A_131] {strides = array<i32>} : memref<128x64xf32, #tpu.memory_space<vmem>>, vector<16xf32>,
        %broadcast_in_dim3A_133 = arith.constant 4 : i32
        %broadcast_in_dim3A_134 = vector.broadcast %broadcast_in_dim3A_133 : i32 to vector<16xi32>
        tpu.vector_store_idx %arg11[%iota3A_82, %broadcast_in_dim3A_134], %get3A_132 : memref<16x17xf32, #tpu.memory_space<vmem>>[vector<16xi32>, vector<16xi32>], vector<16xf32>,
        %add3A_135 = arith.constant 5 : i32
        %add3A_136 = arith.addi %mul3A_101, %add3A_135 : i32
        %get3A_137 = arith.index_cast %add3A_136 : i32 to index
        %get3A_138 = arith.constant 0 : index
        %get3A_139 = tpu.vector_load %arg8[%get3A_137, %get3A_138] {strides = array<i32>} : memref<128x64xf32, #tpu.memory_space<vmem>>, vector<16xf32>,
        %broadcast_in_dim3A_140 = arith.constant 5 : i32
        %broadcast_in_dim3A_141 = vector.broadcast %broadcast_in_dim3A_140 : i32 to vector<16xi32>
        tpu.vector_store_idx %arg11[%iota3A_82, %broadcast_in_dim3A_141], %get3A_139 : memref<16x17xf32, #tpu.memory_space<vmem>>[vector<16xi32>, vector<16xi32>], vector<16xf32>,
        %add3A_142 = arith.constant 6 : i32
        %add3A_143 = arith.addi %mul3A_101, %add3A_142 : i32
        %get3A_144 = arith.index_cast %add3A_143 : i32 to index
        %get3A_145 = arith.constant 0 : index
        %get3A_146 = tpu.vector_load %arg8[%get3A_144, %get3A_145] {strides = array<i32>} : memref<128x64xf32, #tpu.memory_space<vmem>>, vector<16xf32>,
        %broadcast_in_dim3A_147 = arith.constant 6 : i32
        %broadcast_in_dim3A_148 = vector.broadcast %broadcast_in_dim3A_147 : i32 to vector<16xi32>
        tpu.vector_store_idx %arg11[%iota3A_82, %broadcast_in_dim3A_148], %get3A_146 : memref<16x17xf32, #tpu.memory_space<vmem>>[vector<16xi32>, vector<16xi32>], vector<16xf32>,
        %add3A_149 = arith.constant 7 : i32
        %add3A_150 = arith.addi %mul3A_101, %add3A_149 : i32
        %get3A_151 = arith.index_cast %add3A_150 : i32 to index
        %get3A_152 = arith.constant 0 : index
        %get3A_153 = tpu.vector_load %arg8[%get3A_151, %get3A_152] {strides = array<i32>} : memref<128x64xf32, #tpu.memory_space<vmem>>, vector<16xf32>,
        %broadcast_in_dim3A_154 = arith.constant 7 : i32
        %broadcast_in_dim3A_155 = vector.broadcast %broadcast_in_dim3A_154 : i32 to vector<16xi32>
        tpu.vector_store_idx %arg11[%iota3A_82, %broadcast_in_dim3A_155], %get3A_153 : memref<16x17xf32, #tpu.memory_space<vmem>>[vector<16xi32>, vector<16xi32>], vector<16xf32>,
        %add3A_156 = arith.constant 8 : i32
        %add3A_157 = arith.addi %mul3A_101, %add3A_156 : i32
        %get3A_158 = arith.index_cast %add3A_157 : i32 to index
        %get3A_159 = arith.constant 0 : index
        %get3A_160 = tpu.vector_load %arg8[%get3A_158, %get3A_159] {strides = array<i32>} : memref<128x64xf32, #tpu.memory_space<vmem>>, vector<16xf32>,
        %broadcast_in_dim3A_161 = arith.constant 8 : i32
        %broadcast_in_dim3A_162 = vector.broadcast %broadcast_in_dim3A_161 : i32 to vector<16xi32>
        tpu.vector_store_idx %arg11[%iota3A_82, %broadcast_in_dim3A_162], %get3A_160 : memref<16x17xf32, #tpu.memory_space<vmem>>[vector<16xi32>, vector<16xi32>], vector<16xf32>,
        %add3A_163 = arith.constant 9 : i32
        %add3A_164 = arith.addi %mul3A_101, %add3A_163 : i32
        %get3A_165 = arith.index_cast %add3A_164 : i32 to index
        %get3A_166 = arith.constant 0 : index
        %get3A_167 = tpu.vector_load %arg8[%get3A_165, %get3A_166] {strides = array<i32>} : memref<128x64xf32, #tpu.memory_space<vmem>>, vector<16xf32>,
        %broadcast_in_dim3A_168 = arith.constant 9 : i32
        %broadcast_in_dim3A_169 = vector.broadcast %broadcast_in_dim3A_168 : i32 to vector<16xi32>
        tpu.vector_store_idx %arg11[%iota3A_82, %broadcast_in_dim3A_169], %get3A_167 : memref<16x17xf32, #tpu.memory_space<vmem>>[vector<16xi32>, vector<16xi32>], vector<16xf32>,
        %add3A_170 = arith.constant 10 : i32
        %add3A_171 = arith.addi %mul3A_101, %add3A_170 : i32
        %get3A_172 = arith.index_cast %add3A_171 : i32 to index
        %get3A_173 = arith.constant 0 : index
        %get3A_174 = tpu.vector_load %arg8[%get3A_172, %get3A_173] {strides = array<i32>} : memref<128x64xf32, #tpu.memory_space<vmem>>, vector<16xf32>,
        %broadcast_in_dim3A_175 = arith.constant 10 : i32
        %broadcast_in_dim3A_176 = vector.broadcast %broadcast_in_dim3A_175 : i32 to vector<16xi32>
        tpu.vector_store_idx %arg11[%iota3A_82, %broadcast_in_dim3A_176], %get3A_174 : memref<16x17xf32, #tpu.memory_space<vmem>>[vector<16xi32>, vector<16xi32>], vector<16xf32>,
        %add3A_177 = arith.constant 11 : i32
        %add3A_178 = arith.addi %mul3A_101, %add3A_177 : i32
        %get3A_179 = arith.index_cast %add3A_178 : i32 to index
        %get3A_180 = arith.constant 0 : index
        %get3A_181 = tpu.vector_load %arg8[%get3A_179, %get3A_180] {strides = array<i32>} : memref<128x64xf32, #tpu.memory_space<vmem>>, vector<16xf32>,
        %broadcast_in_dim3A_182 = arith.constant 11 : i32
        %broadcast_in_dim3A_183 = vector.broadcast %broadcast_in_dim3A_182 : i32 to vector<16xi32>
        tpu.vector_store_idx %arg11[%iota3A_82, %broadcast_in_dim3A_183], %get3A_181 : memref<16x17xf32, #tpu.memory_space<vmem>>[vector<16xi32>, vector<16xi32>], vector<16xf32>,
        %add3A_184 = arith.constant 12 : i32
        %add3A_185 = arith.addi %mul3A_101, %add3A_184 : i32
        %get3A_186 = arith.index_cast %add3A_185 : i32 to index
        %get3A_187 = arith.constant 0 : index
        %get3A_188 = tpu.vector_load %arg8[%get3A_186, %get3A_187] {strides = array<i32>} : memref<128x64xf32, #tpu.memory_space<vmem>>, vector<16xf32>,
        %broadcast_in_dim3A_189 = arith.constant 12 : i32
        %broadcast_in_dim3A_190 = vector.broadcast %broadcast_in_dim3A_189 : i32 to vector<16xi32>
        tpu.vector_store_idx %arg11[%iota3A_82, %broadcast_in_dim3A_190], %get3A_188 : memref<16x17xf32, #tpu.memory_space<vmem>>[vector<16xi32>, vector<16xi32>], vector<16xf32>,
        %add3A_191 = arith.constant 13 : i32
        %add3A_192 = arith.addi %mul3A_101, %add3A_191 : i32
        %get3A_193 = arith.index_cast %add3A_192 : i32 to index
        %get3A_194 = arith.constant 0 : index
        %get3A_195 = tpu.vector_load %arg8[%get3A_193, %get3A_194] {strides = array<i32>} : memref<128x64xf32, #tpu.memory_space<vmem>>, vector<16xf32>,
        %broadcast_in_dim3A_196 = arith.constant 13 : i32
        %broadcast_in_dim3A_197 = vector.broadcast %broadcast_in_dim3A_196 : i32 to vector<16xi32>
        tpu.vector_store_idx %arg11[%iota3A_82, %broadcast_in_dim3A_197], %get3A_195 : memref<16x17xf32, #tpu.memory_space<vmem>>[vector<16xi32>, vector<16xi32>], vector<16xf32>,
        %add3A_198 = arith.constant 14 : i32
        %add3A_199 = arith.addi %mul3A_101, %add3A_198 : i32
        %get3A_200 = arith.index_cast %add3A_199 : i32 to index
        %get3A_201 = arith.constant 0 : index
        %get3A_202 = tpu.vector_load %arg8[%get3A_200, %get3A_201] {strides = array<i32>} : memref<128x64xf32, #tpu.memory_space<vmem>>, vector<16xf32>,
        %broadcast_in_dim3A_203 = arith.constant 14 : i32
        %broadcast_in_dim3A_204 = vector.broadcast %broadcast_in_dim3A_203 : i32 to vector<16xi32>
        tpu.vector_store_idx %arg11[%iota3A_82, %broadcast_in_dim3A_204], %get3A_202 : memref<16x17xf32, #tpu.memory_space<vmem>>[vector<16xi32>, vector<16xi32>], vector<16xf32>,
        %add3A_205 = arith.constant 15 : i32
        %add3A_206 = arith.addi %mul3A_101, %add3A_205 : i32
        %get3A_207 = arith.index_cast %add3A_206 : i32 to index
        %get3A_208 = arith.constant 0 : index
        %get3A_209 = tpu.vector_load %arg8[%get3A_207, %get3A_208] {strides = array<i32>} : memref<128x64xf32, #tpu.memory_space<vmem>>, vector<16xf32>,
        %broadcast_in_dim3A_210 = arith.constant 15 : i32
        %broadcast_in_dim3A_211 = vector.broadcast %broadcast_in_dim3A_210 : i32 to vector<16xi32>
        tpu.vector_store_idx %arg11[%iota3A_82, %broadcast_in_dim3A_211], %get3A_209 : memref<16x17xf32, #tpu.memory_space<vmem>>[vector<16xi32>, vector<16xi32>], vector<16xf32>,
        %add3A_212 = arith.constant 0 : i32
        %add3A_213 = arith.addi %mul3A_101, %add3A_212 : i32
        %get3A_214 = arith.index_cast %add3A_213 : i32 to index
        %get3A_215 = arith.constant 16 : index
        %get3A_216 = tpu.vector_load %arg8[%get3A_214, %get3A_215] {strides = array<i32>} : memref<128x64xf32, #tpu.memory_space<vmem>>, vector<16xf32>,
        %broadcast_in_dim3A_217 = arith.constant 0 : i32
        %broadcast_in_dim3A_218 = vector.broadcast %broadcast_in_dim3A_217 : i32 to vector<16xi32>
        tpu.vector_store_idx %arg12[%iota3A_82, %broadcast_in_dim3A_218], %get3A_216 : memref<16x17xf32, #tpu.memory_space<vmem>>[vector<16xi32>, vector<16xi32>], vector<16xf32>,
        %add3A_219 = arith.constant 1 : i32
        %add3A_220 = arith.addi %mul3A_101, %add3A_219 : i32
        %get3A_221 = arith.index_cast %add3A_220 : i32 to index
        %get3A_222 = arith.constant 16 : index
        %get3A_223 = tpu.vector_load %arg8[%get3A_221, %get3A_222] {strides = array<i32>} : memref<128x64xf32, #tpu.memory_space<vmem>>, vector<16xf32>,
        %broadcast_in_dim3A_224 = arith.constant 1 : i32
        %broadcast_in_dim3A_225 = vector.broadcast %broadcast_in_dim3A_224 : i32 to vector<16xi32>
        tpu.vector_store_idx %arg12[%iota3A_82, %broadcast_in_dim3A_225], %get3A_223 : memref<16x17xf32, #tpu.memory_space<vmem>>[vector<16xi32>, vector<16xi32>], vector<16xf32>,
        %add3A_226 = arith.constant 2 : i32
        %add3A_227 = arith.addi %mul3A_101, %add3A_226 : i32
        %get3A_228 = arith.index_cast %add3A_227 : i32 to index
        %get3A_229 = arith.constant 16 : index
        %get3A_230 = tpu.vector_load %arg8[%get3A_228, %get3A_229] {strides = array<i32>} : memref<128x64xf32, #tpu.memory_space<vmem>>, vector<16xf32>,
        %broadcast_in_dim3A_231 = arith.constant 2 : i32
        %broadcast_in_dim3A_232 = vector.broadcast %broadcast_in_dim3A_231 : i32 to vector<16xi32>
        tpu.vector_store_idx %arg12[%iota3A_82, %broadcast_in_dim3A_232], %get3A_230 : memref<16x17xf32, #tpu.memory_space<vmem>>[vector<16xi32>, vector<16xi32>], vector<16xf32>,
        %add3A_233 = arith.constant 3 : i32
        %add3A_234 = arith.addi %mul3A_101, %add3A_233 : i32
        %get3A_235 = arith.index_cast %add3A_234 : i32 to index
        %get3A_236 = arith.constant 16 : index
        %get3A_237 = tpu.vector_load %arg8[%get3A_235, %get3A_236] {strides = array<i32>} : memref<128x64xf32, #tpu.memory_space<vmem>>, vector<16xf32>,
        %broadcast_in_dim3A_238 = arith.constant 3 : i32
        %broadcast_in_dim3A_239 = vector.broadcast %broadcast_in_dim3A_238 : i32 to vector<16xi32>
        tpu.vector_store_idx %arg12[%iota3A_82, %broadcast_in_dim3A_239], %get3A_237 : memref<16x17xf32, #tpu.memory_space<vmem>>[vector<16xi32>, vector<16xi32>], vector<16xf32>,
        %add3A_240 = arith.constant 4 : i32
        %add3A_241 = arith.addi %mul3A_101, %add3A_240 : i32
        %get3A_242 = arith.index_cast %add3A_241 : i32 to index
        %get3A_243 = arith.constant 16 : index
        %get3A_244 = tpu.vector_load %arg8[%get3A_242, %get3A_243] {strides = array<i32>} : memref<128x64xf32, #tpu.memory_space<vmem>>, vector<16xf32>,
        %broadcast_in_dim3A_245 = arith.constant 4 : i32
        %broadcast_in_dim3A_246 = vector.broadcast %broadcast_in_dim3A_245 : i32 to vector<16xi32>
        tpu.vector_store_idx %arg12[%iota3A_82, %broadcast_in_dim3A_246], %get3A_244 : memref<16x17xf32, #tpu.memory_space<vmem>>[vector<16xi32>, vector<16xi32>], vector<16xf32>,
        %add3A_247 = arith.constant 5 : i32
        %add3A_248 = arith.addi %mul3A_101, %add3A_247 : i32
        %get3A_249 = arith.index_cast %add3A_248 : i32 to index
        %get3A_250 = arith.constant 16 : index
        %get3A_251 = tpu.vector_load %arg8[%get3A_249, %get3A_250] {strides = array<i32>} : memref<128x64xf32, #tpu.memory_space<vmem>>, vector<16xf32>,
        %broadcast_in_dim3A_252 = arith.constant 5 : i32
        %broadcast_in_dim3A_253 = vector.broadcast %broadcast_in_dim3A_252 : i32 to vector<16xi32>
        tpu.vector_store_idx %arg12[%iota3A_82, %broadcast_in_dim3A_253], %get3A_251 : memref<16x17xf32, #tpu.memory_space<vmem>>[vector<16xi32>, vector<16xi32>], vector<16xf32>,
        %add3A_254 = arith.constant 6 : i32
        %add3A_255 = arith.addi %mul3A_101, %add3A_254 : i32
        %get3A_256 = arith.index_cast %add3A_255 : i32 to index
        %get3A_257 = arith.constant 16 : index
        %get3A_258 = tpu.vector_load %arg8[%get3A_256, %get3A_257] {strides = array<i32>} : memref<128x64xf32, #tpu.memory_space<vmem>>, vector<16xf32>,
        %broadcast_in_dim3A_259 = arith.constant 6 : i32
        %broadcast_in_dim3A_260 = vector.broadcast %broadcast_in_dim3A_259 : i32 to vector<16xi32>
        tpu.vector_store_idx %arg12[%iota3A_82, %broadcast_in_dim3A_260], %get3A_258 : memref<16x17xf32, #tpu.memory_space<vmem>>[vector<16xi32>, vector<16xi32>], vector<16xf32>,
        %add3A_261 = arith.constant 7 : i32
        %add3A_262 = arith.addi %mul3A_101, %add3A_261 : i32
        %get3A_263 = arith.index_cast %add3A_262 : i32 to index
        %get3A_264 = arith.constant 16 : index
        %get3A_265 = tpu.vector_load %arg8[%get3A_263, %get3A_264] {strides = array<i32>} : memref<128x64xf32, #tpu.memory_space<vmem>>, vector<16xf32>,
        %broadcast_in_dim3A_266 = arith.constant 7 : i32
        %broadcast_in_dim3A_267 = vector.broadcast %broadcast_in_dim3A_266 : i32 to vector<16xi32>
        tpu.vector_store_idx %arg12[%iota3A_82, %broadcast_in_dim3A_267], %get3A_265 : memref<16x17xf32, #tpu.memory_space<vmem>>[vector<16xi32>, vector<16xi32>], vector<16xf32>,
        %add3A_268 = arith.constant 8 : i32
        %add3A_269 = arith.addi %mul3A_101, %add3A_268 : i32
        %get3A_270 = arith.index_cast %add3A_269 : i32 to index
        %get3A_271 = arith.constant 16 : index
        %get3A_272 = tpu.vector_load %arg8[%get3A_270, %get3A_271] {strides = array<i32>} : memref<128x64xf32, #tpu.memory_space<vmem>>, vector<16xf32>,
        %broadcast_in_dim3A_273 = arith.constant 8 : i32
        %broadcast_in_dim3A_274 = vector.broadcast %broadcast_in_dim3A_273 : i32 to vector<16xi32>
        tpu.vector_store_idx %arg12[%iota3A_82, %broadcast_in_dim3A_274], %get3A_272 : memref<16x17xf32, #tpu.memory_space<vmem>>[vector<16xi32>, vector<16xi32>], vector<16xf32>,
        %add3A_275 = arith.constant 9 : i32
        %add3A_276 = arith.addi %mul3A_101, %add3A_275 : i32
        %get3A_277 = arith.index_cast %add3A_276 : i32 to index
        %get3A_278 = arith.constant 16 : index
        %get3A_279 = tpu.vector_load %arg8[%get3A_277, %get3A_278] {strides = array<i32>} : memref<128x64xf32, #tpu.memory_space<vmem>>, vector<16xf32>,
        %broadcast_in_dim3A_280 = arith.constant 9 : i32
        %broadcast_in_dim3A_281 = vector.broadcast %broadcast_in_dim3A_280 : i32 to vector<16xi32>
        tpu.vector_store_idx %arg12[%iota3A_82, %broadcast_in_dim3A_281], %get3A_279 : memref<16x17xf32, #tpu.memory_space<vmem>>[vector<16xi32>, vector<16xi32>], vector<16xf32>,
        %add3A_282 = arith.constant 10 : i32
        %add3A_283 = arith.addi %mul3A_101, %add3A_282 : i32
        %get3A_284 = arith.index_cast %add3A_283 : i32 to index
        %get3A_285 = arith.constant 16 : index
        %get3A_286 = tpu.vector_load %arg8[%get3A_284, %get3A_285] {strides = array<i32>} : memref<128x64xf32, #tpu.memory_space<vmem>>, vector<16xf32>,
        %broadcast_in_dim3A_287 = arith.constant 10 : i32
        %broadcast_in_dim3A_288 = vector.broadcast %broadcast_in_dim3A_287 : i32 to vector<16xi32>
        tpu.vector_store_idx %arg12[%iota3A_82, %broadcast_in_dim3A_288], %get3A_286 : memref<16x17xf32, #tpu.memory_space<vmem>>[vector<16xi32>, vector<16xi32>], vector<16xf32>,
        %add3A_289 = arith.constant 11 : i32
        %add3A_290 = arith.addi %mul3A_101, %add3A_289 : i32
        %get3A_291 = arith.index_cast %add3A_290 : i32 to index
        %get3A_292 = arith.constant 16 : index
        %get3A_293 = tpu.vector_load %arg8[%get3A_291, %get3A_292] {strides = array<i32>} : memref<128x64xf32, #tpu.memory_space<vmem>>, vector<16xf32>,
        %broadcast_in_dim3A_294 = arith.constant 11 : i32
        %broadcast_in_dim3A_295 = vector.broadcast %broadcast_in_dim3A_294 : i32 to vector<16xi32>
        tpu.vector_store_idx %arg12[%iota3A_82, %broadcast_in_dim3A_295], %get3A_293 : memref<16x17xf32, #tpu.memory_space<vmem>>[vector<16xi32>, vector<16xi32>], vector<16xf32>,
        %add3A_296 = arith.constant 12 : i32
        %add3A_297 = arith.addi %mul3A_101, %add3A_296 : i32
        %get3A_298 = arith.index_cast %add3A_297 : i32 to index
        %get3A_299 = arith.constant 16 : index
        %get3A_300 = tpu.vector_load %arg8[%get3A_298, %get3A_299] {strides = array<i32>} : memref<128x64xf32, #tpu.memory_space<vmem>>, vector<16xf32>,
        %broadcast_in_dim3A_301 = arith.constant 12 : i32
        %broadcast_in_dim3A_302 = vector.broadcast %broadcast_in_dim3A_301 : i32 to vector<16xi32>
        tpu.vector_store_idx %arg12[%iota3A_82, %broadcast_in_dim3A_302], %get3A_300 : memref<16x17xf32, #tpu.memory_space<vmem>>[vector<16xi32>, vector<16xi32>], vector<16xf32>,
        %add3A_303 = arith.constant 13 : i32
        %add3A_304 = arith.addi %mul3A_101, %add3A_303 : i32
        %get3A_305 = arith.index_cast %add3A_304 : i32 to index
        %get3A_306 = arith.constant 16 : index
        %get3A_307 = tpu.vector_load %arg8[%get3A_305, %get3A_306] {strides = array<i32>} : memref<128x64xf32, #tpu.memory_space<vmem>>, vector<16xf32>,
        %broadcast_in_dim3A_308 = arith.constant 13 : i32
        %broadcast_in_dim3A_309 = vector.broadcast %broadcast_in_dim3A_308 : i32 to vector<16xi32>
        tpu.vector_store_idx %arg12[%iota3A_82, %broadcast_in_dim3A_309], %get3A_307 : memref<16x17xf32, #tpu.memory_space<vmem>>[vector<16xi32>, vector<16xi32>], vector<16xf32>,
        %add3A_310 = arith.constant 14 : i32
        %add3A_311 = arith.addi %mul3A_101, %add3A_310 : i32
        %get3A_312 = arith.index_cast %add3A_311 : i32 to index
        %get3A_313 = arith.constant 16 : index
        %get3A_314 = tpu.vector_load %arg8[%get3A_312, %get3A_313] {strides = array<i32>} : memref<128x64xf32, #tpu.memory_space<vmem>>, vector<16xf32>,
        %broadcast_in_dim3A_315 = arith.constant 14 : i32
        %broadcast_in_dim3A_316 = vector.broadcast %broadcast_in_dim3A_315 : i32 to vector<16xi32>
        tpu.vector_store_idx %arg12[%iota3A_82, %broadcast_in_dim3A_316], %get3A_314 : memref<16x17xf32, #tpu.memory_space<vmem>>[vector<16xi32>, vector<16xi32>], vector<16xf32>,
        %add3A_317 = arith.constant 15 : i32
        %add3A_318 = arith.addi %mul3A_101, %add3A_317 : i32
        %get3A_319 = arith.index_cast %add3A_318 : i32 to index
        %get3A_320 = arith.constant 16 : index
        %get3A_321 = tpu.vector_load %arg8[%get3A_319, %get3A_320] {strides = array<i32>} : memref<128x64xf32, #tpu.memory_space<vmem>>, vector<16xf32>,
        %broadcast_in_dim3A_322 = arith.constant 15 : i32
        %broadcast_in_dim3A_323 = vector.broadcast %broadcast_in_dim3A_322 : i32 to vector<16xi32>
        tpu.vector_store_idx %arg12[%iota3A_82, %broadcast_in_dim3A_323], %get3A_321 : memref<16x17xf32, #tpu.memory_space<vmem>>[vector<16xi32>, vector<16xi32>], vector<16xf32>,
        %add3A_324 = arith.constant 0 : i32
        %add3A_325 = arith.addi %mul3A_101, %add3A_324 : i32
        %get3A_326 = arith.index_cast %add3A_325 : i32 to index
        %get3A_327 = arith.constant 32 : index
        %get3A_328 = tpu.vector_load %arg8[%get3A_326, %get3A_327] {strides = array<i32>} : memref<128x64xf32, #tpu.memory_space<vmem>>, vector<16xf32>,
        %broadcast_in_dim3A_329 = arith.constant 0 : i32
        %broadcast_in_dim3A_330 = vector.broadcast %broadcast_in_dim3A_329 : i32 to vector<16xi32>
        tpu.vector_store_idx %arg13[%iota3A_82, %broadcast_in_dim3A_330], %get3A_328 : memref<16x17xf32, #tpu.memory_space<vmem>>[vector<16xi32>, vector<16xi32>], vector<16xf32>,
        %add3A_331 = arith.constant 1 : i32
        %add3A_332 = arith.addi %mul3A_101, %add3A_331 : i32
        %get3A_333 = arith.index_cast %add3A_332 : i32 to index
        %get3A_334 = arith.constant 32 : index
        %get3A_335 = tpu.vector_load %arg8[%get3A_333, %get3A_334] {strides = array<i32>} : memref<128x64xf32, #tpu.memory_space<vmem>>, vector<16xf32>,
        %broadcast_in_dim3A_336 = arith.constant 1 : i32
        %broadcast_in_dim3A_337 = vector.broadcast %broadcast_in_dim3A_336 : i32 to vector<16xi32>
        tpu.vector_store_idx %arg13[%iota3A_82, %broadcast_in_dim3A_337], %get3A_335 : memref<16x17xf32, #tpu.memory_space<vmem>>[vector<16xi32>, vector<16xi32>], vector<16xf32>,
        %add3A_338 = arith.constant 2 : i32
        %add3A_339 = arith.addi %mul3A_101, %add3A_338 : i32
        %get3A_340 = arith.index_cast %add3A_339 : i32 to index
        %get3A_341 = arith.constant 32 : index
        %get3A_342 = tpu.vector_load %arg8[%get3A_340, %get3A_341] {strides = array<i32>} : memref<128x64xf32, #tpu.memory_space<vmem>>, vector<16xf32>,
        %broadcast_in_dim3A_343 = arith.constant 2 : i32
        %broadcast_in_dim3A_344 = vector.broadcast %broadcast_in_dim3A_343 : i32 to vector<16xi32>
        tpu.vector_store_idx %arg13[%iota3A_82, %broadcast_in_dim3A_344], %get3A_342 : memref<16x17xf32, #tpu.memory_space<vmem>>[vector<16xi32>, vector<16xi32>], vector<16xf32>,
        %add3A_345 = arith.constant 3 : i32
        %add3A_346 = arith.addi %mul3A_101, %add3A_345 : i32
        %get3A_347 = arith.index_cast %add3A_346 : i32 to index
        %get3A_348 = arith.constant 32 : index
        %get3A_349 = tpu.vector_load %arg8[%get3A_347, %get3A_348] {strides = array<i32>} : memref<128x64xf32, #tpu.memory_space<vmem>>, vector<16xf32>,
        %broadcast_in_dim3A_350 = arith.constant 3 : i32
        %broadcast_in_dim3A_351 = vector.broadcast %broadcast_in_dim3A_350 : i32 to vector<16xi32>
        tpu.vector_store_idx %arg13[%iota3A_82, %broadcast_in_dim3A_351], %get3A_349 : memref<16x17xf32, #tpu.memory_space<vmem>>[vector<16xi32>, vector<16xi32>], vector<16xf32>,
        %add3A_352 = arith.constant 4 : i32
        %add3A_353 = arith.addi %mul3A_101, %add3A_352 : i32
        %get3A_354 = arith.index_cast %add3A_353 : i32 to index
        %get3A_355 = arith.constant 32 : index
        %get3A_356 = tpu.vector_load %arg8[%get3A_354, %get3A_355] {strides = array<i32>} : memref<128x64xf32, #tpu.memory_space<vmem>>, vector<16xf32>,
        %broadcast_in_dim3A_357 = arith.constant 4 : i32
        %broadcast_in_dim3A_358 = vector.broadcast %broadcast_in_dim3A_357 : i32 to vector<16xi32>
        tpu.vector_store_idx %arg13[%iota3A_82, %broadcast_in_dim3A_358], %get3A_356 : memref<16x17xf32, #tpu.memory_space<vmem>>[vector<16xi32>, vector<16xi32>], vector<16xf32>,
        %add3A_359 = arith.constant 5 : i32
        %add3A_360 = arith.addi %mul3A_101, %add3A_359 : i32
        %get3A_361 = arith.index_cast %add3A_360 : i32 to index
        %get3A_362 = arith.constant 32 : index
        %get3A_363 = tpu.vector_load %arg8[%get3A_361, %get3A_362] {strides = array<i32>} : memref<128x64xf32, #tpu.memory_space<vmem>>, vector<16xf32>,
        %broadcast_in_dim3A_364 = arith.constant 5 : i32
        %broadcast_in_dim3A_365 = vector.broadcast %broadcast_in_dim3A_364 : i32 to vector<16xi32>
        tpu.vector_store_idx %arg13[%iota3A_82, %broadcast_in_dim3A_365], %get3A_363 : memref<16x17xf32, #tpu.memory_space<vmem>>[vector<16xi32>, vector<16xi32>], vector<16xf32>,
        %add3A_366 = arith.constant 6 : i32
        %add3A_367 = arith.addi %mul3A_101, %add3A_366 : i32
        %get3A_368 = arith.index_cast %add3A_367 : i32 to index
        %get3A_369 = arith.constant 32 : index
        %get3A_370 = tpu.vector_load %arg8[%get3A_368, %get3A_369] {strides = array<i32>} : memref<128x64xf32, #tpu.memory_space<vmem>>, vector<16xf32>,
        %broadcast_in_dim3A_371 = arith.constant 6 : i32
        %broadcast_in_dim3A_372 = vector.broadcast %broadcast_in_dim3A_371 : i32 to vector<16xi32>
        tpu.vector_store_idx %arg13[%iota3A_82, %broadcast_in_dim3A_372], %get3A_370 : memref<16x17xf32, #tpu.memory_space<vmem>>[vector<16xi32>, vector<16xi32>], vector<16xf32>,
        %add3A_373 = arith.constant 7 : i32
        %add3A_374 = arith.addi %mul3A_101, %add3A_373 : i32
        %get3A_375 = arith.index_cast %add3A_374 : i32 to index
        %get3A_376 = arith.constant 32 : index
        %get3A_377 = tpu.vector_load %arg8[%get3A_375, %get3A_376] {strides = array<i32>} : memref<128x64xf32, #tpu.memory_space<vmem>>, vector<16xf32>,
        %broadcast_in_dim3A_378 = arith.constant 7 : i32
        %broadcast_in_dim3A_379 = vector.broadcast %broadcast_in_dim3A_378 : i32 to vector<16xi32>
        tpu.vector_store_idx %arg13[%iota3A_82, %broadcast_in_dim3A_379], %get3A_377 : memref<16x17xf32, #tpu.memory_space<vmem>>[vector<16xi32>, vector<16xi32>], vector<16xf32>,
        %add3A_380 = arith.constant 8 : i32
        %add3A_381 = arith.addi %mul3A_101, %add3A_380 : i32
        %get3A_382 = arith.index_cast %add3A_381 : i32 to index
        %get3A_383 = arith.constant 32 : index
        %get3A_384 = tpu.vector_load %arg8[%get3A_382, %get3A_383] {strides = array<i32>} : memref<128x64xf32, #tpu.memory_space<vmem>>, vector<16xf32>,
        %broadcast_in_dim3A_385 = arith.constant 8 : i32
        %broadcast_in_dim3A_386 = vector.broadcast %broadcast_in_dim3A_385 : i32 to vector<16xi32>
        tpu.vector_store_idx %arg13[%iota3A_82, %broadcast_in_dim3A_386], %get3A_384 : memref<16x17xf32, #tpu.memory_space<vmem>>[vector<16xi32>, vector<16xi32>], vector<16xf32>,
        %add3A_387 = arith.constant 9 : i32
        %add3A_388 = arith.addi %mul3A_101, %add3A_387 : i32
        %get3A_389 = arith.index_cast %add3A_388 : i32 to index
        %get3A_390 = arith.constant 32 : index
        %get3A_391 = tpu.vector_load %arg8[%get3A_389, %get3A_390] {strides = array<i32>} : memref<128x64xf32, #tpu.memory_space<vmem>>, vector<16xf32>,
        %broadcast_in_dim3A_392 = arith.constant 9 : i32
        %broadcast_in_dim3A_393 = vector.broadcast %broadcast_in_dim3A_392 : i32 to vector<16xi32>
        tpu.vector_store_idx %arg13[%iota3A_82, %broadcast_in_dim3A_393], %get3A_391 : memref<16x17xf32, #tpu.memory_space<vmem>>[vector<16xi32>, vector<16xi32>], vector<16xf32>,
        %add3A_394 = arith.constant 10 : i32
        %add3A_395 = arith.addi %mul3A_101, %add3A_394 : i32
        %get3A_396 = arith.index_cast %add3A_395 : i32 to index
        %get3A_397 = arith.constant 32 : index
        %get3A_398 = tpu.vector_load %arg8[%get3A_396, %get3A_397] {strides = array<i32>} : memref<128x64xf32, #tpu.memory_space<vmem>>, vector<16xf32>,
        %broadcast_in_dim3A_399 = arith.constant 10 : i32
        %broadcast_in_dim3A_400 = vector.broadcast %broadcast_in_dim3A_399 : i32 to vector<16xi32>
        tpu.vector_store_idx %arg13[%iota3A_82, %broadcast_in_dim3A_400], %get3A_398 : memref<16x17xf32, #tpu.memory_space<vmem>>[vector<16xi32>, vector<16xi32>], vector<16xf32>,
        %add3A_401 = arith.constant 11 : i32
        %add3A_402 = arith.addi %mul3A_101, %add3A_401 : i32
        %get3A_403 = arith.index_cast %add3A_402 : i32 to index
        %get3A_404 = arith.constant 32 : index
        %get3A_405 = tpu.vector_load %arg8[%get3A_403, %get3A_404] {strides = array<i32>} : memref<128x64xf32, #tpu.memory_space<vmem>>, vector<16xf32>,
        %broadcast_in_dim3A_406 = arith.constant 11 : i32
        %broadcast_in_dim3A_407 = vector.broadcast %broadcast_in_dim3A_406 : i32 to vector<16xi32>
        tpu.vector_store_idx %arg13[%iota3A_82, %broadcast_in_dim3A_407], %get3A_405 : memref<16x17xf32, #tpu.memory_space<vmem>>[vector<16xi32>, vector<16xi32>], vector<16xf32>,
        %add3A_408 = arith.constant 12 : i32
        %add3A_409 = arith.addi %mul3A_101, %add3A_408 : i32
        %get3A_410 = arith.index_cast %add3A_409 : i32 to index
        %get3A_411 = arith.constant 32 : index
        %get3A_412 = tpu.vector_load %arg8[%get3A_410, %get3A_411] {strides = array<i32>} : memref<128x64xf32, #tpu.memory_space<vmem>>, vector<16xf32>,
        %broadcast_in_dim3A_413 = arith.constant 12 : i32
        %broadcast_in_dim3A_414 = vector.broadcast %broadcast_in_dim3A_413 : i32 to vector<16xi32>
        tpu.vector_store_idx %arg13[%iota3A_82, %broadcast_in_dim3A_414], %get3A_412 : memref<16x17xf32, #tpu.memory_space<vmem>>[vector<16xi32>, vector<16xi32>], vector<16xf32>,
        %add3A_415 = arith.constant 13 : i32
        %add3A_416 = arith.addi %mul3A_101, %add3A_415 : i32
        %get3A_417 = arith.index_cast %add3A_416 : i32 to index
        %get3A_418 = arith.constant 32 : index
        %get3A_419 = tpu.vector_load %arg8[%get3A_417, %get3A_418] {strides = array<i32>} : memref<128x64xf32, #tpu.memory_space<vmem>>, vector<16xf32>,
        %broadcast_in_dim3A_420 = arith.constant 13 : i32
        %broadcast_in_dim3A_421 = vector.broadcast %broadcast_in_dim3A_420 : i32 to vector<16xi32>
        tpu.vector_store_idx %arg13[%iota3A_82, %broadcast_in_dim3A_421], %get3A_419 : memref<16x17xf32, #tpu.memory_space<vmem>>[vector<16xi32>, vector<16xi32>], vector<16xf32>,
        %add3A_422 = arith.constant 14 : i32
        %add3A_423 = arith.addi %mul3A_101, %add3A_422 : i32
        %get3A_424 = arith.index_cast %add3A_423 : i32 to index
        %get3A_425 = arith.constant 32 : index
        %get3A_426 = tpu.vector_load %arg8[%get3A_424, %get3A_425] {strides = array<i32>} : memref<128x64xf32, #tpu.memory_space<vmem>>, vector<16xf32>,
        %broadcast_in_dim3A_427 = arith.constant 14 : i32
        %broadcast_in_dim3A_428 = vector.broadcast %broadcast_in_dim3A_427 : i32 to vector<16xi32>
        tpu.vector_store_idx %arg13[%iota3A_82, %broadcast_in_dim3A_428], %get3A_426 : memref<16x17xf32, #tpu.memory_space<vmem>>[vector<16xi32>, vector<16xi32>], vector<16xf32>,
        %add3A_429 = arith.constant 15 : i32
        %add3A_430 = arith.addi %mul3A_101, %add3A_429 : i32
        %get3A_431 = arith.index_cast %add3A_430 : i32 to index
        %get3A_432 = arith.constant 32 : index
        %get3A_433 = tpu.vector_load %arg8[%get3A_431, %get3A_432] {strides = array<i32>} : memref<128x64xf32, #tpu.memory_space<vmem>>, vector<16xf32>,
        %broadcast_in_dim3A_434 = arith.constant 15 : i32
        %broadcast_in_dim3A_435 = vector.broadcast %broadcast_in_dim3A_434 : i32 to vector<16xi32>
        tpu.vector_store_idx %arg13[%iota3A_82, %broadcast_in_dim3A_435], %get3A_433 : memref<16x17xf32, #tpu.memory_space<vmem>>[vector<16xi32>, vector<16xi32>], vector<16xf32>,
        %add3A_436 = arith.constant 0 : i32
        %add3A_437 = arith.addi %mul3A_101, %add3A_436 : i32
        %get3A_438 = arith.index_cast %add3A_437 : i32 to index
        %get3A_439 = arith.constant 48 : index
        %get3A_440 = tpu.vector_load %arg8[%get3A_438, %get3A_439] {strides = array<i32>} : memref<128x64xf32, #tpu.memory_space<vmem>>, vector<16xf32>,
        %broadcast_in_dim3A_441 = arith.constant 0 : i32
        %broadcast_in_dim3A_442 = vector.broadcast %broadcast_in_dim3A_441 : i32 to vector<16xi32>
        tpu.vector_store_idx %arg14[%iota3A_82, %broadcast_in_dim3A_442], %get3A_440 : memref<16x17xf32, #tpu.memory_space<vmem>>[vector<16xi32>, vector<16xi32>], vector<16xf32>,
        %add3A_443 = arith.constant 1 : i32
        %add3A_444 = arith.addi %mul3A_101, %add3A_443 : i32
        %get3A_445 = arith.index_cast %add3A_444 : i32 to index
        %get3A_446 = arith.constant 48 : index
        %get3A_447 = tpu.vector_load %arg8[%get3A_445, %get3A_446] {strides = array<i32>} : memref<128x64xf32, #tpu.memory_space<vmem>>, vector<16xf32>,
        %broadcast_in_dim3A_448 = arith.constant 1 : i32
        %broadcast_in_dim3A_449 = vector.broadcast %broadcast_in_dim3A_448 : i32 to vector<16xi32>
        tpu.vector_store_idx %arg14[%iota3A_82, %broadcast_in_dim3A_449], %get3A_447 : memref<16x17xf32, #tpu.memory_space<vmem>>[vector<16xi32>, vector<16xi32>], vector<16xf32>,
        %add3A_450 = arith.constant 2 : i32
        %add3A_451 = arith.addi %mul3A_101, %add3A_450 : i32
        %get3A_452 = arith.index_cast %add3A_451 : i32 to index
        %get3A_453 = arith.constant 48 : index
        %get3A_454 = tpu.vector_load %arg8[%get3A_452, %get3A_453] {strides = array<i32>} : memref<128x64xf32, #tpu.memory_space<vmem>>, vector<16xf32>,
        %broadcast_in_dim3A_455 = arith.constant 2 : i32
        %broadcast_in_dim3A_456 = vector.broadcast %broadcast_in_dim3A_455 : i32 to vector<16xi32>
        tpu.vector_store_idx %arg14[%iota3A_82, %broadcast_in_dim3A_456], %get3A_454 : memref<16x17xf32, #tpu.memory_space<vmem>>[vector<16xi32>, vector<16xi32>], vector<16xf32>,
        %add3A_457 = arith.constant 3 : i32
        %add3A_458 = arith.addi %mul3A_101, %add3A_457 : i32
        %get3A_459 = arith.index_cast %add3A_458 : i32 to index
        %get3A_460 = arith.constant 48 : index
        %get3A_461 = tpu.vector_load %arg8[%get3A_459, %get3A_460] {strides = array<i32>} : memref<128x64xf32, #tpu.memory_space<vmem>>, vector<16xf32>,
        %broadcast_in_dim3A_462 = arith.constant 3 : i32
        %broadcast_in_dim3A_463 = vector.broadcast %broadcast_in_dim3A_462 : i32 to vector<16xi32>
        tpu.vector_store_idx %arg14[%iota3A_82, %broadcast_in_dim3A_463], %get3A_461 : memref<16x17xf32, #tpu.memory_space<vmem>>[vector<16xi32>, vector<16xi32>], vector<16xf32>,
        %add3A_464 = arith.constant 4 : i32
        %add3A_465 = arith.addi %mul3A_101, %add3A_464 : i32
        %get3A_466 = arith.index_cast %add3A_465 : i32 to index
        %get3A_467 = arith.constant 48 : index
        %get3A_468 = tpu.vector_load %arg8[%get3A_466, %get3A_467] {strides = array<i32>} : memref<128x64xf32, #tpu.memory_space<vmem>>, vector<16xf32>,
        %broadcast_in_dim3A_469 = arith.constant 4 : i32
        %broadcast_in_dim3A_470 = vector.broadcast %broadcast_in_dim3A_469 : i32 to vector<16xi32>
        tpu.vector_store_idx %arg14[%iota3A_82, %broadcast_in_dim3A_470], %get3A_468 : memref<16x17xf32, #tpu.memory_space<vmem>>[vector<16xi32>, vector<16xi32>], vector<16xf32>,
        %add3A_471 = arith.constant 5 : i32
        %add3A_472 = arith.addi %mul3A_101, %add3A_471 : i32
        %get3A_473 = arith.index_cast %add3A_472 : i32 to index
        %get3A_474 = arith.constant 48 : index
        %get3A_475 = tpu.vector_load %arg8[%get3A_473, %get3A_474] {strides = array<i32>} : memref<128x64xf32, #tpu.memory_space<vmem>>, vector<16xf32>,
        %broadcast_in_dim3A_476 = arith.constant 5 : i32
        %broadcast_in_dim3A_477 = vector.broadcast %broadcast_in_dim3A_476 : i32 to vector<16xi32>
        tpu.vector_store_idx %arg14[%iota3A_82, %broadcast_in_dim3A_477], %get3A_475 : memref<16x17xf32, #tpu.memory_space<vmem>>[vector<16xi32>, vector<16xi32>], vector<16xf32>,
        %add3A_478 = arith.constant 6 : i32
        %add3A_479 = arith.addi %mul3A_101, %add3A_478 : i32
        %get3A_480 = arith.index_cast %add3A_479 : i32 to index
        %get3A_481 = arith.constant 48 : index
        %get3A_482 = tpu.vector_load %arg8[%get3A_480, %get3A_481] {strides = array<i32>} : memref<128x64xf32, #tpu.memory_space<vmem>>, vector<16xf32>,
        %broadcast_in_dim3A_483 = arith.constant 6 : i32
        %broadcast_in_dim3A_484 = vector.broadcast %broadcast_in_dim3A_483 : i32 to vector<16xi32>
        tpu.vector_store_idx %arg14[%iota3A_82, %broadcast_in_dim3A_484], %get3A_482 : memref<16x17xf32, #tpu.memory_space<vmem>>[vector<16xi32>, vector<16xi32>], vector<16xf32>,
        %add3A_485 = arith.constant 7 : i32
        %add3A_486 = arith.addi %mul3A_101, %add3A_485 : i32
        %get3A_487 = arith.index_cast %add3A_486 : i32 to index
        %get3A_488 = arith.constant 48 : index
        %get3A_489 = tpu.vector_load %arg8[%get3A_487, %get3A_488] {strides = array<i32>} : memref<128x64xf32, #tpu.memory_space<vmem>>, vector<16xf32>,
        %broadcast_in_dim3A_490 = arith.constant 7 : i32
        %broadcast_in_dim3A_491 = vector.broadcast %broadcast_in_dim3A_490 : i32 to vector<16xi32>
        tpu.vector_store_idx %arg14[%iota3A_82, %broadcast_in_dim3A_491], %get3A_489 : memref<16x17xf32, #tpu.memory_space<vmem>>[vector<16xi32>, vector<16xi32>], vector<16xf32>,
        %add3A_492 = arith.constant 8 : i32
        %add3A_493 = arith.addi %mul3A_101, %add3A_492 : i32
        %get3A_494 = arith.index_cast %add3A_493 : i32 to index
        %get3A_495 = arith.constant 48 : index
        %get3A_496 = tpu.vector_load %arg8[%get3A_494, %get3A_495] {strides = array<i32>} : memref<128x64xf32, #tpu.memory_space<vmem>>, vector<16xf32>,
        %broadcast_in_dim3A_497 = arith.constant 8 : i32
        %broadcast_in_dim3A_498 = vector.broadcast %broadcast_in_dim3A_497 : i32 to vector<16xi32>
        tpu.vector_store_idx %arg14[%iota3A_82, %broadcast_in_dim3A_498], %get3A_496 : memref<16x17xf32, #tpu.memory_space<vmem>>[vector<16xi32>, vector<16xi32>], vector<16xf32>,
        %add3A_499 = arith.constant 9 : i32
        %add3A_500 = arith.addi %mul3A_101, %add3A_499 : i32
        %get3A_501 = arith.index_cast %add3A_500 : i32 to index
        %get3A_502 = arith.constant 48 : index
        %get3A_503 = tpu.vector_load %arg8[%get3A_501, %get3A_502] {strides = array<i32>} : memref<128x64xf32, #tpu.memory_space<vmem>>, vector<16xf32>,
        %broadcast_in_dim3A_504 = arith.constant 9 : i32
        %broadcast_in_dim3A_505 = vector.broadcast %broadcast_in_dim3A_504 : i32 to vector<16xi32>
        tpu.vector_store_idx %arg14[%iota3A_82, %broadcast_in_dim3A_505], %get3A_503 : memref<16x17xf32, #tpu.memory_space<vmem>>[vector<16xi32>, vector<16xi32>], vector<16xf32>,
        %add3A_506 = arith.constant 10 : i32
        %add3A_507 = arith.addi %mul3A_101, %add3A_506 : i32
        %get3A_508 = arith.index_cast %add3A_507 : i32 to index
        %get3A_509 = arith.constant 48 : index
        %get3A_510 = tpu.vector_load %arg8[%get3A_508, %get3A_509] {strides = array<i32>} : memref<128x64xf32, #tpu.memory_space<vmem>>, vector<16xf32>,
        %broadcast_in_dim3A_511 = arith.constant 10 : i32
        %broadcast_in_dim3A_512 = vector.broadcast %broadcast_in_dim3A_511 : i32 to vector<16xi32>
        tpu.vector_store_idx %arg14[%iota3A_82, %broadcast_in_dim3A_512], %get3A_510 : memref<16x17xf32, #tpu.memory_space<vmem>>[vector<16xi32>, vector<16xi32>], vector<16xf32>,
        %add3A_513 = arith.constant 11 : i32
        %add3A_514 = arith.addi %mul3A_101, %add3A_513 : i32
        %get3A_515 = arith.index_cast %add3A_514 : i32 to index
        %get3A_516 = arith.constant 48 : index
        %get3A_517 = tpu.vector_load %arg8[%get3A_515, %get3A_516] {strides = array<i32>} : memref<128x64xf32, #tpu.memory_space<vmem>>, vector<16xf32>,
        %broadcast_in_dim3A_518 = arith.constant 11 : i32
        %broadcast_in_dim3A_519 = vector.broadcast %broadcast_in_dim3A_518 : i32 to vector<16xi32>
        tpu.vector_store_idx %arg14[%iota3A_82, %broadcast_in_dim3A_519], %get3A_517 : memref<16x17xf32, #tpu.memory_space<vmem>>[vector<16xi32>, vector<16xi32>], vector<16xf32>,
        %add3A_520 = arith.constant 12 : i32
        %add3A_521 = arith.addi %mul3A_101, %add3A_520 : i32
        %get3A_522 = arith.index_cast %add3A_521 : i32 to index
        %get3A_523 = arith.constant 48 : index
        %get3A_524 = tpu.vector_load %arg8[%get3A_522, %get3A_523] {strides = array<i32>} : memref<128x64xf32, #tpu.memory_space<vmem>>, vector<16xf32>,
        %broadcast_in_dim3A_525 = arith.constant 12 : i32
        %broadcast_in_dim3A_526 = vector.broadcast %broadcast_in_dim3A_525 : i32 to vector<16xi32>
        tpu.vector_store_idx %arg14[%iota3A_82, %broadcast_in_dim3A_526], %get3A_524 : memref<16x17xf32, #tpu.memory_space<vmem>>[vector<16xi32>, vector<16xi32>], vector<16xf32>,
        %add3A_527 = arith.constant 13 : i32
        %add3A_528 = arith.addi %mul3A_101, %add3A_527 : i32
        %get3A_529 = arith.index_cast %add3A_528 : i32 to index
        %get3A_530 = arith.constant 48 : index
        %get3A_531 = tpu.vector_load %arg8[%get3A_529, %get3A_530] {strides = array<i32>} : memref<128x64xf32, #tpu.memory_space<vmem>>, vector<16xf32>,
        %broadcast_in_dim3A_532 = arith.constant 13 : i32
        %broadcast_in_dim3A_533 = vector.broadcast %broadcast_in_dim3A_532 : i32 to vector<16xi32>
        tpu.vector_store_idx %arg14[%iota3A_82, %broadcast_in_dim3A_533], %get3A_531 : memref<16x17xf32, #tpu.memory_space<vmem>>[vector<16xi32>, vector<16xi32>], vector<16xf32>,
        %add3A_534 = arith.constant 14 : i32
        %add3A_535 = arith.addi %mul3A_101, %add3A_534 : i32
        %get3A_536 = arith.index_cast %add3A_535 : i32 to index
        %get3A_537 = arith.constant 48 : index
        %get3A_538 = tpu.vector_load %arg8[%get3A_536, %get3A_537] {strides = array<i32>} : memref<128x64xf32, #tpu.memory_space<vmem>>, vector<16xf32>,
        %broadcast_in_dim3A_539 = arith.constant 14 : i32
        %broadcast_in_dim3A_540 = vector.broadcast %broadcast_in_dim3A_539 : i32 to vector<16xi32>
        tpu.vector_store_idx %arg14[%iota3A_82, %broadcast_in_dim3A_540], %get3A_538 : memref<16x17xf32, #tpu.memory_space<vmem>>[vector<16xi32>, vector<16xi32>], vector<16xf32>,
        %add3A_541 = arith.constant 15 : i32
        %add3A_542 = arith.addi %mul3A_101, %add3A_541 : i32
        %get3A_543 = arith.index_cast %add3A_542 : i32 to index
        %get3A_544 = arith.constant 48 : index
        %get3A_545 = tpu.vector_load %arg8[%get3A_543, %get3A_544] {strides = array<i32>} : memref<128x64xf32, #tpu.memory_space<vmem>>, vector<16xf32>,
        %broadcast_in_dim3A_546 = arith.constant 15 : i32
        %broadcast_in_dim3A_547 = vector.broadcast %broadcast_in_dim3A_546 : i32 to vector<16xi32>
        tpu.vector_store_idx %arg14[%iota3A_82, %broadcast_in_dim3A_547], %get3A_545 : memref<16x17xf32, #tpu.memory_space<vmem>>[vector<16xi32>, vector<16xi32>], vector<16xf32>,
        %get3A_548 = arith.constant 0 : i32
        %get3A_549 = arith.index_cast %get3A_548 : i32 to index
        %get3A_550 = arith.constant 0 : index
        %get3A_551 = tpu.vector_load %arg11[%get3A_549, %get3A_550] {strides = array<i32>} : memref<16x17xf32, #tpu.memory_space<vmem>>, vector<16xf32>,
        %swap3A = arith.constant 0 : i32
        %swap3A_552 = arith.constant 0 : i32
        %swap3A_553 = arith.index_cast %swap3A : i32 to index
        %swap3A_554 = arith.index_cast %swap3A_552 : i32 to index
        %swap3A_555 = arith.index_cast %mul3A_101 : i32 to index
        %swap3A_556 = tpu.vector_load %arg10[%swap3A_553, %swap3A_554, %swap3A_555] {strides = array<i32>} : memref<8x8x128xf32, #tpu.memory_space<vmem>>, vector<16xf32>,
        tpu.vector_store %arg10[%swap3A_553, %swap3A_554, %swap3A_555], %get3A_551 {strides = array<i32>} : memref<8x8x128xf32, #tpu.memory_space<vmem>>, vector<16xf32>,
        %get3A_557 = arith.constant 1 : i32
        %get3A_558 = arith.index_cast %get3A_557 : i32 to index
        %get3A_559 = arith.constant 0 : index
        %get3A_560 = tpu.vector_load %arg11[%get3A_558, %get3A_559] {strides = array<i32>} : memref<16x17xf32, #tpu.memory_space<vmem>>, vector<16xf32>,
        %swap3A_561 = arith.constant 0 : i32
        %swap3A_562 = arith.constant 1 : i32
        %swap3A_563 = arith.index_cast %swap3A_561 : i32 to index
        %swap3A_564 = arith.index_cast %swap3A_562 : i32 to index
        %swap3A_565 = arith.index_cast %mul3A_101 : i32 to index
        %swap3A_566 = tpu.vector_load %arg10[%swap3A_563, %swap3A_564, %swap3A_565] {strides = array<i32>} : memref<8x8x128xf32, #tpu.memory_space<vmem>>, vector<16xf32>,
        tpu.vector_store %arg10[%swap3A_563, %swap3A_564, %swap3A_565], %get3A_560 {strides = array<i32>} : memref<8x8x128xf32, #tpu.memory_space<vmem>>, vector<16xf32>,
        %get3A_567 = arith.constant 2 : i32
        %get3A_568 = arith.index_cast %get3A_567 : i32 to index
        %get3A_569 = arith.constant 0 : index
        %get3A_570 = tpu.vector_load %arg11[%get3A_568, %get3A_569] {strides = array<i32>} : memref<16x17xf32, #tpu.memory_space<vmem>>, vector<16xf32>,
        %swap3A_571 = arith.constant 0 : i32
        %swap3A_572 = arith.constant 2 : i32
        %swap3A_573 = arith.index_cast %swap3A_571 : i32 to index
        %swap3A_574 = arith.index_cast %swap3A_572 : i32 to index
        %swap3A_575 = arith.index_cast %mul3A_101 : i32 to index
        %swap3A_576 = tpu.vector_load %arg10[%swap3A_573, %swap3A_574, %swap3A_575] {strides = array<i32>} : memref<8x8x128xf32, #tpu.memory_space<vmem>>, vector<16xf32>,
        tpu.vector_store %arg10[%swap3A_573, %swap3A_574, %swap3A_575], %get3A_570 {strides = array<i32>} : memref<8x8x128xf32, #tpu.memory_space<vmem>>, vector<16xf32>,
        %get3A_577 = arith.constant 3 : i32
        %get3A_578 = arith.index_cast %get3A_577 : i32 to index
        %get3A_579 = arith.constant 0 : index
        %get3A_580 = tpu.vector_load %arg11[%get3A_578, %get3A_579] {strides = array<i32>} : memref<16x17xf32, #tpu.memory_space<vmem>>, vector<16xf32>,
        %swap3A_581 = arith.constant 0 : i32
        %swap3A_582 = arith.constant 3 : i32
        %swap3A_583 = arith.index_cast %swap3A_581 : i32 to index
        %swap3A_584 = arith.index_cast %swap3A_582 : i32 to index
        %swap3A_585 = arith.index_cast %mul3A_101 : i32 to index
        %swap3A_586 = tpu.vector_load %arg10[%swap3A_583, %swap3A_584, %swap3A_585] {strides = array<i32>} : memref<8x8x128xf32, #tpu.memory_space<vmem>>, vector<16xf32>,
        tpu.vector_store %arg10[%swap3A_583, %swap3A_584, %swap3A_585], %get3A_580 {strides = array<i32>} : memref<8x8x128xf32, #tpu.memory_space<vmem>>, vector<16xf32>,
        %get3A_587 = arith.constant 4 : i32
        %get3A_588 = arith.index_cast %get3A_587 : i32 to index
        %get3A_589 = arith.constant 0 : index
        %get3A_590 = tpu.vector_load %arg11[%get3A_588, %get3A_589] {strides = array<i32>} : memref<16x17xf32, #tpu.memory_space<vmem>>, vector<16xf32>,
        %swap3A_591 = arith.constant 0 : i32
        %swap3A_592 = arith.constant 4 : i32
        %swap3A_593 = arith.index_cast %swap3A_591 : i32 to index
        %swap3A_594 = arith.index_cast %swap3A_592 : i32 to index
        %swap3A_595 = arith.index_cast %mul3A_101 : i32 to index
        %swap3A_596 = tpu.vector_load %arg10[%swap3A_593, %swap3A_594, %swap3A_595] {strides = array<i32>} : memref<8x8x128xf32, #tpu.memory_space<vmem>>, vector<16xf32>,
        tpu.vector_store %arg10[%swap3A_593, %swap3A_594, %swap3A_595], %get3A_590 {strides = array<i32>} : memref<8x8x128xf32, #tpu.memory_space<vmem>>, vector<16xf32>,
        %get3A_597 = arith.constant 5 : i32
        %get3A_598 = arith.index_cast %get3A_597 : i32 to index
        %get3A_599 = arith.constant 0 : index
        %get3A_600 = tpu.vector_load %arg11[%get3A_598, %get3A_599] {strides = array<i32>} : memref<16x17xf32, #tpu.memory_space<vmem>>, vector<16xf32>,
        %swap3A_601 = arith.constant 0 : i32
        %swap3A_602 = arith.constant 5 : i32
        %swap3A_603 = arith.index_cast %swap3A_601 : i32 to index
        %swap3A_604 = arith.index_cast %swap3A_602 : i32 to index
        %swap3A_605 = arith.index_cast %mul3A_101 : i32 to index
        %swap3A_606 = tpu.vector_load %arg10[%swap3A_603, %swap3A_604, %swap3A_605] {strides = array<i32>} : memref<8x8x128xf32, #tpu.memory_space<vmem>>, vector<16xf32>,
        tpu.vector_store %arg10[%swap3A_603, %swap3A_604, %swap3A_605], %get3A_600 {strides = array<i32>} : memref<8x8x128xf32, #tpu.memory_space<vmem>>, vector<16xf32>,
        %get3A_607 = arith.constant 6 : i32
        %get3A_608 = arith.index_cast %get3A_607 : i32 to index
        %get3A_609 = arith.constant 0 : index
        %get3A_610 = tpu.vector_load %arg11[%get3A_608, %get3A_609] {strides = array<i32>} : memref<16x17xf32, #tpu.memory_space<vmem>>, vector<16xf32>,
        %swap3A_611 = arith.constant 0 : i32
        %swap3A_612 = arith.constant 6 : i32
        %swap3A_613 = arith.index_cast %swap3A_611 : i32 to index
        %swap3A_614 = arith.index_cast %swap3A_612 : i32 to index
        %swap3A_615 = arith.index_cast %mul3A_101 : i32 to index
        %swap3A_616 = tpu.vector_load %arg10[%swap3A_613, %swap3A_614, %swap3A_615] {strides = array<i32>} : memref<8x8x128xf32, #tpu.memory_space<vmem>>, vector<16xf32>,
        tpu.vector_store %arg10[%swap3A_613, %swap3A_614, %swap3A_615], %get3A_610 {strides = array<i32>} : memref<8x8x128xf32, #tpu.memory_space<vmem>>, vector<16xf32>,
        %get3A_617 = arith.constant 7 : i32
        %get3A_618 = arith.index_cast %get3A_617 : i32 to index
        %get3A_619 = arith.constant 0 : index
        %get3A_620 = tpu.vector_load %arg11[%get3A_618, %get3A_619] {strides = array<i32>} : memref<16x17xf32, #tpu.memory_space<vmem>>, vector<16xf32>,
        %swap3A_621 = arith.constant 0 : i32
        %swap3A_622 = arith.constant 7 : i32
        %swap3A_623 = arith.index_cast %swap3A_621 : i32 to index
        %swap3A_624 = arith.index_cast %swap3A_622 : i32 to index
        %swap3A_625 = arith.index_cast %mul3A_101 : i32 to index
        %swap3A_626 = tpu.vector_load %arg10[%swap3A_623, %swap3A_624, %swap3A_625] {strides = array<i32>} : memref<8x8x128xf32, #tpu.memory_space<vmem>>, vector<16xf32>,
        tpu.vector_store %arg10[%swap3A_623, %swap3A_624, %swap3A_625], %get3A_620 {strides = array<i32>} : memref<8x8x128xf32, #tpu.memory_space<vmem>>, vector<16xf32>,
        %get3A_627 = arith.constant 8 : i32
        %get3A_628 = arith.index_cast %get3A_627 : i32 to index
        %get3A_629 = arith.constant 0 : index
        %get3A_630 = tpu.vector_load %arg11[%get3A_628, %get3A_629] {strides = array<i32>} : memref<16x17xf32, #tpu.memory_space<vmem>>, vector<16xf32>,
        %swap3A_631 = arith.constant 1 : i32
        %swap3A_632 = arith.constant 0 : i32
        %swap3A_633 = arith.index_cast %swap3A_631 : i32 to index
        %swap3A_634 = arith.index_cast %swap3A_632 : i32 to index
        %swap3A_635 = arith.index_cast %mul3A_101 : i32 to index
        %swap3A_636 = tpu.vector_load %arg10[%swap3A_633, %swap3A_634, %swap3A_635] {strides = array<i32>} : memref<8x8x128xf32, #tpu.memory_space<vmem>>, vector<16xf32>,
        tpu.vector_store %arg10[%swap3A_633, %swap3A_634, %swap3A_635], %get3A_630 {strides = array<i32>} : memref<8x8x128xf32, #tpu.memory_space<vmem>>, vector<16xf32>,
        %get3A_637 = arith.constant 9 : i32
        %get3A_638 = arith.index_cast %get3A_637 : i32 to index
        %get3A_639 = arith.constant 0 : index
        %get3A_640 = tpu.vector_load %arg11[%get3A_638, %get3A_639] {strides = array<i32>} : memref<16x17xf32, #tpu.memory_space<vmem>>, vector<16xf32>,
        %swap3A_641 = arith.constant 1 : i32
        %swap3A_642 = arith.constant 1 : i32
        %swap3A_643 = arith.index_cast %swap3A_641 : i32 to index
        %swap3A_644 = arith.index_cast %swap3A_642 : i32 to index
        %swap3A_645 = arith.index_cast %mul3A_101 : i32 to index
        %swap3A_646 = tpu.vector_load %arg10[%swap3A_643, %swap3A_644, %swap3A_645] {strides = array<i32>} : memref<8x8x128xf32, #tpu.memory_space<vmem>>, vector<16xf32>,
        tpu.vector_store %arg10[%swap3A_643, %swap3A_644, %swap3A_645], %get3A_640 {strides = array<i32>} : memref<8x8x128xf32, #tpu.memory_space<vmem>>, vector<16xf32>,
        %get3A_647 = arith.constant 10 : i32
        %get3A_648 = arith.index_cast %get3A_647 : i32 to index
        %get3A_649 = arith.constant 0 : index
        %get3A_650 = tpu.vector_load %arg11[%get3A_648, %get3A_649] {strides = array<i32>} : memref<16x17xf32, #tpu.memory_space<vmem>>, vector<16xf32>,
        %swap3A_651 = arith.constant 1 : i32
        %swap3A_652 = arith.constant 2 : i32
        %swap3A_653 = arith.index_cast %swap3A_651 : i32 to index
        %swap3A_654 = arith.index_cast %swap3A_652 : i32 to index
        %swap3A_655 = arith.index_cast %mul3A_101 : i32 to index
        %swap3A_656 = tpu.vector_load %arg10[%swap3A_653, %swap3A_654, %swap3A_655] {strides = array<i32>} : memref<8x8x128xf32, #tpu.memory_space<vmem>>, vector<16xf32>,
        tpu.vector_store %arg10[%swap3A_653, %swap3A_654, %swap3A_655], %get3A_650 {strides = array<i32>} : memref<8x8x128xf32, #tpu.memory_space<vmem>>, vector<16xf32>,
        %get3A_657 = arith.constant 11 : i32
        %get3A_658 = arith.index_cast %get3A_657 : i32 to index
        %get3A_659 = arith.constant 0 : index
        %get3A_660 = tpu.vector_load %arg11[%get3A_658, %get3A_659] {strides = array<i32>} : memref<16x17xf32, #tpu.memory_space<vmem>>, vector<16xf32>,
        %swap3A_661 = arith.constant 1 : i32
        %swap3A_662 = arith.constant 3 : i32
        %swap3A_663 = arith.index_cast %swap3A_661 : i32 to index
        %swap3A_664 = arith.index_cast %swap3A_662 : i32 to index
        %swap3A_665 = arith.index_cast %mul3A_101 : i32 to index
        %swap3A_666 = tpu.vector_load %arg10[%swap3A_663, %swap3A_664, %swap3A_665] {strides = array<i32>} : memref<8x8x128xf32, #tpu.memory_space<vmem>>, vector<16xf32>,
        tpu.vector_store %arg10[%swap3A_663, %swap3A_664, %swap3A_665], %get3A_660 {strides = array<i32>} : memref<8x8x128xf32, #tpu.memory_space<vmem>>, vector<16xf32>,
        %get3A_667 = arith.constant 12 : i32
        %get3A_668 = arith.index_cast %get3A_667 : i32 to index
        %get3A_669 = arith.constant 0 : index
        %get3A_670 = tpu.vector_load %arg11[%get3A_668, %get3A_669] {strides = array<i32>} : memref<16x17xf32, #tpu.memory_space<vmem>>, vector<16xf32>,
        %swap3A_671 = arith.constant 1 : i32
        %swap3A_672 = arith.constant 4 : i32
        %swap3A_673 = arith.index_cast %swap3A_671 : i32 to index
        %swap3A_674 = arith.index_cast %swap3A_672 : i32 to index
        %swap3A_675 = arith.index_cast %mul3A_101 : i32 to index
        %swap3A_676 = tpu.vector_load %arg10[%swap3A_673, %swap3A_674, %swap3A_675] {strides = array<i32>} : memref<8x8x128xf32, #tpu.memory_space<vmem>>, vector<16xf32>,
        tpu.vector_store %arg10[%swap3A_673, %swap3A_674, %swap3A_675], %get3A_670 {strides = array<i32>} : memref<8x8x128xf32, #tpu.memory_space<vmem>>, vector<16xf32>,
        %get3A_677 = arith.constant 13 : i32
        %get3A_678 = arith.index_cast %get3A_677 : i32 to index
        %get3A_679 = arith.constant 0 : index
        %get3A_680 = tpu.vector_load %arg11[%get3A_678, %get3A_679] {strides = array<i32>} : memref<16x17xf32, #tpu.memory_space<vmem>>, vector<16xf32>,
        %swap3A_681 = arith.constant 1 : i32
        %swap3A_682 = arith.constant 5 : i32
        %swap3A_683 = arith.index_cast %swap3A_681 : i32 to index
        %swap3A_684 = arith.index_cast %swap3A_682 : i32 to index
        %swap3A_685 = arith.index_cast %mul3A_101 : i32 to index
        %swap3A_686 = tpu.vector_load %arg10[%swap3A_683, %swap3A_684, %swap3A_685] {strides = array<i32>} : memref<8x8x128xf32, #tpu.memory_space<vmem>>, vector<16xf32>,
        tpu.vector_store %arg10[%swap3A_683, %swap3A_684, %swap3A_685], %get3A_680 {strides = array<i32>} : memref<8x8x128xf32, #tpu.memory_space<vmem>>, vector<16xf32>,
        %get3A_687 = arith.constant 14 : i32
        %get3A_688 = arith.index_cast %get3A_687 : i32 to index
        %get3A_689 = arith.constant 0 : index
        %get3A_690 = tpu.vector_load %arg11[%get3A_688, %get3A_689] {strides = array<i32>} : memref<16x17xf32, #tpu.memory_space<vmem>>, vector<16xf32>,
        %swap3A_691 = arith.constant 1 : i32
        %swap3A_692 = arith.constant 6 : i32
        %swap3A_693 = arith.index_cast %swap3A_691 : i32 to index
        %swap3A_694 = arith.index_cast %swap3A_692 : i32 to index
        %swap3A_695 = arith.index_cast %mul3A_101 : i32 to index
        %swap3A_696 = tpu.vector_load %arg10[%swap3A_693, %swap3A_694, %swap3A_695] {strides = array<i32>} : memref<8x8x128xf32, #tpu.memory_space<vmem>>, vector<16xf32>,
        tpu.vector_store %arg10[%swap3A_693, %swap3A_694, %swap3A_695], %get3A_690 {strides = array<i32>} : memref<8x8x128xf32, #tpu.memory_space<vmem>>, vector<16xf32>,
        %get3A_697 = arith.constant 15 : i32
        %get3A_698 = arith.index_cast %get3A_697 : i32 to index
        %get3A_699 = arith.constant 0 : index
        %get3A_700 = tpu.vector_load %arg11[%get3A_698, %get3A_699] {strides = array<i32>} : memref<16x17xf32, #tpu.memory_space<vmem>>, vector<16xf32>,
        %swap3A_701 = arith.constant 1 : i32
        %swap3A_702 = arith.constant 7 : i32
        %swap3A_703 = arith.index_cast %swap3A_701 : i32 to index
        %swap3A_704 = arith.index_cast %swap3A_702 : i32 to index
        %swap3A_705 = arith.index_cast %mul3A_101 : i32 to index
        %swap3A_706 = tpu.vector_load %arg10[%swap3A_703, %swap3A_704, %swap3A_705] {strides = array<i32>} : memref<8x8x128xf32, #tpu.memory_space<vmem>>, vector<16xf32>,
        tpu.vector_store %arg10[%swap3A_703, %swap3A_704, %swap3A_705], %get3A_700 {strides = array<i32>} : memref<8x8x128xf32, #tpu.memory_space<vmem>>, vector<16xf32>,
        %get3A_707 = arith.constant 0 : i32
        %get3A_708 = arith.index_cast %get3A_707 : i32 to index
        %get3A_709 = arith.constant 0 : index
        %get3A_710 = tpu.vector_load %arg12[%get3A_708, %get3A_709] {strides = array<i32>} : memref<16x17xf32, #tpu.memory_space<vmem>>, vector<16xf32>,
        %swap3A_711 = arith.constant 2 : i32
        %swap3A_712 = arith.constant 0 : i32
        %swap3A_713 = arith.index_cast %swap3A_711 : i32 to index
        %swap3A_714 = arith.index_cast %swap3A_712 : i32 to index
        %swap3A_715 = arith.index_cast %mul3A_101 : i32 to index
        %swap3A_716 = tpu.vector_load %arg10[%swap3A_713, %swap3A_714, %swap3A_715] {strides = array<i32>} : memref<8x8x128xf32, #tpu.memory_space<vmem>>, vector<16xf32>,
        tpu.vector_store %arg10[%swap3A_713, %swap3A_714, %swap3A_715], %get3A_710 {strides = array<i32>} : memref<8x8x128xf32, #tpu.memory_space<vmem>>, vector<16xf32>,
        %get3A_717 = arith.constant 1 : i32
        %get3A_718 = arith.index_cast %get3A_717 : i32 to index
        %get3A_719 = arith.constant 0 : index
        %get3A_720 = tpu.vector_load %arg12[%get3A_718, %get3A_719] {strides = array<i32>} : memref<16x17xf32, #tpu.memory_space<vmem>>, vector<16xf32>,
        %swap3A_721 = arith.constant 2 : i32
        %swap3A_722 = arith.constant 1 : i32
        %swap3A_723 = arith.index_cast %swap3A_721 : i32 to index
        %swap3A_724 = arith.index_cast %swap3A_722 : i32 to index
        %swap3A_725 = arith.index_cast %mul3A_101 : i32 to index
        %swap3A_726 = tpu.vector_load %arg10[%swap3A_723, %swap3A_724, %swap3A_725] {strides = array<i32>} : memref<8x8x128xf32, #tpu.memory_space<vmem>>, vector<16xf32>,
        tpu.vector_store %arg10[%swap3A_723, %swap3A_724, %swap3A_725], %get3A_720 {strides = array<i32>} : memref<8x8x128xf32, #tpu.memory_space<vmem>>, vector<16xf32>,
        %get3A_727 = arith.constant 2 : i32
        %get3A_728 = arith.index_cast %get3A_727 : i32 to index
        %get3A_729 = arith.constant 0 : index
        %get3A_730 = tpu.vector_load %arg12[%get3A_728, %get3A_729] {strides = array<i32>} : memref<16x17xf32, #tpu.memory_space<vmem>>, vector<16xf32>,
        %swap3A_731 = arith.constant 2 : i32
        %swap3A_732 = arith.constant 2 : i32
        %swap3A_733 = arith.index_cast %swap3A_731 : i32 to index
        %swap3A_734 = arith.index_cast %swap3A_732 : i32 to index
        %swap3A_735 = arith.index_cast %mul3A_101 : i32 to index
        %swap3A_736 = tpu.vector_load %arg10[%swap3A_733, %swap3A_734, %swap3A_735] {strides = array<i32>} : memref<8x8x128xf32, #tpu.memory_space<vmem>>, vector<16xf32>,
        tpu.vector_store %arg10[%swap3A_733, %swap3A_734, %swap3A_735], %get3A_730 {strides = array<i32>} : memref<8x8x128xf32, #tpu.memory_space<vmem>>, vector<16xf32>,
        %get3A_737 = arith.constant 3 : i32
        %get3A_738 = arith.index_cast %get3A_737 : i32 to index
        %get3A_739 = arith.constant 0 : index
        %get3A_740 = tpu.vector_load %arg12[%get3A_738, %get3A_739] {strides = array<i32>} : memref<16x17xf32, #tpu.memory_space<vmem>>, vector<16xf32>,
        %swap3A_741 = arith.constant 2 : i32
        %swap3A_742 = arith.constant 3 : i32
        %swap3A_743 = arith.index_cast %swap3A_741 : i32 to index
        %swap3A_744 = arith.index_cast %swap3A_742 : i32 to index
        %swap3A_745 = arith.index_cast %mul3A_101 : i32 to index
        %swap3A_746 = tpu.vector_load %arg10[%swap3A_743, %swap3A_744, %swap3A_745] {strides = array<i32>} : memref<8x8x128xf32, #tpu.memory_space<vmem>>, vector<16xf32>,
        tpu.vector_store %arg10[%swap3A_743, %swap3A_744, %swap3A_745], %get3A_740 {strides = array<i32>} : memref<8x8x128xf32, #tpu.memory_space<vmem>>, vector<16xf32>,
        %get3A_747 = arith.constant 4 : i32
        %get3A_748 = arith.index_cast %get3A_747 : i32 to index
        %get3A_749 = arith.constant 0 : index
        %get3A_750 = tpu.vector_load %arg12[%get3A_748, %get3A_749] {strides = array<i32>} : memref<16x17xf32, #tpu.memory_space<vmem>>, vector<16xf32>,
        %swap3A_751 = arith.constant 2 : i32
        %swap3A_752 = arith.constant 4 : i32
        %swap3A_753 = arith.index_cast %swap3A_751 : i32 to index
        %swap3A_754 = arith.index_cast %swap3A_752 : i32 to index
        %swap3A_755 = arith.index_cast %mul3A_101 : i32 to index
        %swap3A_756 = tpu.vector_load %arg10[%swap3A_753, %swap3A_754, %swap3A_755] {strides = array<i32>} : memref<8x8x128xf32, #tpu.memory_space<vmem>>, vector<16xf32>,
        tpu.vector_store %arg10[%swap3A_753, %swap3A_754, %swap3A_755], %get3A_750 {strides = array<i32>} : memref<8x8x128xf32, #tpu.memory_space<vmem>>, vector<16xf32>,
        %get3A_757 = arith.constant 5 : i32
        %get3A_758 = arith.index_cast %get3A_757 : i32 to index
        %get3A_759 = arith.constant 0 : index
        %get3A_760 = tpu.vector_load %arg12[%get3A_758, %get3A_759] {strides = array<i32>} : memref<16x17xf32, #tpu.memory_space<vmem>>, vector<16xf32>,
        %swap3A_761 = arith.constant 2 : i32
        %swap3A_762 = arith.constant 5 : i32
        %swap3A_763 = arith.index_cast %swap3A_761 : i32 to index
        %swap3A_764 = arith.index_cast %swap3A_762 : i32 to index
        %swap3A_765 = arith.index_cast %mul3A_101 : i32 to index
        %swap3A_766 = tpu.vector_load %arg10[%swap3A_763, %swap3A_764, %swap3A_765] {strides = array<i32>} : memref<8x8x128xf32, #tpu.memory_space<vmem>>, vector<16xf32>,
        tpu.vector_store %arg10[%swap3A_763, %swap3A_764, %swap3A_765], %get3A_760 {strides = array<i32>} : memref<8x8x128xf32, #tpu.memory_space<vmem>>, vector<16xf32>,
        %get3A_767 = arith.constant 6 : i32
        %get3A_768 = arith.index_cast %get3A_767 : i32 to index
        %get3A_769 = arith.constant 0 : index
        %get3A_770 = tpu.vector_load %arg12[%get3A_768, %get3A_769] {strides = array<i32>} : memref<16x17xf32, #tpu.memory_space<vmem>>, vector<16xf32>,
        %swap3A_771 = arith.constant 2 : i32
        %swap3A_772 = arith.constant 6 : i32
        %swap3A_773 = arith.index_cast %swap3A_771 : i32 to index
        %swap3A_774 = arith.index_cast %swap3A_772 : i32 to index
        %swap3A_775 = arith.index_cast %mul3A_101 : i32 to index
        %swap3A_776 = tpu.vector_load %arg10[%swap3A_773, %swap3A_774, %swap3A_775] {strides = array<i32>} : memref<8x8x128xf32, #tpu.memory_space<vmem>>, vector<16xf32>,
        tpu.vector_store %arg10[%swap3A_773, %swap3A_774, %swap3A_775], %get3A_770 {strides = array<i32>} : memref<8x8x128xf32, #tpu.memory_space<vmem>>, vector<16xf32>,
        %get3A_777 = arith.constant 7 : i32
        %get3A_778 = arith.index_cast %get3A_777 : i32 to index
        %get3A_779 = arith.constant 0 : index
        %get3A_780 = tpu.vector_load %arg12[%get3A_778, %get3A_779] {strides = array<i32>} : memref<16x17xf32, #tpu.memory_space<vmem>>, vector<16xf32>,
        %swap3A_781 = arith.constant 2 : i32
        %swap3A_782 = arith.constant 7 : i32
        %swap3A_783 = arith.index_cast %swap3A_781 : i32 to index
        %swap3A_784 = arith.index_cast %swap3A_782 : i32 to index
        %swap3A_785 = arith.index_cast %mul3A_101 : i32 to index
        %swap3A_786 = tpu.vector_load %arg10[%swap3A_783, %swap3A_784, %swap3A_785] {strides = array<i32>} : memref<8x8x128xf32, #tpu.memory_space<vmem>>, vector<16xf32>,
        tpu.vector_store %arg10[%swap3A_783, %swap3A_784, %swap3A_785], %get3A_780 {strides = array<i32>} : memref<8x8x128xf32, #tpu.memory_space<vmem>>, vector<16xf32>,
        %get3A_787 = arith.constant 8 : i32
        %get3A_788 = arith.index_cast %get3A_787 : i32 to index
        %get3A_789 = arith.constant 0 : index
        %get3A_790 = tpu.vector_load %arg12[%get3A_788, %get3A_789] {strides = array<i32>} : memref<16x17xf32, #tpu.memory_space<vmem>>, vector<16xf32>,
        %swap3A_791 = arith.constant 3 : i32
        %swap3A_792 = arith.constant 0 : i32
        %swap3A_793 = arith.index_cast %swap3A_791 : i32 to index
        %swap3A_794 = arith.index_cast %swap3A_792 : i32 to index
        %swap3A_795 = arith.index_cast %mul3A_101 : i32 to index
        %swap3A_796 = tpu.vector_load %arg10[%swap3A_793, %swap3A_794, %swap3A_795] {strides = array<i32>} : memref<8x8x128xf32, #tpu.memory_space<vmem>>, vector<16xf32>,
        tpu.vector_store %arg10[%swap3A_793, %swap3A_794, %swap3A_795], %get3A_790 {strides = array<i32>} : memref<8x8x128xf32, #tpu.memory_space<vmem>>, vector<16xf32>,
        %get3A_797 = arith.constant 9 : i32
        %get3A_798 = arith.index_cast %get3A_797 : i32 to index
        %get3A_799 = arith.constant 0 : index
        %get3A_800 = tpu.vector_load %arg12[%get3A_798, %get3A_799] {strides = array<i32>} : memref<16x17xf32, #tpu.memory_space<vmem>>, vector<16xf32>,
        %swap3A_801 = arith.constant 3 : i32
        %swap3A_802 = arith.constant 1 : i32
        %swap3A_803 = arith.index_cast %swap3A_801 : i32 to index
        %swap3A_804 = arith.index_cast %swap3A_802 : i32 to index
        %swap3A_805 = arith.index_cast %mul3A_101 : i32 to index
        %swap3A_806 = tpu.vector_load %arg10[%swap3A_803, %swap3A_804, %swap3A_805] {strides = array<i32>} : memref<8x8x128xf32, #tpu.memory_space<vmem>>, vector<16xf32>,
        tpu.vector_store %arg10[%swap3A_803, %swap3A_804, %swap3A_805], %get3A_800 {strides = array<i32>} : memref<8x8x128xf32, #tpu.memory_space<vmem>>, vector<16xf32>,
        %get3A_807 = arith.constant 10 : i32
        %get3A_808 = arith.index_cast %get3A_807 : i32 to index
        %get3A_809 = arith.constant 0 : index
        %get3A_810 = tpu.vector_load %arg12[%get3A_808, %get3A_809] {strides = array<i32>} : memref<16x17xf32, #tpu.memory_space<vmem>>, vector<16xf32>,
        %swap3A_811 = arith.constant 3 : i32
        %swap3A_812 = arith.constant 2 : i32
        %swap3A_813 = arith.index_cast %swap3A_811 : i32 to index
        %swap3A_814 = arith.index_cast %swap3A_812 : i32 to index
        %swap3A_815 = arith.index_cast %mul3A_101 : i32 to index
        %swap3A_816 = tpu.vector_load %arg10[%swap3A_813, %swap3A_814, %swap3A_815] {strides = array<i32>} : memref<8x8x128xf32, #tpu.memory_space<vmem>>, vector<16xf32>,
        tpu.vector_store %arg10[%swap3A_813, %swap3A_814, %swap3A_815], %get3A_810 {strides = array<i32>} : memref<8x8x128xf32, #tpu.memory_space<vmem>>, vector<16xf32>,
        %get3A_817 = arith.constant 11 : i32
        %get3A_818 = arith.index_cast %get3A_817 : i32 to index
        %get3A_819 = arith.constant 0 : index
        %get3A_820 = tpu.vector_load %arg12[%get3A_818, %get3A_819] {strides = array<i32>} : memref<16x17xf32, #tpu.memory_space<vmem>>, vector<16xf32>,
        %swap3A_821 = arith.constant 3 : i32
        %swap3A_822 = arith.constant 3 : i32
        %swap3A_823 = arith.index_cast %swap3A_821 : i32 to index
        %swap3A_824 = arith.index_cast %swap3A_822 : i32 to index
        %swap3A_825 = arith.index_cast %mul3A_101 : i32 to index
        %swap3A_826 = tpu.vector_load %arg10[%swap3A_823, %swap3A_824, %swap3A_825] {strides = array<i32>} : memref<8x8x128xf32, #tpu.memory_space<vmem>>, vector<16xf32>,
        tpu.vector_store %arg10[%swap3A_823, %swap3A_824, %swap3A_825], %get3A_820 {strides = array<i32>} : memref<8x8x128xf32, #tpu.memory_space<vmem>>, vector<16xf32>,
        %get3A_827 = arith.constant 12 : i32
        %get3A_828 = arith.index_cast %get3A_827 : i32 to index
        %get3A_829 = arith.constant 0 : index
        %get3A_830 = tpu.vector_load %arg12[%get3A_828, %get3A_829] {strides = array<i32>} : memref<16x17xf32, #tpu.memory_space<vmem>>, vector<16xf32>,
        %swap3A_831 = arith.constant 3 : i32
        %swap3A_832 = arith.constant 4 : i32
        %swap3A_833 = arith.index_cast %swap3A_831 : i32 to index
        %swap3A_834 = arith.index_cast %swap3A_832 : i32 to index
        %swap3A_835 = arith.index_cast %mul3A_101 : i32 to index
        %swap3A_836 = tpu.vector_load %arg10[%swap3A_833, %swap3A_834, %swap3A_835] {strides = array<i32>} : memref<8x8x128xf32, #tpu.memory_space<vmem>>, vector<16xf32>,
        tpu.vector_store %arg10[%swap3A_833, %swap3A_834, %swap3A_835], %get3A_830 {strides = array<i32>} : memref<8x8x128xf32, #tpu.memory_space<vmem>>, vector<16xf32>,
        %get3A_837 = arith.constant 13 : i32
        %get3A_838 = arith.index_cast %get3A_837 : i32 to index
        %get3A_839 = arith.constant 0 : index
        %get3A_840 = tpu.vector_load %arg12[%get3A_838, %get3A_839] {strides = array<i32>} : memref<16x17xf32, #tpu.memory_space<vmem>>, vector<16xf32>,
        %swap3A_841 = arith.constant 3 : i32
        %swap3A_842 = arith.constant 5 : i32
        %swap3A_843 = arith.index_cast %swap3A_841 : i32 to index
        %swap3A_844 = arith.index_cast %swap3A_842 : i32 to index
        %swap3A_845 = arith.index_cast %mul3A_101 : i32 to index
        %swap3A_846 = tpu.vector_load %arg10[%swap3A_843, %swap3A_844, %swap3A_845] {strides = array<i32>} : memref<8x8x128xf32, #tpu.memory_space<vmem>>, vector<16xf32>,
        tpu.vector_store %arg10[%swap3A_843, %swap3A_844, %swap3A_845], %get3A_840 {strides = array<i32>} : memref<8x8x128xf32, #tpu.memory_space<vmem>>, vector<16xf32>,
        %get3A_847 = arith.constant 14 : i32
        %get3A_848 = arith.index_cast %get3A_847 : i32 to index
        %get3A_849 = arith.constant 0 : index
        %get3A_850 = tpu.vector_load %arg12[%get3A_848, %get3A_849] {strides = array<i32>} : memref<16x17xf32, #tpu.memory_space<vmem>>, vector<16xf32>,
        %swap3A_851 = arith.constant 3 : i32
        %swap3A_852 = arith.constant 6 : i32
        %swap3A_853 = arith.index_cast %swap3A_851 : i32 to index
        %swap3A_854 = arith.index_cast %swap3A_852 : i32 to index
        %swap3A_855 = arith.index_cast %mul3A_101 : i32 to index
        %swap3A_856 = tpu.vector_load %arg10[%swap3A_853, %swap3A_854, %swap3A_855] {strides = array<i32>} : memref<8x8x128xf32, #tpu.memory_space<vmem>>, vector<16xf32>,
        tpu.vector_store %arg10[%swap3A_853, %swap3A_854, %swap3A_855], %get3A_850 {strides = array<i32>} : memref<8x8x128xf32, #tpu.memory_space<vmem>>, vector<16xf32>,
        %get3A_857 = arith.constant 15 : i32
        %get3A_858 = arith.index_cast %get3A_857 : i32 to index
        %get3A_859 = arith.constant 0 : index
        %get3A_860 = tpu.vector_load %arg12[%get3A_858, %get3A_859] {strides = array<i32>} : memref<16x17xf32, #tpu.memory_space<vmem>>, vector<16xf32>,
        %swap3A_861 = arith.constant 3 : i32
        %swap3A_862 = arith.constant 7 : i32
        %swap3A_863 = arith.index_cast %swap3A_861 : i32 to index
        %swap3A_864 = arith.index_cast %swap3A_862 : i32 to index
        %swap3A_865 = arith.index_cast %mul3A_101 : i32 to index
        %swap3A_866 = tpu.vector_load %arg10[%swap3A_863, %swap3A_864, %swap3A_865] {strides = array<i32>} : memref<8x8x128xf32, #tpu.memory_space<vmem>>, vector<16xf32>,
        tpu.vector_store %arg10[%swap3A_863, %swap3A_864, %swap3A_865], %get3A_860 {strides = array<i32>} : memref<8x8x128xf32, #tpu.memory_space<vmem>>, vector<16xf32>,
        %get3A_867 = arith.constant 0 : i32
        %get3A_868 = arith.index_cast %get3A_867 : i32 to index
        %get3A_869 = arith.constant 0 : index
        %get3A_870 = tpu.vector_load %arg13[%get3A_868, %get3A_869] {strides = array<i32>} : memref<16x17xf32, #tpu.memory_space<vmem>>, vector<16xf32>,
        %swap3A_871 = arith.constant 4 : i32
        %swap3A_872 = arith.constant 0 : i32
        %swap3A_873 = arith.index_cast %swap3A_871 : i32 to index
        %swap3A_874 = arith.index_cast %swap3A_872 : i32 to index
        %swap3A_875 = arith.index_cast %mul3A_101 : i32 to index
        %swap3A_876 = tpu.vector_load %arg10[%swap3A_873, %swap3A_874, %swap3A_875] {strides = array<i32>} : memref<8x8x128xf32, #tpu.memory_space<vmem>>, vector<16xf32>,
        tpu.vector_store %arg10[%swap3A_873, %swap3A_874, %swap3A_875], %get3A_870 {strides = array<i32>} : memref<8x8x128xf32, #tpu.memory_space<vmem>>, vector<16xf32>,
        %get3A_877 = arith.constant 1 : i32
        %get3A_878 = arith.index_cast %get3A_877 : i32 to index
        %get3A_879 = arith.constant 0 : index
        %get3A_880 = tpu.vector_load %arg13[%get3A_878, %get3A_879] {strides = array<i32>} : memref<16x17xf32, #tpu.memory_space<vmem>>, vector<16xf32>,
        %swap3A_881 = arith.constant 4 : i32
        %swap3A_882 = arith.constant 1 : i32
        %swap3A_883 = arith.index_cast %swap3A_881 : i32 to index
        %swap3A_884 = arith.index_cast %swap3A_882 : i32 to index
        %swap3A_885 = arith.index_cast %mul3A_101 : i32 to index
        %swap3A_886 = tpu.vector_load %arg10[%swap3A_883, %swap3A_884, %swap3A_885] {strides = array<i32>} : memref<8x8x128xf32, #tpu.memory_space<vmem>>, vector<16xf32>,
        tpu.vector_store %arg10[%swap3A_883, %swap3A_884, %swap3A_885], %get3A_880 {strides = array<i32>} : memref<8x8x128xf32, #tpu.memory_space<vmem>>, vector<16xf32>,
        %get3A_887 = arith.constant 2 : i32
        %get3A_888 = arith.index_cast %get3A_887 : i32 to index
        %get3A_889 = arith.constant 0 : index
        %get3A_890 = tpu.vector_load %arg13[%get3A_888, %get3A_889] {strides = array<i32>} : memref<16x17xf32, #tpu.memory_space<vmem>>, vector<16xf32>,
        %swap3A_891 = arith.constant 4 : i32
        %swap3A_892 = arith.constant 2 : i32
        %swap3A_893 = arith.index_cast %swap3A_891 : i32 to index
        %swap3A_894 = arith.index_cast %swap3A_892 : i32 to index
        %swap3A_895 = arith.index_cast %mul3A_101 : i32 to index
        %swap3A_896 = tpu.vector_load %arg10[%swap3A_893, %swap3A_894, %swap3A_895] {strides = array<i32>} : memref<8x8x128xf32, #tpu.memory_space<vmem>>, vector<16xf32>,
        tpu.vector_store %arg10[%swap3A_893, %swap3A_894, %swap3A_895], %get3A_890 {strides = array<i32>} : memref<8x8x128xf32, #tpu.memory_space<vmem>>, vector<16xf32>,
        %get3A_897 = arith.constant 3 : i32
        %get3A_898 = arith.index_cast %get3A_897 : i32 to index
        %get3A_899 = arith.constant 0 : index
        %get3A_900 = tpu.vector_load %arg13[%get3A_898, %get3A_899] {strides = array<i32>} : memref<16x17xf32, #tpu.memory_space<vmem>>, vector<16xf32>,
        %swap3A_901 = arith.constant 4 : i32
        %swap3A_902 = arith.constant 3 : i32
        %swap3A_903 = arith.index_cast %swap3A_901 : i32 to index
        %swap3A_904 = arith.index_cast %swap3A_902 : i32 to index
        %swap3A_905 = arith.index_cast %mul3A_101 : i32 to index
        %swap3A_906 = tpu.vector_load %arg10[%swap3A_903, %swap3A_904, %swap3A_905] {strides = array<i32>} : memref<8x8x128xf32, #tpu.memory_space<vmem>>, vector<16xf32>,
        tpu.vector_store %arg10[%swap3A_903, %swap3A_904, %swap3A_905], %get3A_900 {strides = array<i32>} : memref<8x8x128xf32, #tpu.memory_space<vmem>>, vector<16xf32>,
        %get3A_907 = arith.constant 4 : i32
        %get3A_908 = arith.index_cast %get3A_907 : i32 to index
        %get3A_909 = arith.constant 0 : index
        %get3A_910 = tpu.vector_load %arg13[%get3A_908, %get3A_909] {strides = array<i32>} : memref<16x17xf32, #tpu.memory_space<vmem>>, vector<16xf32>,
        %swap3A_911 = arith.constant 4 : i32
        %swap3A_912 = arith.constant 4 : i32
        %swap3A_913 = arith.index_cast %swap3A_911 : i32 to index
        %swap3A_914 = arith.index_cast %swap3A_912 : i32 to index
        %swap3A_915 = arith.index_cast %mul3A_101 : i32 to index
        %swap3A_916 = tpu.vector_load %arg10[%swap3A_913, %swap3A_914, %swap3A_915] {strides = array<i32>} : memref<8x8x128xf32, #tpu.memory_space<vmem>>, vector<16xf32>,
        tpu.vector_store %arg10[%swap3A_913, %swap3A_914, %swap3A_915], %get3A_910 {strides = array<i32>} : memref<8x8x128xf32, #tpu.memory_space<vmem>>, vector<16xf32>,
        %get3A_917 = arith.constant 5 : i32
        %get3A_918 = arith.index_cast %get3A_917 : i32 to index
        %get3A_919 = arith.constant 0 : index
        %get3A_920 = tpu.vector_load %arg13[%get3A_918, %get3A_919] {strides = array<i32>} : memref<16x17xf32, #tpu.memory_space<vmem>>, vector<16xf32>,
        %swap3A_921 = arith.constant 4 : i32
        %swap3A_922 = arith.constant 5 : i32
        %swap3A_923 = arith.index_cast %swap3A_921 : i32 to index
        %swap3A_924 = arith.index_cast %swap3A_922 : i32 to index
        %swap3A_925 = arith.index_cast %mul3A_101 : i32 to index
        %swap3A_926 = tpu.vector_load %arg10[%swap3A_923, %swap3A_924, %swap3A_925] {strides = array<i32>} : memref<8x8x128xf32, #tpu.memory_space<vmem>>, vector<16xf32>,
        tpu.vector_store %arg10[%swap3A_923, %swap3A_924, %swap3A_925], %get3A_920 {strides = array<i32>} : memref<8x8x128xf32, #tpu.memory_space<vmem>>, vector<16xf32>,
        %get3A_927 = arith.constant 6 : i32
        %get3A_928 = arith.index_cast %get3A_927 : i32 to index
        %get3A_929 = arith.constant 0 : index
        %get3A_930 = tpu.vector_load %arg13[%get3A_928, %get3A_929] {strides = array<i32>} : memref<16x17xf32, #tpu.memory_space<vmem>>, vector<16xf32>,
        %swap3A_931 = arith.constant 4 : i32
        %swap3A_932 = arith.constant 6 : i32
        %swap3A_933 = arith.index_cast %swap3A_931 : i32 to index
        %swap3A_934 = arith.index_cast %swap3A_932 : i32 to index
        %swap3A_935 = arith.index_cast %mul3A_101 : i32 to index
        %swap3A_936 = tpu.vector_load %arg10[%swap3A_933, %swap3A_934, %swap3A_935] {strides = array<i32>} : memref<8x8x128xf32, #tpu.memory_space<vmem>>, vector<16xf32>,
        tpu.vector_store %arg10[%swap3A_933, %swap3A_934, %swap3A_935], %get3A_930 {strides = array<i32>} : memref<8x8x128xf32, #tpu.memory_space<vmem>>, vector<16xf32>,
        %get3A_937 = arith.constant 7 : i32
        %get3A_938 = arith.index_cast %get3A_937 : i32 to index
        %get3A_939 = arith.constant 0 : index
        %get3A_940 = tpu.vector_load %arg13[%get3A_938, %get3A_939] {strides = array<i32>} : memref<16x17xf32, #tpu.memory_space<vmem>>, vector<16xf32>,
        %swap3A_941 = arith.constant 4 : i32
        %swap3A_942 = arith.constant 7 : i32
        %swap3A_943 = arith.index_cast %swap3A_941 : i32 to index
        %swap3A_944 = arith.index_cast %swap3A_942 : i32 to index
        %swap3A_945 = arith.index_cast %mul3A_101 : i32 to index
        %swap3A_946 = tpu.vector_load %arg10[%swap3A_943, %swap3A_944, %swap3A_945] {strides = array<i32>} : memref<8x8x128xf32, #tpu.memory_space<vmem>>, vector<16xf32>,
        tpu.vector_store %arg10[%swap3A_943, %swap3A_944, %swap3A_945], %get3A_940 {strides = array<i32>} : memref<8x8x128xf32, #tpu.memory_space<vmem>>, vector<16xf32>,
        %get3A_947 = arith.constant 8 : i32
        %get3A_948 = arith.index_cast %get3A_947 : i32 to index
        %get3A_949 = arith.constant 0 : index
        %get3A_950 = tpu.vector_load %arg13[%get3A_948, %get3A_949] {strides = array<i32>} : memref<16x17xf32, #tpu.memory_space<vmem>>, vector<16xf32>,
        %swap3A_951 = arith.constant 5 : i32
        %swap3A_952 = arith.constant 0 : i32
        %swap3A_953 = arith.index_cast %swap3A_951 : i32 to index
        %swap3A_954 = arith.index_cast %swap3A_952 : i32 to index
        %swap3A_955 = arith.index_cast %mul3A_101 : i32 to index
        %swap3A_956 = tpu.vector_load %arg10[%swap3A_953, %swap3A_954, %swap3A_955] {strides = array<i32>} : memref<8x8x128xf32, #tpu.memory_space<vmem>>, vector<16xf32>,
        tpu.vector_store %arg10[%swap3A_953, %swap3A_954, %swap3A_955], %get3A_950 {strides = array<i32>} : memref<8x8x128xf32, #tpu.memory_space<vmem>>, vector<16xf32>,
        %get3A_957 = arith.constant 9 : i32
        %get3A_958 = arith.index_cast %get3A_957 : i32 to index
        %get3A_959 = arith.constant 0 : index
        %get3A_960 = tpu.vector_load %arg13[%get3A_958, %get3A_959] {strides = array<i32>} : memref<16x17xf32, #tpu.memory_space<vmem>>, vector<16xf32>,
        %swap3A_961 = arith.constant 5 : i32
        %swap3A_962 = arith.constant 1 : i32
        %swap3A_963 = arith.index_cast %swap3A_961 : i32 to index
        %swap3A_964 = arith.index_cast %swap3A_962 : i32 to index
        %swap3A_965 = arith.index_cast %mul3A_101 : i32 to index
        %swap3A_966 = tpu.vector_load %arg10[%swap3A_963, %swap3A_964, %swap3A_965] {strides = array<i32>} : memref<8x8x128xf32, #tpu.memory_space<vmem>>, vector<16xf32>,
        tpu.vector_store %arg10[%swap3A_963, %swap3A_964, %swap3A_965], %get3A_960 {strides = array<i32>} : memref<8x8x128xf32, #tpu.memory_space<vmem>>, vector<16xf32>,
        %get3A_967 = arith.constant 10 : i32
        %get3A_968 = arith.index_cast %get3A_967 : i32 to index
        %get3A_969 = arith.constant 0 : index
        %get3A_970 = tpu.vector_load %arg13[%get3A_968, %get3A_969] {strides = array<i32>} : memref<16x17xf32, #tpu.memory_space<vmem>>, vector<16xf32>,
        %swap3A_971 = arith.constant 5 : i32
        %swap3A_972 = arith.constant 2 : i32
        %swap3A_973 = arith.index_cast %swap3A_971 : i32 to index
        %swap3A_974 = arith.index_cast %swap3A_972 : i32 to index
        %swap3A_975 = arith.index_cast %mul3A_101 : i32 to index
        %swap3A_976 = tpu.vector_load %arg10[%swap3A_973, %swap3A_974, %swap3A_975] {strides = array<i32>} : memref<8x8x128xf32, #tpu.memory_space<vmem>>, vector<16xf32>,
        tpu.vector_store %arg10[%swap3A_973, %swap3A_974, %swap3A_975], %get3A_970 {strides = array<i32>} : memref<8x8x128xf32, #tpu.memory_space<vmem>>, vector<16xf32>,
        %get3A_977 = arith.constant 11 : i32
        %get3A_978 = arith.index_cast %get3A_977 : i32 to index
        %get3A_979 = arith.constant 0 : index
        %get3A_980 = tpu.vector_load %arg13[%get3A_978, %get3A_979] {strides = array<i32>} : memref<16x17xf32, #tpu.memory_space<vmem>>, vector<16xf32>,
        %swap3A_981 = arith.constant 5 : i32
        %swap3A_982 = arith.constant 3 : i32
        %swap3A_983 = arith.index_cast %swap3A_981 : i32 to index
        %swap3A_984 = arith.index_cast %swap3A_982 : i32 to index
        %swap3A_985 = arith.index_cast %mul3A_101 : i32 to index
        %swap3A_986 = tpu.vector_load %arg10[%swap3A_983, %swap3A_984, %swap3A_985] {strides = array<i32>} : memref<8x8x128xf32, #tpu.memory_space<vmem>>, vector<16xf32>,
        tpu.vector_store %arg10[%swap3A_983, %swap3A_984, %swap3A_985], %get3A_980 {strides = array<i32>} : memref<8x8x128xf32, #tpu.memory_space<vmem>>, vector<16xf32>,
        %get3A_987 = arith.constant 12 : i32
        %get3A_988 = arith.index_cast %get3A_987 : i32 to index
        %get3A_989 = arith.constant 0 : index
        %get3A_990 = tpu.vector_load %arg13[%get3A_988, %get3A_989] {strides = array<i32>} : memref<16x17xf32, #tpu.memory_space<vmem>>, vector<16xf32>,
        %swap3A_991 = arith.constant 5 : i32
        %swap3A_992 = arith.constant 4 : i32
        %swap3A_993 = arith.index_cast %swap3A_991 : i32 to index
        %swap3A_994 = arith.index_cast %swap3A_992 : i32 to index
        %swap3A_995 = arith.index_cast %mul3A_101 : i32 to index
        %swap3A_996 = tpu.vector_load %arg10[%swap3A_993, %swap3A_994, %swap3A_995] {strides = array<i32>} : memref<8x8x128xf32, #tpu.memory_space<vmem>>, vector<16xf32>,
        tpu.vector_store %arg10[%swap3A_993, %swap3A_994, %swap3A_995], %get3A_990 {strides = array<i32>} : memref<8x8x128xf32, #tpu.memory_space<vmem>>, vector<16xf32>,
        %get3A_997 = arith.constant 13 : i32
        %get3A_998 = arith.index_cast %get3A_997 : i32 to index
        %get3A_999 = arith.constant 0 : index
        %get3A_1000 = tpu.vector_load %arg13[%get3A_998, %get3A_999] {strides = array<i32>} : memref<16x17xf32, #tpu.memory_space<vmem>>, vector<16xf32>,
        %swap3A_1001 = arith.constant 5 : i32
        %swap3A_1002 = arith.constant 5 : i32
        %swap3A_1003 = arith.index_cast %swap3A_1001 : i32 to index
        %swap3A_1004 = arith.index_cast %swap3A_1002 : i32 to index
        %swap3A_1005 = arith.index_cast %mul3A_101 : i32 to index
        %swap3A_1006 = tpu.vector_load %arg10[%swap3A_1003, %swap3A_1004, %swap3A_1005] {strides = array<i32>} : memref<8x8x128xf32, #tpu.memory_space<vmem>>, vector<16xf32>,
        tpu.vector_store %arg10[%swap3A_1003, %swap3A_1004, %swap3A_1005], %get3A_1000 {strides = array<i32>} : memref<8x8x128xf32, #tpu.memory_space<vmem>>, vector<16xf32>,
        %get3A_1007 = arith.constant 14 : i32
        %get3A_1008 = arith.index_cast %get3A_1007 : i32 to index
        %get3A_1009 = arith.constant 0 : index
        %get3A_1010 = tpu.vector_load %arg13[%get3A_1008, %get3A_1009] {strides = array<i32>} : memref<16x17xf32, #tpu.memory_space<vmem>>, vector<16xf32>,
        %swap3A_1011 = arith.constant 5 : i32
        %swap3A_1012 = arith.constant 6 : i32
        %swap3A_1013 = arith.index_cast %swap3A_1011 : i32 to index
        %swap3A_1014 = arith.index_cast %swap3A_1012 : i32 to index
        %swap3A_1015 = arith.index_cast %mul3A_101 : i32 to index
        %swap3A_1016 = tpu.vector_load %arg10[%swap3A_1013, %swap3A_1014, %swap3A_1015] {strides = array<i32>} : memref<8x8x128xf32, #tpu.memory_space<vmem>>, vector<16xf32>,
        tpu.vector_store %arg10[%swap3A_1013, %swap3A_1014, %swap3A_1015], %get3A_1010 {strides = array<i32>} : memref<8x8x128xf32, #tpu.memory_space<vmem>>, vector<16xf32>,
        %get3A_1017 = arith.constant 15 : i32
        %get3A_1018 = arith.index_cast %get3A_1017 : i32 to index
        %get3A_1019 = arith.constant 0 : index
        %get3A_1020 = tpu.vector_load %arg13[%get3A_1018, %get3A_1019] {strides = array<i32>} : memref<16x17xf32, #tpu.memory_space<vmem>>, vector<16xf32>,
        %swap3A_1021 = arith.constant 5 : i32
        %swap3A_1022 = arith.constant 7 : i32
        %swap3A_1023 = arith.index_cast %swap3A_1021 : i32 to index
        %swap3A_1024 = arith.index_cast %swap3A_1022 : i32 to index
        %swap3A_1025 = arith.index_cast %mul3A_101 : i32 to index
        %swap3A_1026 = tpu.vector_load %arg10[%swap3A_1023, %swap3A_1024, %swap3A_1025] {strides = array<i32>} : memref<8x8x128xf32, #tpu.memory_space<vmem>>, vector<16xf32>,
        tpu.vector_store %arg10[%swap3A_1023, %swap3A_1024, %swap3A_1025], %get3A_1020 {strides = array<i32>} : memref<8x8x128xf32, #tpu.memory_space<vmem>>, vector<16xf32>,
        %get3A_1027 = arith.constant 0 : i32
        %get3A_1028 = arith.index_cast %get3A_1027 : i32 to index
        %get3A_1029 = arith.constant 0 : index
        %get3A_1030 = tpu.vector_load %arg14[%get3A_1028, %get3A_1029] {strides = array<i32>} : memref<16x17xf32, #tpu.memory_space<vmem>>, vector<16xf32>,
        %swap3A_1031 = arith.constant 6 : i32
        %swap3A_1032 = arith.constant 0 : i32
        %swap3A_1033 = arith.index_cast %swap3A_1031 : i32 to index
        %swap3A_1034 = arith.index_cast %swap3A_1032 : i32 to index
        %swap3A_1035 = arith.index_cast %mul3A_101 : i32 to index
        %swap3A_1036 = tpu.vector_load %arg10[%swap3A_1033, %swap3A_1034, %swap3A_1035] {strides = array<i32>} : memref<8x8x128xf32, #tpu.memory_space<vmem>>, vector<16xf32>,
        tpu.vector_store %arg10[%swap3A_1033, %swap3A_1034, %swap3A_1035], %get3A_1030 {strides = array<i32>} : memref<8x8x128xf32, #tpu.memory_space<vmem>>, vector<16xf32>,
        %get3A_1037 = arith.constant 1 : i32
        %get3A_1038 = arith.index_cast %get3A_1037 : i32 to index
        %get3A_1039 = arith.constant 0 : index
        %get3A_1040 = tpu.vector_load %arg14[%get3A_1038, %get3A_1039] {strides = array<i32>} : memref<16x17xf32, #tpu.memory_space<vmem>>, vector<16xf32>,
        %swap3A_1041 = arith.constant 6 : i32
        %swap3A_1042 = arith.constant 1 : i32
        %swap3A_1043 = arith.index_cast %swap3A_1041 : i32 to index
        %swap3A_1044 = arith.index_cast %swap3A_1042 : i32 to index
        %swap3A_1045 = arith.index_cast %mul3A_101 : i32 to index
        %swap3A_1046 = tpu.vector_load %arg10[%swap3A_1043, %swap3A_1044, %swap3A_1045] {strides = array<i32>} : memref<8x8x128xf32, #tpu.memory_space<vmem>>, vector<16xf32>,
        tpu.vector_store %arg10[%swap3A_1043, %swap3A_1044, %swap3A_1045], %get3A_1040 {strides = array<i32>} : memref<8x8x128xf32, #tpu.memory_space<vmem>>, vector<16xf32>,
        %get3A_1047 = arith.constant 2 : i32
        %get3A_1048 = arith.index_cast %get3A_1047 : i32 to index
        %get3A_1049 = arith.constant 0 : index
        %get3A_1050 = tpu.vector_load %arg14[%get3A_1048, %get3A_1049] {strides = array<i32>} : memref<16x17xf32, #tpu.memory_space<vmem>>, vector<16xf32>,
        %swap3A_1051 = arith.constant 6 : i32
        %swap3A_1052 = arith.constant 2 : i32
        %swap3A_1053 = arith.index_cast %swap3A_1051 : i32 to index
        %swap3A_1054 = arith.index_cast %swap3A_1052 : i32 to index
        %swap3A_1055 = arith.index_cast %mul3A_101 : i32 to index
        %swap3A_1056 = tpu.vector_load %arg10[%swap3A_1053, %swap3A_1054, %swap3A_1055] {strides = array<i32>} : memref<8x8x128xf32, #tpu.memory_space<vmem>>, vector<16xf32>,
        tpu.vector_store %arg10[%swap3A_1053, %swap3A_1054, %swap3A_1055], %get3A_1050 {strides = array<i32>} : memref<8x8x128xf32, #tpu.memory_space<vmem>>, vector<16xf32>,
        %get3A_1057 = arith.constant 3 : i32
        %get3A_1058 = arith.index_cast %get3A_1057 : i32 to index
        %get3A_1059 = arith.constant 0 : index
        %get3A_1060 = tpu.vector_load %arg14[%get3A_1058, %get3A_1059] {strides = array<i32>} : memref<16x17xf32, #tpu.memory_space<vmem>>, vector<16xf32>,
        %swap3A_1061 = arith.constant 6 : i32
        %swap3A_1062 = arith.constant 3 : i32
        %swap3A_1063 = arith.index_cast %swap3A_1061 : i32 to index
        %swap3A_1064 = arith.index_cast %swap3A_1062 : i32 to index
        %swap3A_1065 = arith.index_cast %mul3A_101 : i32 to index
        %swap3A_1066 = tpu.vector_load %arg10[%swap3A_1063, %swap3A_1064, %swap3A_1065] {strides = array<i32>} : memref<8x8x128xf32, #tpu.memory_space<vmem>>, vector<16xf32>,
        tpu.vector_store %arg10[%swap3A_1063, %swap3A_1064, %swap3A_1065], %get3A_1060 {strides = array<i32>} : memref<8x8x128xf32, #tpu.memory_space<vmem>>, vector<16xf32>,
        %get3A_1067 = arith.constant 4 : i32
        %get3A_1068 = arith.index_cast %get3A_1067 : i32 to index
        %get3A_1069 = arith.constant 0 : index
        %get3A_1070 = tpu.vector_load %arg14[%get3A_1068, %get3A_1069] {strides = array<i32>} : memref<16x17xf32, #tpu.memory_space<vmem>>, vector<16xf32>,
        %swap3A_1071 = arith.constant 6 : i32
        %swap3A_1072 = arith.constant 4 : i32
        %swap3A_1073 = arith.index_cast %swap3A_1071 : i32 to index
        %swap3A_1074 = arith.index_cast %swap3A_1072 : i32 to index
        %swap3A_1075 = arith.index_cast %mul3A_101 : i32 to index
        %swap3A_1076 = tpu.vector_load %arg10[%swap3A_1073, %swap3A_1074, %swap3A_1075] {strides = array<i32>} : memref<8x8x128xf32, #tpu.memory_space<vmem>>, vector<16xf32>,
        tpu.vector_store %arg10[%swap3A_1073, %swap3A_1074, %swap3A_1075], %get3A_1070 {strides = array<i32>} : memref<8x8x128xf32, #tpu.memory_space<vmem>>, vector<16xf32>,
        %get3A_1077 = arith.constant 5 : i32
        %get3A_1078 = arith.index_cast %get3A_1077 : i32 to index
        %get3A_1079 = arith.constant 0 : index
        %get3A_1080 = tpu.vector_load %arg14[%get3A_1078, %get3A_1079] {strides = array<i32>} : memref<16x17xf32, #tpu.memory_space<vmem>>, vector<16xf32>,
        %swap3A_1081 = arith.constant 6 : i32
        %swap3A_1082 = arith.constant 5 : i32
        %swap3A_1083 = arith.index_cast %swap3A_1081 : i32 to index
        %swap3A_1084 = arith.index_cast %swap3A_1082 : i32 to index
        %swap3A_1085 = arith.index_cast %mul3A_101 : i32 to index
        %swap3A_1086 = tpu.vector_load %arg10[%swap3A_1083, %swap3A_1084, %swap3A_1085] {strides = array<i32>} : memref<8x8x128xf32, #tpu.memory_space<vmem>>, vector<16xf32>,
        tpu.vector_store %arg10[%swap3A_1083, %swap3A_1084, %swap3A_1085], %get3A_1080 {strides = array<i32>} : memref<8x8x128xf32, #tpu.memory_space<vmem>>, vector<16xf32>,
        %get3A_1087 = arith.constant 6 : i32
        %get3A_1088 = arith.index_cast %get3A_1087 : i32 to index
        %get3A_1089 = arith.constant 0 : index
        %get3A_1090 = tpu.vector_load %arg14[%get3A_1088, %get3A_1089] {strides = array<i32>} : memref<16x17xf32, #tpu.memory_space<vmem>>, vector<16xf32>,
        %swap3A_1091 = arith.constant 6 : i32
        %swap3A_1092 = arith.constant 6 : i32
        %swap3A_1093 = arith.index_cast %swap3A_1091 : i32 to index
        %swap3A_1094 = arith.index_cast %swap3A_1092 : i32 to index
        %swap3A_1095 = arith.index_cast %mul3A_101 : i32 to index
        %swap3A_1096 = tpu.vector_load %arg10[%swap3A_1093, %swap3A_1094, %swap3A_1095] {strides = array<i32>} : memref<8x8x128xf32, #tpu.memory_space<vmem>>, vector<16xf32>,
        tpu.vector_store %arg10[%swap3A_1093, %swap3A_1094, %swap3A_1095], %get3A_1090 {strides = array<i32>} : memref<8x8x128xf32, #tpu.memory_space<vmem>>, vector<16xf32>,
        %get3A_1097 = arith.constant 7 : i32
        %get3A_1098 = arith.index_cast %get3A_1097 : i32 to index
        %get3A_1099 = arith.constant 0 : index
        %get3A_1100 = tpu.vector_load %arg14[%get3A_1098, %get3A_1099] {strides = array<i32>} : memref<16x17xf32, #tpu.memory_space<vmem>>, vector<16xf32>,
        %swap3A_1101 = arith.constant 6 : i32
        %swap3A_1102 = arith.constant 7 : i32
        %swap3A_1103 = arith.index_cast %swap3A_1101 : i32 to index
        %swap3A_1104 = arith.index_cast %swap3A_1102 : i32 to index
        %swap3A_1105 = arith.index_cast %mul3A_101 : i32 to index
        %swap3A_1106 = tpu.vector_load %arg10[%swap3A_1103, %swap3A_1104, %swap3A_1105] {strides = array<i32>} : memref<8x8x128xf32, #tpu.memory_space<vmem>>, vector<16xf32>,
        tpu.vector_store %arg10[%swap3A_1103, %swap3A_1104, %swap3A_1105], %get3A_1100 {strides = array<i32>} : memref<8x8x128xf32, #tpu.memory_space<vmem>>, vector<16xf32>,
        %get3A_1107 = arith.constant 8 : i32
        %get3A_1108 = arith.index_cast %get3A_1107 : i32 to index
        %get3A_1109 = arith.constant 0 : index
        %get3A_1110 = tpu.vector_load %arg14[%get3A_1108, %get3A_1109] {strides = array<i32>} : memref<16x17xf32, #tpu.memory_space<vmem>>, vector<16xf32>,
        %swap3A_1111 = arith.constant 7 : i32
        %swap3A_1112 = arith.constant 0 : i32
        %swap3A_1113 = arith.index_cast %swap3A_1111 : i32 to index
        %swap3A_1114 = arith.index_cast %swap3A_1112 : i32 to index
        %swap3A_1115 = arith.index_cast %mul3A_101 : i32 to index
        %swap3A_1116 = tpu.vector_load %arg10[%swap3A_1113, %swap3A_1114, %swap3A_1115] {strides = array<i32>} : memref<8x8x128xf32, #tpu.memory_space<vmem>>, vector<16xf32>,
        tpu.vector_store %arg10[%swap3A_1113, %swap3A_1114, %swap3A_1115], %get3A_1110 {strides = array<i32>} : memref<8x8x128xf32, #tpu.memory_space<vmem>>, vector<16xf32>,
        %get3A_1117 = arith.constant 9 : i32
        %get3A_1118 = arith.index_cast %get3A_1117 : i32 to index
        %get3A_1119 = arith.constant 0 : index
        %get3A_1120 = tpu.vector_load %arg14[%get3A_1118, %get3A_1119] {strides = array<i32>} : memref<16x17xf32, #tpu.memory_space<vmem>>, vector<16xf32>,
        %swap3A_1121 = arith.constant 7 : i32
        %swap3A_1122 = arith.constant 1 : i32
        %swap3A_1123 = arith.index_cast %swap3A_1121 : i32 to index
        %swap3A_1124 = arith.index_cast %swap3A_1122 : i32 to index
        %swap3A_1125 = arith.index_cast %mul3A_101 : i32 to index
        %swap3A_1126 = tpu.vector_load %arg10[%swap3A_1123, %swap3A_1124, %swap3A_1125] {strides = array<i32>} : memref<8x8x128xf32, #tpu.memory_space<vmem>>, vector<16xf32>,
        tpu.vector_store %arg10[%swap3A_1123, %swap3A_1124, %swap3A_1125], %get3A_1120 {strides = array<i32>} : memref<8x8x128xf32, #tpu.memory_space<vmem>>, vector<16xf32>,
        %get3A_1127 = arith.constant 10 : i32
        %get3A_1128 = arith.index_cast %get3A_1127 : i32 to index
        %get3A_1129 = arith.constant 0 : index
        %get3A_1130 = tpu.vector_load %arg14[%get3A_1128, %get3A_1129] {strides = array<i32>} : memref<16x17xf32, #tpu.memory_space<vmem>>, vector<16xf32>,
        %swap3A_1131 = arith.constant 7 : i32
        %swap3A_1132 = arith.constant 2 : i32
        %swap3A_1133 = arith.index_cast %swap3A_1131 : i32 to index
        %swap3A_1134 = arith.index_cast %swap3A_1132 : i32 to index
        %swap3A_1135 = arith.index_cast %mul3A_101 : i32 to index
        %swap3A_1136 = tpu.vector_load %arg10[%swap3A_1133, %swap3A_1134, %swap3A_1135] {strides = array<i32>} : memref<8x8x128xf32, #tpu.memory_space<vmem>>, vector<16xf32>,
        tpu.vector_store %arg10[%swap3A_1133, %swap3A_1134, %swap3A_1135], %get3A_1130 {strides = array<i32>} : memref<8x8x128xf32, #tpu.memory_space<vmem>>, vector<16xf32>,
        %get3A_1137 = arith.constant 11 : i32
        %get3A_1138 = arith.index_cast %get3A_1137 : i32 to index
        %get3A_1139 = arith.constant 0 : index
        %get3A_1140 = tpu.vector_load %arg14[%get3A_1138, %get3A_1139] {strides = array<i32>} : memref<16x17xf32, #tpu.memory_space<vmem>>, vector<16xf32>,
        %swap3A_1141 = arith.constant 7 : i32
        %swap3A_1142 = arith.constant 3 : i32
        %swap3A_1143 = arith.index_cast %swap3A_1141 : i32 to index
        %swap3A_1144 = arith.index_cast %swap3A_1142 : i32 to index
        %swap3A_1145 = arith.index_cast %mul3A_101 : i32 to index
        %swap3A_1146 = tpu.vector_load %arg10[%swap3A_1143, %swap3A_1144, %swap3A_1145] {strides = array<i32>} : memref<8x8x128xf32, #tpu.memory_space<vmem>>, vector<16xf32>,
        tpu.vector_store %arg10[%swap3A_1143, %swap3A_1144, %swap3A_1145], %get3A_1140 {strides = array<i32>} : memref<8x8x128xf32, #tpu.memory_space<vmem>>, vector<16xf32>,
        %get3A_1147 = arith.constant 12 : i32
        %get3A_1148 = arith.index_cast %get3A_1147 : i32 to index
        %get3A_1149 = arith.constant 0 : index
        %get3A_1150 = tpu.vector_load %arg14[%get3A_1148, %get3A_1149] {strides = array<i32>} : memref<16x17xf32, #tpu.memory_space<vmem>>, vector<16xf32>,
        %swap3A_1151 = arith.constant 7 : i32
        %swap3A_1152 = arith.constant 4 : i32
        %swap3A_1153 = arith.index_cast %swap3A_1151 : i32 to index
        %swap3A_1154 = arith.index_cast %swap3A_1152 : i32 to index
        %swap3A_1155 = arith.index_cast %mul3A_101 : i32 to index
        %swap3A_1156 = tpu.vector_load %arg10[%swap3A_1153, %swap3A_1154, %swap3A_1155] {strides = array<i32>} : memref<8x8x128xf32, #tpu.memory_space<vmem>>, vector<16xf32>,
        tpu.vector_store %arg10[%swap3A_1153, %swap3A_1154, %swap3A_1155], %get3A_1150 {strides = array<i32>} : memref<8x8x128xf32, #tpu.memory_space<vmem>>, vector<16xf32>,
        %get3A_1157 = arith.constant 13 : i32
        %get3A_1158 = arith.index_cast %get3A_1157 : i32 to index
        %get3A_1159 = arith.constant 0 : index
        %get3A_1160 = tpu.vector_load %arg14[%get3A_1158, %get3A_1159] {strides = array<i32>} : memref<16x17xf32, #tpu.memory_space<vmem>>, vector<16xf32>,
        %swap3A_1161 = arith.constant 7 : i32
        %swap3A_1162 = arith.constant 5 : i32
        %swap3A_1163 = arith.index_cast %swap3A_1161 : i32 to index
        %swap3A_1164 = arith.index_cast %swap3A_1162 : i32 to index
        %swap3A_1165 = arith.index_cast %mul3A_101 : i32 to index
        %swap3A_1166 = tpu.vector_load %arg10[%swap3A_1163, %swap3A_1164, %swap3A_1165] {strides = array<i32>} : memref<8x8x128xf32, #tpu.memory_space<vmem>>, vector<16xf32>,
        tpu.vector_store %arg10[%swap3A_1163, %swap3A_1164, %swap3A_1165], %get3A_1160 {strides = array<i32>} : memref<8x8x128xf32, #tpu.memory_space<vmem>>, vector<16xf32>,
        %get3A_1167 = arith.constant 14 : i32
        %get3A_1168 = arith.index_cast %get3A_1167 : i32 to index
        %get3A_1169 = arith.constant 0 : index
        %get3A_1170 = tpu.vector_load %arg14[%get3A_1168, %get3A_1169] {strides = array<i32>} : memref<16x17xf32, #tpu.memory_space<vmem>>, vector<16xf32>,
        %swap3A_1171 = arith.constant 7 : i32
        %swap3A_1172 = arith.constant 6 : i32
        %swap3A_1173 = arith.index_cast %swap3A_1171 : i32 to index
        %swap3A_1174 = arith.index_cast %swap3A_1172 : i32 to index
        %swap3A_1175 = arith.index_cast %mul3A_101 : i32 to index
        %swap3A_1176 = tpu.vector_load %arg10[%swap3A_1173, %swap3A_1174, %swap3A_1175] {strides = array<i32>} : memref<8x8x128xf32, #tpu.memory_space<vmem>>, vector<16xf32>,
        tpu.vector_store %arg10[%swap3A_1173, %swap3A_1174, %swap3A_1175], %get3A_1170 {strides = array<i32>} : memref<8x8x128xf32, #tpu.memory_space<vmem>>, vector<16xf32>,
        %get3A_1177 = arith.constant 15 : i32
        %get3A_1178 = arith.index_cast %get3A_1177 : i32 to index
        %get3A_1179 = arith.constant 0 : index
        %get3A_1180 = tpu.vector_load %arg14[%get3A_1178, %get3A_1179] {strides = array<i32>} : memref<16x17xf32, #tpu.memory_space<vmem>>, vector<16xf32>,
        %swap3A_1181 = arith.constant 7 : i32
        %swap3A_1182 = arith.constant 7 : i32
        %swap3A_1183 = arith.index_cast %swap3A_1181 : i32 to index
        %swap3A_1184 = arith.index_cast %swap3A_1182 : i32 to index
        %swap3A_1185 = arith.index_cast %mul3A_101 : i32 to index
        %swap3A_1186 = tpu.vector_load %arg10[%swap3A_1183, %swap3A_1184, %swap3A_1185] {strides = array<i32>} : memref<8x8x128xf32, #tpu.memory_space<vmem>>, vector<16xf32>,
        tpu.vector_store %arg10[%swap3A_1183, %swap3A_1184, %swap3A_1185], %get3A_1180 {strides = array<i32>} : memref<8x8x128xf32, #tpu.memory_space<vmem>>, vector<16xf32>,
      }
      %scan3A_88 = arith.constant 8 : i32
      %dma_start3A_89 = arith.constant 0 : i32
      %dma_start3A_90 = arith.constant 0 : i32
      %dma_start3A_91 = arith.constant 0 : i32
      %dma_start3A_92 = tpu.memref_slice %arg4[%add3A_66, %dma_start3A_89, %add3A, %dma_start3A_90, %dma_start3A_91] : memref<50x8x32x8x128xf32, #tpu.memory_space<hbm>> -> memref<1x8x1x8x128xf32, #tpu.memory_space<hbm>>
      %dma_start3A_93 = tpu.memref_squeeze %dma_start3A_92 : memref<1x8x1x8x128xf32, #tpu.memory_space<hbm>> -> memref<8x8x128xf32, #tpu.memory_space<hbm>>
      %dma_start3A_94 = arith.constant 0 : i32
      %dma_start3A_95 = arith.constant 0 : i32
      %dma_start3A_96 = arith.constant 0 : i32
      %dma_start3A_97 = tpu.memref_slice %arg4[%add3A_66, %dma_start3A_94, %add3A, %dma_start3A_95, %dma_start3A_96] : memref<50x8x32x8x128xf32, #tpu.memory_space<hbm>> -> memref<1x8x1x8x128xf32, #tpu.memory_space<hbm>>
      %dma_start3A_98 = tpu.memref_squeeze %dma_start3A_97 : memref<1x8x1x8x128xf32, #tpu.memory_space<hbm>> -> memref<8x8x128xf32, #tpu.memory_space<hbm>>
      tpu.enqueue_dma source(%arg10 : memref<8x8x128xf32, #tpu.memory_space<vmem>>) target(%dma_start3A_98 : memref<8x8x128xf32, #tpu.memory_space<hbm>>) target_semaphore(%arg18 : memref<!tpu.dma_semaphore, #tpu.memory_space<semaphore_mem>>)
    }
    %scan3A_9 = arith.constant 25 : i32
    %dma_wait3A = arith.constant 48 : i32
    %dma_wait3A_10 = arith.constant 0 : i32
    %dma_wait3A_11 = arith.constant 0 : i32
    %dma_wait3A_12 = arith.constant 0 : i32
    %dma_wait3A_13 = tpu.memref_slice %arg4[%dma_wait3A, %dma_wait3A_10, %add3A, %dma_wait3A_11, %dma_wait3A_12] : memref<50x8x32x8x128xf32, #tpu.memory_space<hbm>> -> memref<1x8x1x8x128xf32, #tpu.memory_space<hbm>>
    %dma_wait3A_14 = tpu.memref_squeeze %dma_wait3A_13 : memref<1x8x1x8x128xf32, #tpu.memory_space<hbm>> -> memref<8x8x128xf32, #tpu.memory_space<hbm>>
    %dma_wait3A_15 = arith.constant 0 : i32
    %dma_wait3A_16 = arith.constant 0 : i32
    %dma_wait3A_17 = arith.constant 0 : i32
    %dma_wait3A_18 = tpu.memref_slice %arg4[%dma_wait3A, %dma_wait3A_15, %add3A, %dma_wait3A_16, %dma_wait3A_17] : memref<50x8x32x8x128xf32, #tpu.memory_space<hbm>> -> memref<1x8x1x8x128xf32, #tpu.memory_space<hbm>>
    %dma_wait3A_19 = tpu.memref_squeeze %dma_wait3A_18 : memref<1x8x1x8x128xf32, #tpu.memory_space<hbm>> -> memref<8x8x128xf32, #tpu.memory_space<hbm>>
    tpu.wait_dma2 semaphore(%arg17 : memref<!tpu.dma_semaphore, #tpu.memory_space<semaphore_mem>>) src(%arg9 : memref<8x8x128xf32, #tpu.memory_space<vmem>>) dst(%dma_wait3A_19 : memref<8x8x128xf32, #tpu.memory_space<hbm>>)
    %dma_wait3A_20 = arith.constant 49 : i32
    %dma_wait3A_21 = arith.constant 0 : i32
    %dma_wait3A_22 = arith.constant 0 : i32
    %dma_wait3A_23 = arith.constant 0 : i32
    %dma_wait3A_24 = tpu.memref_slice %arg4[%dma_wait3A_20, %dma_wait3A_21, %add3A, %dma_wait3A_22, %dma_wait3A_23] : memref<50x8x32x8x128xf32, #tpu.memory_space<hbm>> -> memref<1x8x1x8x128xf32, #tpu.memory_space<hbm>>
    %dma_wait3A_25 = tpu.memref_squeeze %dma_wait3A_24 : memref<1x8x1x8x128xf32, #tpu.memory_space<hbm>> -> memref<8x8x128xf32, #tpu.memory_space<hbm>>
    %dma_wait3A_26 = arith.constant 0 : i32
    %dma_wait3A_27 = arith.constant 0 : i32
    %dma_wait3A_28 = arith.constant 0 : i32
    %dma_wait3A_29 = tpu.memref_slice %arg4[%dma_wait3A_20, %dma_wait3A_26, %add3A, %dma_wait3A_27, %dma_wait3A_28] : memref<50x8x32x8x128xf32, #tpu.memory_space<hbm>> -> memref<1x8x1x8x128xf32, #tpu.memory_space<hbm>>
    %dma_wait3A_30 = tpu.memref_squeeze %dma_wait3A_29 : memref<1x8x1x8x128xf32, #tpu.memory_space<hbm>> -> memref<8x8x128xf32, #tpu.memory_space<hbm>>
    tpu.wait_dma2 semaphore(%arg18 : memref<!tpu.dma_semaphore, #tpu.memory_space<semaphore_mem>>) src(%arg10 : memref<8x8x128xf32, #tpu.memory_space<vmem>>) dst(%dma_wait3A_30 : memref<8x8x128xf32, #tpu.memory_space<hbm>>)
    return
  }
}

</mosaic_0001>

<sc_bundles>
// kernel: kernel.3.cloned.1.call-start
scs
__scs_entry_jumppad:
0x0: {  	(pc) =	sbr.rel $0x88, $3  }
0x1: {  	(tag) =	ssettag $0x0;
	lr =	simm.s32 $0x1  }
0x2: {  	[smem:$0x3F9F] =	sst lr;
	_ =	strace $0xD0000000  }
0x3: {  	_ = 	snop  }
0x4: {  	_ = 	snop  }
0x5: {  	_ = 	snop  }
0x6: {  	_ = 	snop  }
0x7: {  	_ = 	snop  }
__scs_overlays_trampoline_lowered:
0x8: {  	[smem:$0x3FAE] =	sst s0  }
0x9: {  	[smem:$0x3FAF] =	sst s1  }
0xa: {  	[smem:$0x3FB0] =	sst s2  }
0xb: {  	[smem:$0x3FB1] =	sst s3  }
0xc: {  	[smem:$0x3FB2] =	sst s4  }
0xd: {  	[smem:$0x3FB3] =	sst s5  }
0xe: {  	[smem:$0x3FB4] =	sst s6  }
0xf: {  	[smem:$0x3FB5] =	sst s7  }
0x10: {  	[smem:$0x3FB6] =	sst s8  }
0x11: {  	[smem:$0x3FB7] =	sst s9;
	s0 =	simm.s32 @!p0 $0x0  }
0x12: {  	s1 =	sld [smem:$0x3F9D];
	s0 =	simm.s32 @p0 $0x1  }
0x13: {  	[smem:$0x3FB8] =	sst s0;
	s0 =	simm.s32 @!p1 $0x0  }
0x14: {  	s2 =	sld [smem:$0x3F9C];
	s0 =	simm.s32 @p1 $0x1  }
0x15: {  	[smem:$0x3FB9] =	sst s0;
	s0 =	simm.s32 @!p2 $0x0  }
0x16: {  	s3 =	sld [smem:$0x3FDB];
	s0 =	simm.s32 @p2 $0x1  }
0x17: {  	s4 =	simm.s32 $0x1BF5;
	[smem:$0x3FBB] =	sst s0  }
0x18: {  	s0 =	sld [smem:$0x3F9E];
	_ =	swait.ge [sflag:s4], $0x0  }
0x19: {  	s7 =	sld [smem:$0x3F9F]  }
0x1a: {  	s8 =	sadd.s32 $0xFFFFE003, lr  }
0x1b: {  	s9 =	sadd.s32 $0xFFFFFEF7, lr;
	s5 =	simm.s32 $0xFFFFFFFF;
	p2 =	slt.u32 s8, $0xFFFFF086  }
0x1c: {  	p1 =	slt.u32 s9, $0xF7A;
	s5 =	simm.s32 @!p2 $0x0  }
0x1d: {  	s5 =	simm.s32 @p1 $0x1;
	p0 =	seq.s32 s7, s2  }
0x1e: {  	s7 =	smul.u32 @!p0 $0xF7A, s2;
	p2 =	seq.s32 @!p0 s5, $0x0  }
0x1f: {  	s9 =	smul.u32 $0xF7A, s1;
	s8 =	simm.s32 @!p0 $0x1BF5;
	p2 =	por !p2, p0  }
0x20: {  	[sflag:s8] =	ssyncset.s32 @!p0 $0xFFFFF086;
	s6 =	sadd.s32 @!p0 s3, s7;
	s7 =	simm.s32 @!p0 $0x108  }
0x21: {  	s3 =	sadd.s32 s3, s9;
	s6 =	sadd.s32 @!p0 $0x88, s6;
	s7 =	simm.s32 @p2 $0x1082  }
0x22: {  	[simem:s7], [sflag:s8] =	dma.local @!p0 [hbm:s6], $0xF7A  }
0x23: {  	s9 =	sor.u32 $0xD0000000, s2;
	s6 =	simm.s32 $0x108;
	_ =	swait.ge @!p0 [sflag:s8], $0x0  }
0x24: {  	s3 =	sadd.s32 $0x88, s3;
	s6 =	simm.s32 @!p1 $0x1082;
	[sflag:s4] =	ssyncset.s32 $0xFFFFF086  }
0x25: {  	[simem:s6], [sflag:s4] =	dma.local [hbm:s3], $0xF7A  }
0x26: {  	[smem:$0x3F9F] =	sst s1;
	(tag) =	ssettag s2;
	_ =	strace s9  }
0x27: {  	s1 =	sld [smem:$0x3FAF]  }
0x28: {  	s2 =	sld [smem:$0x3FB0]  }
0x29: {  	s4 =	sld [smem:$0x3FB2]  }
0x2a: {  	p0 =	seq.s32 s5, $0x0;
	s5 =	sld [smem:$0x3FB3]  }
0x2b: {  	s6 =	sld [smem:$0x3FB4]  }
0x2c: {  	s7 =	sld [smem:$0x3FB5]  }
0x2d: {  	s3 =	simm.s32 $0x108;
	s8 =	sld [smem:$0x3FB6]  }
0x2e: {  	s3 =	simm.s32 @!p0 $0x1082;
	s9 =	sld [smem:$0x3FB7]  }
0x2f: {  	lr =	sadd.s32 s0, s3;
	s0 =	sld [smem:$0x3FAE]  }
0x30: {  	s3 =	sld [smem:$0x3FB1]  }
0x31: {  	[smem:$0x3FBA] =	sst s10  }
0x32: {  	s10 =	sld [smem:$0x3FB8];
	_ =	sdelay $0x3  }
0x33: {  	p0 =	seq.s32 s10, $0x1;
	s10 =	sld [smem:$0x3FBA];
	_ =	sdelay $0x3  }
0x34: {  	[smem:$0x3FBA] =	sst s10  }
0x35: {  	s10 =	sld [smem:$0x3FB9];
	_ =	sdelay $0x3  }
0x36: {  	p1 =	seq.s32 s10, $0x1;
	s10 =	sld [smem:$0x3FBA];
	_ =	sdelay $0x3  }
0x37: {  	[smem:$0x3FBA] =	sst s10  }
0x38: {  	s10 =	sld [smem:$0x3FBB]  }
0x39: {  	_ = 	snop;
	(pc) =	sbr.ind lr, $3  }
0x3a: {  	_ = 	snop  }
0x3b: {  	_ = 	snop  }
0x3c: {  	p2 =	seq.s32 s10, $0x1;
	s10 =	sld [smem:$0x3FBA]  }
0x3d: {  	_ =	shalt  }
0x3e: {  	_ =	shalt  }
0x3f: {  	_ =	shalt  }
0x40: {  	_ =	shalt  }
0x41: {  	_ =	shalt  }
0x42: {  	_ =	shalt  }
0x43: {  	_ =	shalt  }
0x44: {  	_ =	shalt  }
0x45: {  	_ =	shalt  }
0x46: {  	_ =	shalt  }
0x47: {  	_ =	shalt  }
0x48: {  	_ =	shalt  }
0x49: {  	_ =	shalt  }
0x4a: {  	_ =	shalt  }
0x4b: {  	_ =	shalt  }
0x4c: {  	_ =	shalt  }
0x4d: {  	_ =	shalt  }
0x4e: {  	_ =	shalt  }
0x4f: {  	_ =	shalt  }
0x50: {  	_ =	shalt  }
0x51: {  	_ =	shalt  }
0x52: {  	_ =	shalt  }
0x53: {  	_ =	shalt  }
0x54: {  	_ =	shalt  }
0x55: {  	_ =	shalt  }
0x56: {  	_ =	shalt  }
0x57: {  	_ =	shalt  }
0x58: {  	_ =	shalt  }
0x59: {  	_ =	shalt  }
0x5a: {  	_ =	shalt  }
0x5b: {  	_ =	shalt  }
0x5c: {  	_ =	shalt  }
0x5d: {  	_ =	shalt  }
0x5e: {  	_ =	shalt  }
0x5f: {  	_ =	shalt  }
0x60: {  	_ =	shalt  }
0x61: {  	_ =	shalt  }
0x62: {  	_ =	shalt  }
0x63: {  	_ =	shalt  }
0x64: {  	_ =	shalt  }
0x65: {  	_ =	shalt  }
0x66: {  	_ =	shalt  }
0x67: {  	_ =	shalt  }
0x68: {  	_ =	shalt  }
0x69: {  	_ =	shalt  }
0x6a: {  	_ =	shalt  }
0x6b: {  	_ =	shalt  }
0x6c: {  	_ =	shalt  }
0x6d: {  	_ =	shalt  }
0x6e: {  	_ =	shalt  }
0x6f: {  	_ =	shalt  }
0x70: {  	_ =	shalt  }
0x71: {  	_ =	shalt  }
0x72: {  	_ =	shalt  }
0x73: {  	_ =	shalt  }
0x74: {  	_ =	shalt  }
0x75: {  	_ =	shalt  }
0x76: {  	_ =	shalt  }
0x77: {  	_ =	shalt  }
0x78: {  	_ =	shalt  }
0x79: {  	_ =	shalt  }
0x7a: {  	_ =	shalt  }
0x7b: {  	_ =	shalt  }
0x7c: {  	_ =	shalt  }
0x7d: {  	_ =	shalt  }
0x7e: {  	_ =	shalt  }
0x7f: {  	_ =	shalt  }
0x80: {  	_ =	shalt  }
0x81: {  	_ =	shalt  }
0x82: {  	_ =	shalt  }
0x83: {  	_ =	shalt  }
0x84: {  	_ =	shalt  }
0x85: {  	_ =	shalt  }
0x86: {  	_ =	shalt  }
0x87: {  	_ =	shalt  }
.Lfunc_end0:
.L_simem_size_0:
called_computation_lowered:
.L_overlay_start_0:
0x88: {  	s2 =	sld [smem:$0x3FD9]  }
0x89: {  	s3 =	sld [smem:$0x3FFE];
	_ =	sdelay $0x1  }
0x8a: {  	s1 =	srdreg.scid  }
0x8b: {  	s0 =	sand.u32 $0x1, s1  }
0x8c: {  	s17 =	sshll.u32 s0, $0xA;
	s2 =	sadd.s32 s3, s2  }
0x8d: {  	s2 =	sadd.s32 s2, s17  }
0x8e: {  	[smem:$0x3FC6] =	sst s2  }
0x8f: {  	_ = 	snop  }
0x90: {  	s2 =	sld [smem:$0x3FD0];
	(tm) =	ssettm $0x1  }
0x91: {  	s18 =	sld [smem:$0x3FFB];
	_ =	sdelay $0x3  }
0x92: {  	_ =	strace s18  }
0x93: {  	s3 =	sld [smem:$0x3FFC];
	_ =	sdelay $0x3  }
0x94: {  	_ =	strace s3  }
0x95: {  	s3 =	sld [smem:$0x3FFD];
	_ =	sdelay $0x3  }
0x96: {  	_ =	strace s3  }
0x97: {  	_ =	strace $0x8FFFFFFF  }
0x98: {  	s19 =	sld [smem:$0x3FDB];
	_ =	sdelay $0x1  }
0x99: {  	s4 =	simm.s32 $_scs_section_size  }
0x9a: {  	s5 =	simm.s32 $_size__tile_overlayer_lowered;
	s6 =	simm.s32 $_tile_overlayer_lowered  }
0x9b: {  	s22 =	simm.s32 $0x1BFF;
	s21 =	sshll.u32 s6, $0x1;
	s3 =	sadd.s32 s4, s19  }
0x9c: {  	s7 =	simm.s32 $0x0;
	s20 =	sshll.u32 s5, $0x1;
	s5 =	sadd.s32 s21, s3  }
0x9d: {  	[timem:s7], [sflag:s22] =	dma.local [hbm:s5], s20  }
0x9e: {  	_ =	swait.ge [sflag:s22], s20  }
0x9f: {  	s4 =	ssub.s32 $0x0, s20;
	[sflag:s22] =	ssyncset.done $0x0  }
0xa0: {  	[sflag:s22] =	ssyncadd.s32 s4;
	_ =	sdelay $0x1  }
0xa1: {  	s23 =	simm.s32 $0x1B8B  }
0xa2: {  	_ =	swait.ge [sflag:s23], $0x1  }
0xa3: {  	[sflag:s23] =	ssyncset.done $0x0  }
0xa4: {  	s25 =	simm.s32 $0x1B8E;
	s24 =	sld [smem:$0x3FFE];
	[sflag:s23] =	ssyncadd.s32 $0xFFFFFFFF  }
0xa5: {  	s26 =	simm.s32 $execute0_lowered;
	[smem:$0x3FD2] =	sst s25  }
0xa6: {  	s5 =	sshll.u32 s26, $0x1;
	_ =	strace $0x80000046;
	[dreg:$0x1] =	wrdreg $0xFFFFFFFF  }
0xa7: {  	s28 =	simm.s32 $_size_execute0_lowered;
	s3 =	sadd.s32 s3, s5;
	[dreg:$0x0] =	wrdreg $0x0  }
0xa8: {  	s5 =	sshll.u32 s28, $0x1;
	[dreg:$0x2] =	wrdreg s3  }
0xa9: {  	[dreg:$0x3] =	wrdreg s5  }
0xaa: {  	[dreg:$0x4] =	wrdreg $0xC0  }
0xab: {  	_ =	task [dreg:s7], $0x5FFFF  }
0xac: {  	[dreg:$0x1] =	wrdreg $0xFFFFFFFF  }
0xad: {  	[dreg:$0x0] =	wrdreg $0x60  }
0xae: {  	[dreg:$0x2] =	wrdreg s24  }
0xaf: {  	[dreg:$0x3] =	wrdreg s2  }
0xb0: {  	[dreg:$0x4] =	wrdreg $0x9  }
0xb1: {  	_ =	task.clear_ibuf [dreg:s7], $0x5FFFF;
	_ =	strace $0x90000046  }
0xb2: {  	s29 =	simm.s32 $0x9;
	_ =	strace $0x80000048  }
0xb3: {  	_ =	swait.ge [sflag:s29], $0x1  }
0xb4: {  	[sflag:s29] =	ssyncadd.s32 $0xFFFFFFFF  }
0xb5: {  	_ =	strace $0x90000048  }
0xb6: {  	_ =	sfence  }
0xb7: {  	s30 =	sld [smem:$0x0];
	_ =	sdelay $0x2  }
0xb8: {  	s31 =	sshll.u32 s1, $0xD;
	s1 =	sshrl.u32 s1, $0x2  }
0xb9: {  	s3 =	sand.u32 $0x4000, s31;
	s1 =	sadd.s32 s1, s30  }
0xba: {  	s0 =	sor.u32 s3, s0;
	s1 =	sshll.u32 s1, $0x11  }
0xbb: {  	s0 =	sor.u32 s1, s0  }
0xbc: {  	s0 =	sadd.s32 $0x8F2B, s0  }
0xbd: {  	[sflag:s0] =	ssyncadd.remote.s32 $0x1  }
0xbe: {  	_ =	sfence.sel $0xFFFF  }
0xbf: {  	[dreg:$0x0] =	wrdreg $0xFFFFFFFF;
	(pc) =	sbr.abs _section_cstart, $3  }
0xc0: {  	[dreg:$0x1] =	wrdreg $0xFFFFFFFF  }
0xc1: {  	_ =	task.clear_ibuf [dreg:s7], $0x2FFFF;
	_ =	strace $0x9FFFFFFF  }
0xc2: {  	(tm) =	ssettm $0x7FFFFFFF  }
0xc3: {  	_ =	shalt  }
tec
execute0_lowered:
.L_overlay_start_1:
0x0: {  	(tag) =	ssettag $0x1  }
0x1: {  	s0 =	rddreg [dreg:$0x0]  }
0x2: {  	s1 =	rddreg [dreg:$0x1]  }
0x3: {  	s3 =	simm.s32 $0x0;
	s2 =	srdreg.scid;
	s5 =	stileid.u32  }
0x4: {  	s11 =	simm.s32 $0x5;
	s12 =	simm.s32 $0x80;
	s13 =	simm.s32 $0x100  }
0x5: {  	s14 =	simm.s32 $0x2100;
	s15 =	simm.s32 $0x1;
	s16 =	simm.s32 $0x8100  }
0x6: {  	s17 =	simm.s32 $0x8280;
	s18 =	simm.s32 $0x8400;
	s19 =	simm.s32 $0x8580  }
0x7: {  	v0 =	vlaneseq.u32;
	s20 =	simm.s32 $0x400;
	s21 =	simm.s32 $0x8000;
	s22 =	simm.s32 $0x4100  }
0x8: {  	s23 =	simm.s32 $0x2;
	s24 =	simm.s32 $0x4;
	s25 =	simm.s32 $0x6100;
	v0 =	vmul.u32 $0x18, v0  }
0x9: {  	s26 =	simm.s32 $0x3;
	s28 =	simm.s32 $0x0;
	[smem:$0x7FF] =	sst s3  }
0xa: {  	s2 =	sand.u32 $0x1, s2;
	s4 =	sadd.s32 $0x6800, s0;
	s7 =	sshll.u32 s5, $0x1;
	v1 =	vor.u32 $0x1, v0;
	v2 =	vor.u32 $0x2, v0;
	v3 =	vor.u32 $0x3, v0  }
0xb: {  	s5 =	sadd.s32 $0x400, s0;
	s6 =	ssub.s32 $0x2, s2;
	s2 =	sor.u32 s2, s7;
	v4 =	vor.u32 $0x4, v0;
	v5 =	vor.u32 $0x5, v0;
	v6 =	vor.u32 $0x6, v0  }
0xc: {  	_ =	strace $0x80000047;
	s31 =	sshrl.u32 s6, $0x1;
	s7 =	sshll.u32 s2, $0x4;
	v7 =	vor.u32 $0x7, v0;
	v8 =	vadd.s32 $0x8, v0;
	v9 =	vadd.s32 $0x9, v0  }
0xd: {  	s9 =	sshll.u32 s2, $0xA;
	v10 =	vadd.s32 $0xA, v0;
	v11 =	vadd.s32 $0xB, v0;
	v12 =	vadd.s32 $0xC, v0;
	s0 =	ssub.s32 s6, s31;
	s6 =	sshll.u32 s2, $0x7  }
0xe: {  	v13 =	vadd.s32 $0xD, v0;
	v14 =	vadd.s32 $0xE, v0;
	v15 =	vadd.s32 $0xF, v0;
	s7 =	sadd.s32 s5, s7;
	s8 =	sor.u32 $0x2000, s6;
	s10 =	smax.u32 s0, $0x1  }
.LBB2_1:
0xf: {  	[tilespmem:s3], [sflag:$0x5] =	stream.linear.gather [hbm4b:s7+s3], $0x80, $0x38;
	[tilespmem:$0x8700] =	vst v63  }
0x10: {  	_ =	swait.ge [sflag:s11], $0x80  }
0x11: {  	[sflag:s11] =	ssyncset.done $0x0  }
0x12: {  	s29 =	simm.s32 $0x0;
	[sflag:s11] =	ssyncadd.s32 $0xFFFFFF80  }
0x13: {  	[tilespmem:s13], [sflag:$0x1] =	stream.indirect.gather [hbm4b:s4+s12], $0x40, s3, s12, $0xb8;
	[tilespmem:$0x8700] =	vst v63  }
.LBB2_2:
0x14: {  	s30 =	sshllo.u32 s29, $0x1  }
0x15: {  	s0 =	sshll.u32 s30, $0xC  }
0x16: {  	s0 =	sor.u32 s6, s0  }
0x17: {  	s0 =	sshrl.u32 s0, $0x3  }
0x18: {  	s0 =	sadd.s32 s5, s0  }
0x19: {  	[tilespmem:s12], [sflag:$0x5] =	stream.linear.gather [hbm4b:s0+s3], $0x80, $0x38;
	[tilespmem:$0x8700] =	vst v63  }
0x1a: {  	_ =	swait.ge [sflag:s11], $0x80  }
0x1b: {  	[sflag:s11] =	ssyncset.done $0x0  }
0x1c: {  	[sflag:s11] =	ssyncadd.s32 $0xFFFFFF80  }
0x1d: {  	[tilespmem:s14], [sflag:$0x2] =	stream.indirect.gather [hbm4b:s4+s12], $0x40, s12, s12, $0xb8;
	[tilespmem:$0x8700] =	vst v63  }
0x1e: {  	_ =	swait.ge [sflag:s15], $0x2000  }
0x1f: {  	p0 =	seq.s32 s29, $0x0;
	[sflag:s15] =	ssyncset.done $0x0  }
0x20: {  	s0 =	simm.s32 @!p0 $0x3;
	[sflag:s15] =	ssyncadd.s32 $0xFFFFE000  }
0x21: {  	_ =	swait.ge @!p0 [sflag:s0], $0x2000  }
0x22: {  	[sflag:s0] =	ssyncset.done @!p0 $0x0  }
0x23: {  	s31 =	simm.s32 $0x3E00;
	[sflag:s0] =	ssyncadd.s32 @!p0 $0xFFFFE000;
	s0 =	simm.s32 $0x300  }
.LBB2_3:
0x24: {  	v16 =	vld [tilespmem:s0+$0xFFFFFE00];
	_ =	sdelay $0x4  }
0x25: {  	[tilespmem:v0+s16+$0x0] =	vst.idx.msk $0xffff, v16  }
0x26: {  	v16 =	vld [tilespmem:s0+$0xFFFFFE40];
	_ =	sdelay $0x4  }
0x27: {  	[tilespmem:v1+s16+$0x0] =	vst.idx.msk $0xffff, v16  }
0x28: {  	v16 =	vld [tilespmem:s0+$0xFFFFFE80];
	_ =	sdelay $0x4  }
0x29: {  	[tilespmem:v2+s16+$0x0] =	vst.idx.msk $0xffff, v16  }
0x2a: {  	v16 =	vld [tilespmem:s0+$0xFFFFFEC0];
	_ =	sdelay $0x4  }
0x2b: {  	[tilespmem:v3+s16+$0x0] =	vst.idx.msk $0xffff, v16  }
0x2c: {  	v16 =	vld [tilespmem:s0+$0xFFFFFF00];
	_ =	sdelay $0x4  }
0x2d: {  	[tilespmem:v4+s16+$0x0] =	vst.idx.msk $0xffff, v16  }
0x2e: {  	v16 =	vld [tilespmem:s0+$0xFFFFFF40];
	_ =	sdelay $0x4  }
0x2f: {  	[tilespmem:v5+s16+$0x0] =	vst.idx.msk $0xffff, v16  }
0x30: {  	v16 =	vld [tilespmem:s0+$0xFFFFFF80];
	_ =	sdelay $0x4  }
0x31: {  	[tilespmem:v6+s16+$0x0] =	vst.idx.msk $0xffff, v16  }
0x32: {  	v16 =	vld [tilespmem:s0+$0xFFFFFFC0];
	_ =	sdelay $0x4  }
0x33: {  	[tilespmem:v7+s16+$0x0] =	vst.idx.msk $0xffff, v16  }
0x34: {  	v16 =	vld [tilespmem:s0+$0x0];
	_ =	sdelay $0x4  }
0x35: {  	[tilespmem:v8+s16+$0x0] =	vst.idx.msk $0xffff, v16  }
0x36: {  	v16 =	vld [tilespmem:s0+$0x40];
	_ =	sdelay $0x4  }
0x37: {  	[tilespmem:v9+s16+$0x0] =	vst.idx.msk $0xffff, v16  }
0x38: {  	v16 =	vld [tilespmem:s0+$0x80];
	_ =	sdelay $0x4  }
0x39: {  	[tilespmem:v10+s16+$0x0] =	vst.idx.msk $0xffff, v16  }
0x3a: {  	v16 =	vld [tilespmem:s0+$0xC0];
	_ =	sdelay $0x4  }
0x3b: {  	[tilespmem:v11+s16+$0x0] =	vst.idx.msk $0xffff, v16  }
0x3c: {  	v16 =	vld [tilespmem:s0+$0x100];
	_ =	sdelay $0x4  }
0x3d: {  	[tilespmem:v12+s16+$0x0] =	vst.idx.msk $0xffff, v16  }
0x3e: {  	v16 =	vld [tilespmem:s0+$0x140];
	_ =	sdelay $0x4  }
0x3f: {  	[tilespmem:v13+s16+$0x0] =	vst.idx.msk $0xffff, v16  }
0x40: {  	v16 =	vld [tilespmem:s0+$0x180];
	_ =	sdelay $0x4  }
0x41: {  	[tilespmem:v14+s16+$0x0] =	vst.idx.msk $0xffff, v16  }
0x42: {  	v16 =	vld [tilespmem:s0+$0x1C0];
	_ =	sdelay $0x4  }
0x43: {  	[tilespmem:v15+s16+$0x0] =	vst.idx.msk $0xffff, v16  }
0x44: {  	v16 =	vld [tilespmem:s0+$0xFFFFFE10];
	_ =	sdelay $0x4  }
0x45: {  	[tilespmem:v0+s17+$0x0] =	vst.idx.msk $0xffff, v16  }
0x46: {  	v16 =	vld [tilespmem:s0+$0xFFFFFE50];
	_ =	sdelay $0x4  }
0x47: {  	[tilespmem:v1+s17+$0x0] =	vst.idx.msk $0xffff, v16  }
0x48: {  	v16 =	vld [tilespmem:s0+$0xFFFFFE90];
	_ =	sdelay $0x4  }
0x49: {  	[tilespmem:v2+s17+$0x0] =	vst.idx.msk $0xffff, v16  }
0x4a: {  	v16 =	vld [tilespmem:s0+$0xFFFFFED0];
	_ =	sdelay $0x4  }
0x4b: {  	[tilespmem:v3+s17+$0x0] =	vst.idx.msk $0xffff, v16  }
0x4c: {  	v16 =	vld [tilespmem:s0+$0xFFFFFF10];
	_ =	sdelay $0x4  }
0x4d: {  	[tilespmem:v4+s17+$0x0] =	vst.idx.msk $0xffff, v16  }
0x4e: {  	v16 =	vld [tilespmem:s0+$0xFFFFFF50];
	_ =	sdelay $0x4  }
0x4f: {  	[tilespmem:v5+s17+$0x0] =	vst.idx.msk $0xffff, v16  }
0x50: {  	v16 =	vld [tilespmem:s0+$0xFFFFFF90];
	_ =	sdelay $0x4  }
0x51: {  	[tilespmem:v6+s17+$0x0] =	vst.idx.msk $0xffff, v16  }
0x52: {  	v16 =	vld [tilespmem:s0+$0xFFFFFFD0];
	_ =	sdelay $0x4  }
0x53: {  	[tilespmem:v7+s17+$0x0] =	vst.idx.msk $0xffff, v16  }
0x54: {  	v16 =	vld [tilespmem:s0+$0x10];
	_ =	sdelay $0x4  }
0x55: {  	[tilespmem:v8+s17+$0x0] =	vst.idx.msk $0xffff, v16  }
0x56: {  	v16 =	vld [tilespmem:s0+$0x50];
	_ =	sdelay $0x4  }
0x57: {  	[tilespmem:v9+s17+$0x0] =	vst.idx.msk $0xffff, v16  }
0x58: {  	v16 =	vld [tilespmem:s0+$0x90];
	_ =	sdelay $0x4  }
0x59: {  	[tilespmem:v10+s17+$0x0] =	vst.idx.msk $0xffff, v16  }
0x5a: {  	v16 =	vld [tilespmem:s0+$0xD0];
	_ =	sdelay $0x4  }
0x5b: {  	[tilespmem:v11+s17+$0x0] =	vst.idx.msk $0xffff, v16  }
0x5c: {  	v16 =	vld [tilespmem:s0+$0x110];
	_ =	sdelay $0x4  }
0x5d: {  	[tilespmem:v12+s17+$0x0] =	vst.idx.msk $0xffff, v16  }
0x5e: {  	v16 =	vld [tilespmem:s0+$0x150];
	_ =	sdelay $0x4  }
0x5f: {  	[tilespmem:v13+s17+$0x0] =	vst.idx.msk $0xffff, v16  }
0x60: {  	v16 =	vld [tilespmem:s0+$0x190];
	_ =	sdelay $0x4  }
0x61: {  	[tilespmem:v14+s17+$0x0] =	vst.idx.msk $0xffff, v16  }
0x62: {  	v16 =	vld [tilespmem:s0+$0x1D0];
	_ =	sdelay $0x4  }
0x63: {  	[tilespmem:v15+s17+$0x0] =	vst.idx.msk $0xffff, v16  }
0x64: {  	v16 =	vld [tilespmem:s0+$0xFFFFFE20];
	_ =	sdelay $0x4  }
0x65: {  	[tilespmem:v0+s18+$0x0] =	vst.idx.msk $0xffff, v16  }
0x66: {  	v16 =	vld [tilespmem:s0+$0xFFFFFE60];
	_ =	sdelay $0x4  }
0x67: {  	[tilespmem:v1+s18+$0x0] =	vst.idx.msk $0xffff, v16  }
0x68: {  	v16 =	vld [tilespmem:s0+$0xFFFFFEA0];
	_ =	sdelay $0x4  }
0x69: {  	[tilespmem:v2+s18+$0x0] =	vst.idx.msk $0xffff, v16  }
0x6a: {  	v16 =	vld [tilespmem:s0+$0xFFFFFEE0];
	_ =	sdelay $0x4  }
0x6b: {  	[tilespmem:v3+s18+$0x0] =	vst.idx.msk $0xffff, v16  }
0x6c: {  	v16 =	vld [tilespmem:s0+$0xFFFFFF20];
	_ =	sdelay $0x4  }
0x6d: {  	[tilespmem:v4+s18+$0x0] =	vst.idx.msk $0xffff, v16  }
0x6e: {  	v16 =	vld [tilespmem:s0+$0xFFFFFF60];
	_ =	sdelay $0x4  }
0x6f: {  	[tilespmem:v5+s18+$0x0] =	vst.idx.msk $0xffff, v16  }
0x70: {  	v16 =	vld [tilespmem:s0+$0xFFFFFFA0];
	_ =	sdelay $0x4  }
0x71: {  	[tilespmem:v6+s18+$0x0] =	vst.idx.msk $0xffff, v16  }
0x72: {  	v16 =	vld [tilespmem:s0+$0xFFFFFFE0];
	_ =	sdelay $0x4  }
0x73: {  	[tilespmem:v7+s18+$0x0] =	vst.idx.msk $0xffff, v16  }
0x74: {  	v16 =	vld [tilespmem:s0+$0x20];
	_ =	sdelay $0x4  }
0x75: {  	[tilespmem:v8+s18+$0x0] =	vst.idx.msk $0xffff, v16  }
0x76: {  	v16 =	vld [tilespmem:s0+$0x60];
	_ =	sdelay $0x4  }
0x77: {  	[tilespmem:v9+s18+$0x0] =	vst.idx.msk $0xffff, v16  }
0x78: {  	v16 =	vld [tilespmem:s0+$0xA0];
	_ =	sdelay $0x4  }
0x79: {  	[tilespmem:v10+s18+$0x0] =	vst.idx.msk $0xffff, v16  }
0x7a: {  	v16 =	vld [tilespmem:s0+$0xE0];
	_ =	sdelay $0x4  }
0x7b: {  	[tilespmem:v11+s18+$0x0] =	vst.idx.msk $0xffff, v16  }
0x7c: {  	v16 =	vld [tilespmem:s0+$0x120];
	_ =	sdelay $0x4  }
0x7d: {  	[tilespmem:v12+s18+$0x0] =	vst.idx.msk $0xffff, v16  }
0x7e: {  	v16 =	vld [tilespmem:s0+$0x160];
	_ =	sdelay $0x4  }
0x7f: {  	[tilespmem:v13+s18+$0x0] =	vst.idx.msk $0xffff, v16  }
0x80: {  	v16 =	vld [tilespmem:s0+$0x1A0];
	_ =	sdelay $0x4  }
0x81: {  	[tilespmem:v14+s18+$0x0] =	vst.idx.msk $0xffff, v16  }
0x82: {  	v16 =	vld [tilespmem:s0+$0x1E0];
	_ =	sdelay $0x4  }
0x83: {  	[tilespmem:v15+s18+$0x0] =	vst.idx.msk $0xffff, v16  }
0x84: {  	v16 =	vld [tilespmem:s0+$0xFFFFFE30];
	_ =	sdelay $0x4  }
0x85: {  	[tilespmem:v0+s19+$0x0] =	vst.idx.msk $0xffff, v16  }
0x86: {  	v16 =	vld [tilespmem:s0+$0xFFFFFE70];
	_ =	sdelay $0x4  }
0x87: {  	[tilespmem:v1+s19+$0x0] =	vst.idx.msk $0xffff, v16  }
0x88: {  	v16 =	vld [tilespmem:s0+$0xFFFFFEB0];
	_ =	sdelay $0x4  }
0x89: {  	[tilespmem:v2+s19+$0x0] =	vst.idx.msk $0xffff, v16  }
0x8a: {  	v16 =	vld [tilespmem:s0+$0xFFFFFEF0];
	_ =	sdelay $0x4  }
0x8b: {  	[tilespmem:v3+s19+$0x0] =	vst.idx.msk $0xffff, v16  }
0x8c: {  	v16 =	vld [tilespmem:s0+$0xFFFFFF30];
	_ =	sdelay $0x4  }
0x8d: {  	[tilespmem:v4+s19+$0x0] =	vst.idx.msk $0xffff, v16  }
0x8e: {  	v16 =	vld [tilespmem:s0+$0xFFFFFF70];
	_ =	sdelay $0x4  }
0x8f: {  	[tilespmem:v5+s19+$0x0] =	vst.idx.msk $0xffff, v16  }
0x90: {  	v16 =	vld [tilespmem:s0+$0xFFFFFFB0];
	_ =	sdelay $0x4  }
0x91: {  	[tilespmem:v6+s19+$0x0] =	vst.idx.msk $0xffff, v16  }
0x92: {  	v16 =	vld [tilespmem:s0+$0xFFFFFFF0];
	_ =	sdelay $0x4  }
0x93: {  	[tilespmem:v7+s19+$0x0] =	vst.idx.msk $0xffff, v16  }
0x94: {  	v16 =	vld [tilespmem:s0+$0x30];
	_ =	sdelay $0x4  }
0x95: {  	[tilespmem:v8+s19+$0x0] =	vst.idx.msk $0xffff, v16  }
0x96: {  	v16 =	vld [tilespmem:s0+$0x70];
	_ =	sdelay $0x4  }
0x97: {  	[tilespmem:v9+s19+$0x0] =	vst.idx.msk $0xffff, v16  }
0x98: {  	v16 =	vld [tilespmem:s0+$0xB0];
	_ =	sdelay $0x4  }
0x99: {  	[tilespmem:v10+s19+$0x0] =	vst.idx.msk $0xffff, v16  }
0x9a: {  	v16 =	vld [tilespmem:s0+$0xF0];
	_ =	sdelay $0x4  }
0x9b: {  	[tilespmem:v11+s19+$0x0] =	vst.idx.msk $0xffff, v16  }
0x9c: {  	v16 =	vld [tilespmem:s0+$0x130];
	_ =	sdelay $0x4  }
0x9d: {  	[tilespmem:v12+s19+$0x0] =	vst.idx.msk $0xffff, v16  }
0x9e: {  	v16 =	vld [tilespmem:s0+$0x170];
	_ =	sdelay $0x4  }
0x9f: {  	[tilespmem:v13+s19+$0x0] =	vst.idx.msk $0xffff, v16  }
0xa0: {  	v16 =	vld [tilespmem:s0+$0x1B0];
	_ =	sdelay $0x4  }
0xa1: {  	[tilespmem:v14+s19+$0x0] =	vst.idx.msk $0xffff, v16  }
0xa2: {  	v16 =	vld [tilespmem:s0+$0x1F0];
	_ =	sdelay $0x4  }
0xa3: {  	[tilespmem:v15+s19+$0x0] =	vst.idx.msk $0xffff, v16  }
0xa4: {  	v16 =	vld [tilespmem:$0x8100];
	_ =	sdelay $0x3  }
0xa5: {  	s2 =	sshra.s32 s31, $0x2  }
0xa6: {  	[tilespmem:s2+$0x3180] =	vst v16  }
0xa7: {  	v16 =	vld [tilespmem:$0x8118];
	_ =	sdelay $0x4  }
0xa8: {  	[tilespmem:s2+$0x3200] =	vst v16  }
0xa9: {  	v16 =	vld [tilespmem:$0x8130];
	_ =	sdelay $0x4  }
0xaa: {  	[tilespmem:s2+$0x3280] =	vst v16  }
0xab: {  	v16 =	vld [tilespmem:$0x8148];
	_ =	sdelay $0x4  }
0xac: {  	[tilespmem:s2+$0x3300] =	vst v16  }
0xad: {  	v16 =	vld [tilespmem:$0x8160];
	_ =	sdelay $0x4  }
0xae: {  	[tilespmem:s2+$0x3380] =	vst v16  }
0xaf: {  	v16 =	vld [tilespmem:$0x8178];
	_ =	sdelay $0x4  }
0xb0: {  	[tilespmem:s2+$0x3400] =	vst v16  }
0xb1: {  	v16 =	vld [tilespmem:$0x8190];
	_ =	sdelay $0x4  }
0xb2: {  	[tilespmem:s2+$0x3480] =	vst v16  }
0xb3: {  	v16 =	vld [tilespmem:$0x81A8];
	_ =	sdelay $0x4  }
0xb4: {  	[tilespmem:s2+$0x3500] =	vst v16  }
0xb5: {  	v16 =	vld [tilespmem:$0x81C0];
	_ =	sdelay $0x4  }
0xb6: {  	[tilespmem:s2+$0x3580] =	vst v16  }
0xb7: {  	v16 =	vld [tilespmem:$0x81D8];
	_ =	sdelay $0x4  }
0xb8: {  	[tilespmem:s2+$0x3600] =	vst v16  }
0xb9: {  	v16 =	vld [tilespmem:$0x81F0];
	_ =	sdelay $0x4  }
0xba: {  	[tilespmem:s2+$0x3680] =	vst v16  }
0xbb: {  	v16 =	vld [tilespmem:$0x8208];
	_ =	sdelay $0x4  }
0xbc: {  	[tilespmem:s2+$0x3700] =	vst v16  }
0xbd: {  	v16 =	vld [tilespmem:$0x8220];
	_ =	sdelay $0x4  }
0xbe: {  	[tilespmem:s2+$0x3780] =	vst v16  }
0xbf: {  	v16 =	vld [tilespmem:$0x8238];
	_ =	sdelay $0x4  }
0xc0: {  	[tilespmem:s2+$0x3800] =	vst v16  }
0xc1: {  	v16 =	vld [tilespmem:$0x8250];
	_ =	sdelay $0x4  }
0xc2: {  	[tilespmem:s2+$0x3880] =	vst v16  }
0xc3: {  	v16 =	vld [tilespmem:$0x8268];
	_ =	sdelay $0x4  }
0xc4: {  	[tilespmem:s2+$0x3900] =	vst v16  }
0xc5: {  	v16 =	vld [tilespmem:$0x8280];
	_ =	sdelay $0x4  }
0xc6: {  	[tilespmem:s2+$0x3980] =	vst v16  }
0xc7: {  	v16 =	vld [tilespmem:$0x8298];
	_ =	sdelay $0x4  }
0xc8: {  	[tilespmem:s2+$0x3A00] =	vst v16  }
0xc9: {  	v16 =	vld [tilespmem:$0x82B0];
	_ =	sdelay $0x4  }
0xca: {  	[tilespmem:s2+$0x3A80] =	vst v16  }
0xcb: {  	v16 =	vld [tilespmem:$0x82C8];
	_ =	sdelay $0x4  }
0xcc: {  	[tilespmem:s2+$0x3B00] =	vst v16  }
0xcd: {  	v16 =	vld [tilespmem:$0x82E0];
	_ =	sdelay $0x4  }
0xce: {  	[tilespmem:s2+$0x3B80] =	vst v16  }
0xcf: {  	v16 =	vld [tilespmem:$0x82F8];
	_ =	sdelay $0x4  }
0xd0: {  	[tilespmem:s2+$0x3C00] =	vst v16  }
0xd1: {  	v16 =	vld [tilespmem:$0x8310];
	_ =	sdelay $0x4  }
0xd2: {  	[tilespmem:s2+$0x3C80] =	vst v16  }
0xd3: {  	v16 =	vld [tilespmem:$0x8328];
	_ =	sdelay $0x4  }
0xd4: {  	[tilespmem:s2+$0x3D00] =	vst v16  }
0xd5: {  	v16 =	vld [tilespmem:$0x8340];
	_ =	sdelay $0x4  }
0xd6: {  	[tilespmem:s2+$0x3D80] =	vst v16  }
0xd7: {  	v16 =	vld [tilespmem:$0x8358];
	_ =	sdelay $0x4  }
0xd8: {  	[tilespmem:s2+$0x3E00] =	vst v16  }
0xd9: {  	v16 =	vld [tilespmem:$0x8370];
	_ =	sdelay $0x4  }
0xda: {  	[tilespmem:s2+$0x3E80] =	vst v16  }
0xdb: {  	v16 =	vld [tilespmem:$0x8388];
	_ =	sdelay $0x4  }
0xdc: {  	[tilespmem:s2+$0x3F00] =	vst v16  }
0xdd: {  	v16 =	vld [tilespmem:$0x83A0];
	_ =	sdelay $0x4  }
0xde: {  	[tilespmem:s2+$0x3F80] =	vst v16  }
0xdf: {  	v16 =	vld [tilespmem:$0x83B8];
	_ =	sdelay $0x4  }
0xe0: {  	[tilespmem:s2+$0x4000] =	vst v16  }
0xe1: {  	v16 =	vld [tilespmem:$0x83D0];
	_ =	sdelay $0x4  }
0xe2: {  	[tilespmem:s2+$0x4080] =	vst v16  }
0xe3: {  	v16 =	vld [tilespmem:$0x83E8];
	_ =	sdelay $0x4  }
0xe4: {  	[tilespmem:s2+$0x4100] =	vst v16  }
0xe5: {  	v16 =	vld [tilespmem:$0x8400];
	_ =	sdelay $0x4  }
0xe6: {  	[tilespmem:s2+$0x4180] =	vst v16  }
0xe7: {  	v16 =	vld [tilespmem:$0x8418];
	_ =	sdelay $0x4  }
0xe8: {  	[tilespmem:s2+$0x4200] =	vst v16  }
0xe9: {  	v16 =	vld [tilespmem:$0x8430];
	_ =	sdelay $0x4  }
0xea: {  	[tilespmem:s2+$0x4280] =	vst v16  }
0xeb: {  	v16 =	vld [tilespmem:$0x8448];
	_ =	sdelay $0x4  }
0xec: {  	[tilespmem:s2+$0x4300] =	vst v16  }
0xed: {  	v16 =	vld [tilespmem:$0x8460];
	_ =	sdelay $0x4  }
0xee: {  	[tilespmem:s2+$0x4380] =	vst v16  }
0xef: {  	v16 =	vld [tilespmem:$0x8478];
	_ =	sdelay $0x4  }
0xf0: {  	[tilespmem:s2+$0x4400] =	vst v16  }
0xf1: {  	v16 =	vld [tilespmem:$0x8490];
	_ =	sdelay $0x4  }
0xf2: {  	[tilespmem:s2+$0x4480] =	vst v16  }
0xf3: {  	v16 =	vld [tilespmem:$0x84A8];
	_ =	sdelay $0x4  }
0xf4: {  	[tilespmem:s2+$0x4500] =	vst v16  }
0xf5: {  	v16 =	vld [tilespmem:$0x84C0];
	_ =	sdelay $0x4  }
0xf6: {  	[tilespmem:s2+$0x4580] =	vst v16  }
0xf7: {  	v16 =	vld [tilespmem:$0x84D8];
	_ =	sdelay $0x4  }
0xf8: {  	[tilespmem:s2+$0x4600] =	vst v16  }
0xf9: {  	v16 =	vld [tilespmem:$0x84F0];
	_ =	sdelay $0x4  }
0xfa: {  	[tilespmem:s2+$0x4680] =	vst v16  }
0xfb: {  	v16 =	vld [tilespmem:$0x8508];
	_ =	sdelay $0x4  }
0xfc: {  	[tilespmem:s2+$0x4700] =	vst v16  }
0xfd: {  	v16 =	vld [tilespmem:$0x8520];
	_ =	sdelay $0x4  }
0xfe: {  	[tilespmem:s2+$0x4780] =	vst v16  }
0xff: {  	v16 =	vld [tilespmem:$0x8538];
	_ =	sdelay $0x4  }
0x100: {  	[tilespmem:s2+$0x4800] =	vst v16  }
0x101: {  	v16 =	vld [tilespmem:$0x8550];
	_ =	sdelay $0x4  }
0x102: {  	[tilespmem:s2+$0x4880] =	vst v16  }
0x103: {  	v16 =	vld [tilespmem:$0x8568];
	_ =	sdelay $0x4  }
0x104: {  	[tilespmem:s2+$0x4900] =	vst v16  }
0x105: {  	v16 =	vld [tilespmem:$0x8580];
	_ =	sdelay $0x4  }
0x106: {  	[tilespmem:s2+$0x4980] =	vst v16  }
0x107: {  	v16 =	vld [tilespmem:$0x8598];
	_ =	sdelay $0x4  }
0x108: {  	[tilespmem:s2+$0x4A00] =	vst v16  }
0x109: {  	v16 =	vld [tilespmem:$0x85B0];
	_ =	sdelay $0x4  }
0x10a: {  	[tilespmem:s2+$0x4A80] =	vst v16  }
0x10b: {  	v16 =	vld [tilespmem:$0x85C8];
	_ =	sdelay $0x4  }
0x10c: {  	[tilespmem:s2+$0x4B00] =	vst v16  }
0x10d: {  	v16 =	vld [tilespmem:$0x85E0];
	_ =	sdelay $0x4  }
0x10e: {  	[tilespmem:s2+$0x4B80] =	vst v16  }
0x10f: {  	v16 =	vld [tilespmem:$0x85F8];
	_ =	sdelay $0x4  }
0x110: {  	[tilespmem:s2+$0x4C00] =	vst v16  }
0x111: {  	v16 =	vld [tilespmem:$0x8610];
	_ =	sdelay $0x4  }
0x112: {  	[tilespmem:s2+$0x4C80] =	vst v16  }
0x113: {  	v16 =	vld [tilespmem:$0x8628];
	_ =	sdelay $0x4  }
0x114: {  	[tilespmem:s2+$0x4D00] =	vst v16  }
0x115: {  	v16 =	vld [tilespmem:$0x8640];
	_ =	sdelay $0x4  }
0x116: {  	[tilespmem:s2+$0x4D80] =	vst v16  }
0x117: {  	v16 =	vld [tilespmem:$0x8658];
	_ =	sdelay $0x4  }
0x118: {  	[tilespmem:s2+$0x4E00] =	vst v16  }
0x119: {  	v16 =	vld [tilespmem:$0x8670];
	_ =	sdelay $0x4  }
0x11a: {  	[tilespmem:s2+$0x4E80] =	vst v16  }
0x11b: {  	v16 =	vld [tilespmem:$0x8688];
	_ =	sdelay $0x4  }
0x11c: {  	[tilespmem:s2+$0x4F00] =	vst v16  }
0x11d: {  	v16 =	vld [tilespmem:$0x86A0];
	_ =	sdelay $0x4  }
0x11e: {  	[tilespmem:s2+$0x4F80] =	vst v16  }
0x11f: {  	v16 =	vld [tilespmem:$0x86B8];
	_ =	sdelay $0x4  }
0x120: {  	[tilespmem:s2+$0x5000] =	vst v16  }
0x121: {  	v16 =	vld [tilespmem:$0x86D0];
	_ =	sdelay $0x4  }
0x122: {  	[tilespmem:s2+$0x5080] =	vst v16  }
0x123: {  	p1 =	sne.s32 s31, $0x3FC0;
	v16 =	vld [tilespmem:$0x86E8]  }
.Ltmp0:
0x124: {  	_ = 	snop;
	(pc) =	sbr.rel @p1 .LBB2_3-.Ltmp0, $2  }
0x125: {  	_ =	sdelay $0x2  }
0x126: {  	s31 =	sadd.s32 $0x40, s31;
	s0 =	sadd.s32 $0x400, s0;
	[tilespmem:s2+$0x5100] =	vst v16  }
0x127: {  	p1 =	sne.s32 s29, $0x18  }
.Ltmp1:
0x128: {  	s0 =	sshll.u32 s29, $0x13;
	(pc) =	sbr.rel @p1 .LBB2_6-.Ltmp1, $4  }
0x129: {  	s0 =	sor.u32 s9, s0  }
0x12a: {  	s0 =	sshrl.u32 s0, $0x3  }
0x12b: {  	s0 =	sadd.s32 s1, s0  }
0x12c: {  	[hbm4b:s0+s20] =	stream.strided.scatter [tilespmem:s22], [sflag:$0x3], $0x2000, s21, s20, $0x38;
	[tilespmem:$0x8700] =	vst v63  }
.Ltmp2:
0x12d: {  	(pc) =	sbr.rel .LBB2_7-.Ltmp2, $4  }
0x12e: {  	_ = 	snop  }
0x12f: {  	_ =	swait.ge [sflag:s23], $0x2000  }
0x130: {  	[sflag:s23] =	ssyncset.done $0x0  }
0x131: {  	[sflag:s23] =	ssyncadd.s32 $0xFFFFE000  }
.LBB2_6:
0x132: {  	s0 =	sshll.u32 s29, $0xD  }
0x133: {  	s0 =	sadd.s32 s8, s0  }
0x134: {  	s0 =	sshrl.u32 s0, $0x3  }
0x135: {  	s0 =	sadd.s32 s5, s0  }
0x136: {  	[tilespmem:s3], [sflag:$0x5] =	stream.linear.gather [hbm4b:s0+s3], $0x80, $0x38;
	[tilespmem:$0x8700] =	vst v63  }
0x137: {  	_ =	swait.ge [sflag:s11], $0x80  }
0x138: {  	[sflag:s11] =	ssyncset.done $0x0  }
.Ltmp3:
0x139: {  	[sflag:s11] =	ssyncadd.s32 $0xFFFFFF80;
	(pc) =	sbr.rel @p0 .LBB2_8-.Ltmp3, $4  }
0x13a: {  	[tilespmem:s13], [sflag:$0x1] =	stream.indirect.gather [hbm4b:s4+s12], $0x40, s3, s12, $0xb8;
	[tilespmem:$0x8700] =	vst v63  }
0x13b: {  	_ =	swait.ge [sflag:s23], $0x2000  }
0x13c: {  	[sflag:s23] =	ssyncset.done $0x0  }
0x13d: {  	[sflag:s23] =	ssyncadd.s32 $0xFFFFE000  }
.LBB2_7:
0x13e: {  	_ =	swait.ge [sflag:s24], $0x2000  }
0x13f: {  	[sflag:s24] =	ssyncset.done $0x0  }
0x140: {  	[sflag:s24] =	ssyncadd.s32 $0xFFFFE000  }
.LBB2_8:
0x141: {  	s31 =	simm.s32 $0x3E00;
	s0 =	simm.s32 $0x2300  }
.LBB2_9:
0x142: {  	v16 =	vld [tilespmem:s0+$0xFFFFFE00];
	_ =	sdelay $0x4  }
0x143: {  	[tilespmem:v0+s16+$0x0] =	vst.idx.msk $0xffff, v16  }
0x144: {  	v16 =	vld [tilespmem:s0+$0xFFFFFE40];
	_ =	sdelay $0x4  }
0x145: {  	[tilespmem:v1+s16+$0x0] =	vst.idx.msk $0xffff, v16  }
0x146: {  	v16 =	vld [tilespmem:s0+$0xFFFFFE80];
	_ =	sdelay $0x4  }
0x147: {  	[tilespmem:v2+s16+$0x0] =	vst.idx.msk $0xffff, v16  }
0x148: {  	v16 =	vld [tilespmem:s0+$0xFFFFFEC0];
	_ =	sdelay $0x4  }
0x149: {  	[tilespmem:v3+s16+$0x0] =	vst.idx.msk $0xffff, v16  }
0x14a: {  	v16 =	vld [tilespmem:s0+$0xFFFFFF00];
	_ =	sdelay $0x4  }
0x14b: {  	[tilespmem:v4+s16+$0x0] =	vst.idx.msk $0xffff, v16  }
0x14c: {  	v16 =	vld [tilespmem:s0+$0xFFFFFF40];
	_ =	sdelay $0x4  }
0x14d: {  	[tilespmem:v5+s16+$0x0] =	vst.idx.msk $0xffff, v16  }
0x14e: {  	v16 =	vld [tilespmem:s0+$0xFFFFFF80];
	_ =	sdelay $0x4  }
0x14f: {  	[tilespmem:v6+s16+$0x0] =	vst.idx.msk $0xffff, v16  }
0x150: {  	v16 =	vld [tilespmem:s0+$0xFFFFFFC0];
	_ =	sdelay $0x4  }
0x151: {  	[tilespmem:v7+s16+$0x0] =	vst.idx.msk $0xffff, v16  }
0x152: {  	v16 =	vld [tilespmem:s0+$0x0];
	_ =	sdelay $0x4  }
0x153: {  	[tilespmem:v8+s16+$0x0] =	vst.idx.msk $0xffff, v16  }
0x154: {  	v16 =	vld [tilespmem:s0+$0x40];
	_ =	sdelay $0x4  }
0x155: {  	[tilespmem:v9+s16+$0x0] =	vst.idx.msk $0xffff, v16  }
0x156: {  	v16 =	vld [tilespmem:s0+$0x80];
	_ =	sdelay $0x4  }
0x157: {  	[tilespmem:v10+s16+$0x0] =	vst.idx.msk $0xffff, v16  }
0x158: {  	v16 =	vld [tilespmem:s0+$0xC0];
	_ =	sdelay $0x4  }
0x159: {  	[tilespmem:v11+s16+$0x0] =	vst.idx.msk $0xffff, v16  }
0x15a: {  	v16 =	vld [tilespmem:s0+$0x100];
	_ =	sdelay $0x4  }
0x15b: {  	[tilespmem:v12+s16+$0x0] =	vst.idx.msk $0xffff, v16  }
0x15c: {  	v16 =	vld [tilespmem:s0+$0x140];
	_ =	sdelay $0x4  }
0x15d: {  	[tilespmem:v13+s16+$0x0] =	vst.idx.msk $0xffff, v16  }
0x15e: {  	v16 =	vld [tilespmem:s0+$0x180];
	_ =	sdelay $0x4  }
0x15f: {  	[tilespmem:v14+s16+$0x0] =	vst.idx.msk $0xffff, v16  }
0x160: {  	v16 =	vld [tilespmem:s0+$0x1C0];
	_ =	sdelay $0x4  }
0x161: {  	[tilespmem:v15+s16+$0x0] =	vst.idx.msk $0xffff, v16  }
0x162: {  	v16 =	vld [tilespmem:s0+$0xFFFFFE10];
	_ =	sdelay $0x4  }
0x163: {  	[tilespmem:v0+s17+$0x0] =	vst.idx.msk $0xffff, v16  }
0x164: {  	v16 =	vld [tilespmem:s0+$0xFFFFFE50];
	_ =	sdelay $0x4  }
0x165: {  	[tilespmem:v1+s17+$0x0] =	vst.idx.msk $0xffff, v16  }
0x166: {  	v16 =	vld [tilespmem:s0+$0xFFFFFE90];
	_ =	sdelay $0x4  }
0x167: {  	[tilespmem:v2+s17+$0x0] =	vst.idx.msk $0xffff, v16  }
0x168: {  	v16 =	vld [tilespmem:s0+$0xFFFFFED0];
	_ =	sdelay $0x4  }
0x169: {  	[tilespmem:v3+s17+$0x0] =	vst.idx.msk $0xffff, v16  }
0x16a: {  	v16 =	vld [tilespmem:s0+$0xFFFFFF10];
	_ =	sdelay $0x4  }
0x16b: {  	[tilespmem:v4+s17+$0x0] =	vst.idx.msk $0xffff, v16  }
0x16c: {  	v16 =	vld [tilespmem:s0+$0xFFFFFF50];
	_ =	sdelay $0x4  }
0x16d: {  	[tilespmem:v5+s17+$0x0] =	vst.idx.msk $0xffff, v16  }
0x16e: {  	v16 =	vld [tilespmem:s0+$0xFFFFFF90];
	_ =	sdelay $0x4  }
0x16f: {  	[tilespmem:v6+s17+$0x0] =	vst.idx.msk $0xffff, v16  }
0x170: {  	v16 =	vld [tilespmem:s0+$0xFFFFFFD0];
	_ =	sdelay $0x4  }
0x171: {  	[tilespmem:v7+s17+$0x0] =	vst.idx.msk $0xffff, v16  }
0x172: {  	v16 =	vld [tilespmem:s0+$0x10];
	_ =	sdelay $0x4  }
0x173: {  	[tilespmem:v8+s17+$0x0] =	vst.idx.msk $0xffff, v16  }
0x174: {  	v16 =	vld [tilespmem:s0+$0x50];
	_ =	sdelay $0x4  }
0x175: {  	[tilespmem:v9+s17+$0x0] =	vst.idx.msk $0xffff, v16  }
0x176: {  	v16 =	vld [tilespmem:s0+$0x90];
	_ =	sdelay $0x4  }
0x177: {  	[tilespmem:v10+s17+$0x0] =	vst.idx.msk $0xffff, v16  }
0x178: {  	v16 =	vld [tilespmem:s0+$0xD0];
	_ =	sdelay $0x4  }
0x179: {  	[tilespmem:v11+s17+$0x0] =	vst.idx.msk $0xffff, v16  }
0x17a: {  	v16 =	vld [tilespmem:s0+$0x110];
	_ =	sdelay $0x4  }
0x17b: {  	[tilespmem:v12+s17+$0x0] =	vst.idx.msk $0xffff, v16  }
0x17c: {  	v16 =	vld [tilespmem:s0+$0x150];
	_ =	sdelay $0x4  }
0x17d: {  	[tilespmem:v13+s17+$0x0] =	vst.idx.msk $0xffff, v16  }
0x17e: {  	v16 =	vld [tilespmem:s0+$0x190];
	_ =	sdelay $0x4  }
0x17f: {  	[tilespmem:v14+s17+$0x0] =	vst.idx.msk $0xffff, v16  }
0x180: {  	v16 =	vld [tilespmem:s0+$0x1D0];
	_ =	sdelay $0x4  }
0x181: {  	[tilespmem:v15+s17+$0x0] =	vst.idx.msk $0xffff, v16  }
0x182: {  	v16 =	vld [tilespmem:s0+$0xFFFFFE20];
	_ =	sdelay $0x4  }
0x183: {  	[tilespmem:v0+s18+$0x0] =	vst.idx.msk $0xffff, v16  }
0x184: {  	v16 =	vld [tilespmem:s0+$0xFFFFFE60];
	_ =	sdelay $0x4  }
0x185: {  	[tilespmem:v1+s18+$0x0] =	vst.idx.msk $0xffff, v16  }
0x186: {  	v16 =	vld [tilespmem:s0+$0xFFFFFEA0];
	_ =	sdelay $0x4  }
0x187: {  	[tilespmem:v2+s18+$0x0] =	vst.idx.msk $0xffff, v16  }
0x188: {  	v16 =	vld [tilespmem:s0+$0xFFFFFEE0];
	_ =	sdelay $0x4  }
0x189: {  	[tilespmem:v3+s18+$0x0] =	vst.idx.msk $0xffff, v16  }
0x18a: {  	v16 =	vld [tilespmem:s0+$0xFFFFFF20];
	_ =	sdelay $0x4  }
0x18b: {  	[tilespmem:v4+s18+$0x0] =	vst.idx.msk $0xffff, v16  }
0x18c: {  	v16 =	vld [tilespmem:s0+$0xFFFFFF60];
	_ =	sdelay $0x4  }
0x18d: {  	[tilespmem:v5+s18+$0x0] =	vst.idx.msk $0xffff, v16  }
0x18e: {  	v16 =	vld [tilespmem:s0+$0xFFFFFFA0];
	_ =	sdelay $0x4  }
0x18f: {  	[tilespmem:v6+s18+$0x0] =	vst.idx.msk $0xffff, v16  }
0x190: {  	v16 =	vld [tilespmem:s0+$0xFFFFFFE0];
	_ =	sdelay $0x4  }
0x191: {  	[tilespmem:v7+s18+$0x0] =	vst.idx.msk $0xffff, v16  }
0x192: {  	v16 =	vld [tilespmem:s0+$0x20];
	_ =	sdelay $0x4  }
0x193: {  	[tilespmem:v8+s18+$0x0] =	vst.idx.msk $0xffff, v16  }
0x194: {  	v16 =	vld [tilespmem:s0+$0x60];
	_ =	sdelay $0x4  }
0x195: {  	[tilespmem:v9+s18+$0x0] =	vst.idx.msk $0xffff, v16  }
0x196: {  	v16 =	vld [tilespmem:s0+$0xA0];
	_ =	sdelay $0x4  }
0x197: {  	[tilespmem:v10+s18+$0x0] =	vst.idx.msk $0xffff, v16  }
0x198: {  	v16 =	vld [tilespmem:s0+$0xE0];
	_ =	sdelay $0x4  }
0x199: {  	[tilespmem:v11+s18+$0x0] =	vst.idx.msk $0xffff, v16  }
0x19a: {  	v16 =	vld [tilespmem:s0+$0x120];
	_ =	sdelay $0x4  }
0x19b: {  	[tilespmem:v12+s18+$0x0] =	vst.idx.msk $0xffff, v16  }
0x19c: {  	v16 =	vld [tilespmem:s0+$0x160];
	_ =	sdelay $0x4  }
0x19d: {  	[tilespmem:v13+s18+$0x0] =	vst.idx.msk $0xffff, v16  }
0x19e: {  	v16 =	vld [tilespmem:s0+$0x1A0];
	_ =	sdelay $0x4  }
0x19f: {  	[tilespmem:v14+s18+$0x0] =	vst.idx.msk $0xffff, v16  }
0x1a0: {  	v16 =	vld [tilespmem:s0+$0x1E0];
	_ =	sdelay $0x4  }
0x1a1: {  	[tilespmem:v15+s18+$0x0] =	vst.idx.msk $0xffff, v16  }
0x1a2: {  	v16 =	vld [tilespmem:s0+$0xFFFFFE30];
	_ =	sdelay $0x4  }
0x1a3: {  	[tilespmem:v0+s19+$0x0] =	vst.idx.msk $0xffff, v16  }
0x1a4: {  	v16 =	vld [tilespmem:s0+$0xFFFFFE70];
	_ =	sdelay $0x4  }
0x1a5: {  	[tilespmem:v1+s19+$0x0] =	vst.idx.msk $0xffff, v16  }
0x1a6: {  	v16 =	vld [tilespmem:s0+$0xFFFFFEB0];
	_ =	sdelay $0x4  }
0x1a7: {  	[tilespmem:v2+s19+$0x0] =	vst.idx.msk $0xffff, v16  }
0x1a8: {  	v16 =	vld [tilespmem:s0+$0xFFFFFEF0];
	_ =	sdelay $0x4  }
0x1a9: {  	[tilespmem:v3+s19+$0x0] =	vst.idx.msk $0xffff, v16  }
0x1aa: {  	v16 =	vld [tilespmem:s0+$0xFFFFFF30];
	_ =	sdelay $0x4  }
0x1ab: {  	[tilespmem:v4+s19+$0x0] =	vst.idx.msk $0xffff, v16  }
0x1ac: {  	v16 =	vld [tilespmem:s0+$0xFFFFFF70];
	_ =	sdelay $0x4  }
0x1ad: {  	[tilespmem:v5+s19+$0x0] =	vst.idx.msk $0xffff, v16  }
0x1ae: {  	v16 =	vld [tilespmem:s0+$0xFFFFFFB0];
	_ =	sdelay $0x4  }
0x1af: {  	[tilespmem:v6+s19+$0x0] =	vst.idx.msk $0xffff, v16  }
0x1b0: {  	v16 =	vld [tilespmem:s0+$0xFFFFFFF0];
	_ =	sdelay $0x4  }
0x1b1: {  	[tilespmem:v7+s19+$0x0] =	vst.idx.msk $0xffff, v16  }
0x1b2: {  	v16 =	vld [tilespmem:s0+$0x30];
	_ =	sdelay $0x4  }
0x1b3: {  	[tilespmem:v8+s19+$0x0] =	vst.idx.msk $0xffff, v16  }
0x1b4: {  	v16 =	vld [tilespmem:s0+$0x70];
	_ =	sdelay $0x4  }
0x1b5: {  	[tilespmem:v9+s19+$0x0] =	vst.idx.msk $0xffff, v16  }
0x1b6: {  	v16 =	vld [tilespmem:s0+$0xB0];
	_ =	sdelay $0x4  }
0x1b7: {  	[tilespmem:v10+s19+$0x0] =	vst.idx.msk $0xffff, v16  }
0x1b8: {  	v16 =	vld [tilespmem:s0+$0xF0];
	_ =	sdelay $0x4  }
0x1b9: {  	[tilespmem:v11+s19+$0x0] =	vst.idx.msk $0xffff, v16  }
0x1ba: {  	v16 =	vld [tilespmem:s0+$0x130];
	_ =	sdelay $0x4  }
0x1bb: {  	[tilespmem:v12+s19+$0x0] =	vst.idx.msk $0xffff, v16  }
0x1bc: {  	v16 =	vld [tilespmem:s0+$0x170];
	_ =	sdelay $0x4  }
0x1bd: {  	[tilespmem:v13+s19+$0x0] =	vst.idx.msk $0xffff, v16  }
0x1be: {  	v16 =	vld [tilespmem:s0+$0x1B0];
	_ =	sdelay $0x4  }
0x1bf: {  	[tilespmem:v14+s19+$0x0] =	vst.idx.msk $0xffff, v16  }
0x1c0: {  	v16 =	vld [tilespmem:s0+$0x1F0];
	_ =	sdelay $0x4  }
0x1c1: {  	[tilespmem:v15+s19+$0x0] =	vst.idx.msk $0xffff, v16  }
0x1c2: {  	v16 =	vld [tilespmem:$0x8100];
	_ =	sdelay $0x3  }
0x1c3: {  	s2 =	sshra.s32 s31, $0x2  }
0x1c4: {  	[tilespmem:s2+$0x5180] =	vst v16  }
0x1c5: {  	v16 =	vld [tilespmem:$0x8118];
	_ =	sdelay $0x4  }
0x1c6: {  	[tilespmem:s2+$0x5200] =	vst v16  }
0x1c7: {  	v16 =	vld [tilespmem:$0x8130];
	_ =	sdelay $0x4  }
0x1c8: {  	[tilespmem:s2+$0x5280] =	vst v16  }
0x1c9: {  	v16 =	vld [tilespmem:$0x8148];
	_ =	sdelay $0x4  }
0x1ca: {  	[tilespmem:s2+$0x5300] =	vst v16  }
0x1cb: {  	v16 =	vld [tilespmem:$0x8160];
	_ =	sdelay $0x4  }
0x1cc: {  	[tilespmem:s2+$0x5380] =	vst v16  }
0x1cd: {  	v16 =	vld [tilespmem:$0x8178];
	_ =	sdelay $0x4  }
0x1ce: {  	[tilespmem:s2+$0x5400] =	vst v16  }
0x1cf: {  	v16 =	vld [tilespmem:$0x8190];
	_ =	sdelay $0x4  }
0x1d0: {  	[tilespmem:s2+$0x5480] =	vst v16  }
0x1d1: {  	v16 =	vld [tilespmem:$0x81A8];
	_ =	sdelay $0x4  }
0x1d2: {  	[tilespmem:s2+$0x5500] =	vst v16  }
0x1d3: {  	v16 =	vld [tilespmem:$0x81C0];
	_ =	sdelay $0x4  }
0x1d4: {  	[tilespmem:s2+$0x5580] =	vst v16  }
0x1d5: {  	v16 =	vld [tilespmem:$0x81D8];
	_ =	sdelay $0x4  }
0x1d6: {  	[tilespmem:s2+$0x5600] =	vst v16  }
0x1d7: {  	v16 =	vld [tilespmem:$0x81F0];
	_ =	sdelay $0x4  }
0x1d8: {  	[tilespmem:s2+$0x5680] =	vst v16  }
0x1d9: {  	v16 =	vld [tilespmem:$0x8208];
	_ =	sdelay $0x4  }
0x1da: {  	[tilespmem:s2+$0x5700] =	vst v16  }
0x1db: {  	v16 =	vld [tilespmem:$0x8220];
	_ =	sdelay $0x4  }
0x1dc: {  	[tilespmem:s2+$0x5780] =	vst v16  }
0x1dd: {  	v16 =	vld [tilespmem:$0x8238];
	_ =	sdelay $0x4  }
0x1de: {  	[tilespmem:s2+$0x5800] =	vst v16  }
0x1df: {  	v16 =	vld [tilespmem:$0x8250];
	_ =	sdelay $0x4  }
0x1e0: {  	[tilespmem:s2+$0x5880] =	vst v16  }
0x1e1: {  	v16 =	vld [tilespmem:$0x8268];
	_ =	sdelay $0x4  }
0x1e2: {  	[tilespmem:s2+$0x5900] =	vst v16  }
0x1e3: {  	v16 =	vld [tilespmem:$0x8280];
	_ =	sdelay $0x4  }
0x1e4: {  	[tilespmem:s2+$0x5980] =	vst v16  }
0x1e5: {  	v16 =	vld [tilespmem:$0x8298];
	_ =	sdelay $0x4  }
0x1e6: {  	[tilespmem:s2+$0x5A00] =	vst v16  }
0x1e7: {  	v16 =	vld [tilespmem:$0x82B0];
	_ =	sdelay $0x4  }
0x1e8: {  	[tilespmem:s2+$0x5A80] =	vst v16  }
0x1e9: {  	v16 =	vld [tilespmem:$0x82C8];
	_ =	sdelay $0x4  }
0x1ea: {  	[tilespmem:s2+$0x5B00] =	vst v16  }
0x1eb: {  	v16 =	vld [tilespmem:$0x82E0];
	_ =	sdelay $0x4  }
0x1ec: {  	[tilespmem:s2+$0x5B80] =	vst v16  }
0x1ed: {  	v16 =	vld [tilespmem:$0x82F8];
	_ =	sdelay $0x4  }
0x1ee: {  	[tilespmem:s2+$0x5C00] =	vst v16  }
0x1ef: {  	v16 =	vld [tilespmem:$0x8310];
	_ =	sdelay $0x4  }
0x1f0: {  	[tilespmem:s2+$0x5C80] =	vst v16  }
0x1f1: {  	v16 =	vld [tilespmem:$0x8328];
	_ =	sdelay $0x4  }
0x1f2: {  	[tilespmem:s2+$0x5D00] =	vst v16  }
0x1f3: {  	v16 =	vld [tilespmem:$0x8340];
	_ =	sdelay $0x4  }
0x1f4: {  	[tilespmem:s2+$0x5D80] =	vst v16  }
0x1f5: {  	v16 =	vld [tilespmem:$0x8358];
	_ =	sdelay $0x4  }
0x1f6: {  	[tilespmem:s2+$0x5E00] =	vst v16  }
0x1f7: {  	v16 =	vld [tilespmem:$0x8370];
	_ =	sdelay $0x4  }
0x1f8: {  	[tilespmem:s2+$0x5E80] =	vst v16  }
0x1f9: {  	v16 =	vld [tilespmem:$0x8388];
	_ =	sdelay $0x4  }
0x1fa: {  	[tilespmem:s2+$0x5F00] =	vst v16  }
0x1fb: {  	v16 =	vld [tilespmem:$0x83A0];
	_ =	sdelay $0x4  }
0x1fc: {  	[tilespmem:s2+$0x5F80] =	vst v16  }
0x1fd: {  	v16 =	vld [tilespmem:$0x83B8];
	_ =	sdelay $0x4  }
0x1fe: {  	[tilespmem:s2+$0x6000] =	vst v16  }
0x1ff: {  	v16 =	vld [tilespmem:$0x83D0];
	_ =	sdelay $0x4  }
0x200: {  	[tilespmem:s2+$0x6080] =	vst v16  }
0x201: {  	v16 =	vld [tilespmem:$0x83E8];
	_ =	sdelay $0x4  }
0x202: {  	[tilespmem:s2+$0x6100] =	vst v16  }
0x203: {  	v16 =	vld [tilespmem:$0x8400];
	_ =	sdelay $0x4  }
0x204: {  	[tilespmem:s2+$0x6180] =	vst v16  }
0x205: {  	v16 =	vld [tilespmem:$0x8418];
	_ =	sdelay $0x4  }
0x206: {  	[tilespmem:s2+$0x6200] =	vst v16  }
0x207: {  	v16 =	vld [tilespmem:$0x8430];
	_ =	sdelay $0x4  }
0x208: {  	[tilespmem:s2+$0x6280] =	vst v16  }
0x209: {  	v16 =	vld [tilespmem:$0x8448];
	_ =	sdelay $0x4  }
0x20a: {  	[tilespmem:s2+$0x6300] =	vst v16  }
0x20b: {  	v16 =	vld [tilespmem:$0x8460];
	_ =	sdelay $0x4  }
0x20c: {  	[tilespmem:s2+$0x6380] =	vst v16  }
0x20d: {  	v16 =	vld [tilespmem:$0x8478];
	_ =	sdelay $0x4  }
0x20e: {  	[tilespmem:s2+$0x6400] =	vst v16  }
0x20f: {  	v16 =	vld [tilespmem:$0x8490];
	_ =	sdelay $0x4  }
0x210: {  	[tilespmem:s2+$0x6480] =	vst v16  }
0x211: {  	v16 =	vld [tilespmem:$0x84A8];
	_ =	sdelay $0x4  }
0x212: {  	[tilespmem:s2+$0x6500] =	vst v16  }
0x213: {  	v16 =	vld [tilespmem:$0x84C0];
	_ =	sdelay $0x4  }
0x214: {  	[tilespmem:s2+$0x6580] =	vst v16  }
0x215: {  	v16 =	vld [tilespmem:$0x84D8];
	_ =	sdelay $0x4  }
0x216: {  	[tilespmem:s2+$0x6600] =	vst v16  }
0x217: {  	v16 =	vld [tilespmem:$0x84F0];
	_ =	sdelay $0x4  }
0x218: {  	[tilespmem:s2+$0x6680] =	vst v16  }
0x219: {  	v16 =	vld [tilespmem:$0x8508];
	_ =	sdelay $0x4  }
0x21a: {  	[tilespmem:s2+$0x6700] =	vst v16  }
0x21b: {  	v16 =	vld [tilespmem:$0x8520];
	_ =	sdelay $0x4  }
0x21c: {  	[tilespmem:s2+$0x6780] =	vst v16  }
0x21d: {  	v16 =	vld [tilespmem:$0x8538];
	_ =	sdelay $0x4  }
0x21e: {  	[tilespmem:s2+$0x6800] =	vst v16  }
0x21f: {  	v16 =	vld [tilespmem:$0x8550];
	_ =	sdelay $0x4  }
0x220: {  	[tilespmem:s2+$0x6880] =	vst v16  }
0x221: {  	v16 =	vld [tilespmem:$0x8568];
	_ =	sdelay $0x4  }
0x222: {  	[tilespmem:s2+$0x6900] =	vst v16  }
0x223: {  	v16 =	vld [tilespmem:$0x8580];
	_ =	sdelay $0x4  }
0x224: {  	[tilespmem:s2+$0x6980] =	vst v16  }
0x225: {  	v16 =	vld [tilespmem:$0x8598];
	_ =	sdelay $0x4  }
0x226: {  	[tilespmem:s2+$0x6A00] =	vst v16  }
0x227: {  	v16 =	vld [tilespmem:$0x85B0];
	_ =	sdelay $0x4  }
0x228: {  	[tilespmem:s2+$0x6A80] =	vst v16  }
0x229: {  	v16 =	vld [tilespmem:$0x85C8];
	_ =	sdelay $0x4  }
0x22a: {  	[tilespmem:s2+$0x6B00] =	vst v16  }
0x22b: {  	v16 =	vld [tilespmem:$0x85E0];
	_ =	sdelay $0x4  }
0x22c: {  	[tilespmem:s2+$0x6B80] =	vst v16  }
0x22d: {  	v16 =	vld [tilespmem:$0x85F8];
	_ =	sdelay $0x4  }
0x22e: {  	[tilespmem:s2+$0x6C00] =	vst v16  }
0x22f: {  	v16 =	vld [tilespmem:$0x8610];
	_ =	sdelay $0x4  }
0x230: {  	[tilespmem:s2+$0x6C80] =	vst v16  }
0x231: {  	v16 =	vld [tilespmem:$0x8628];
	_ =	sdelay $0x4  }
0x232: {  	[tilespmem:s2+$0x6D00] =	vst v16  }
0x233: {  	v16 =	vld [tilespmem:$0x8640];
	_ =	sdelay $0x4  }
0x234: {  	[tilespmem:s2+$0x6D80] =	vst v16  }
0x235: {  	v16 =	vld [tilespmem:$0x8658];
	_ =	sdelay $0x4  }
0x236: {  	[tilespmem:s2+$0x6E00] =	vst v16  }
0x237: {  	v16 =	vld [tilespmem:$0x8670];
	_ =	sdelay $0x4  }
0x238: {  	[tilespmem:s2+$0x6E80] =	vst v16  }
0x239: {  	v16 =	vld [tilespmem:$0x8688];
	_ =	sdelay $0x4  }
0x23a: {  	[tilespmem:s2+$0x6F00] =	vst v16  }
0x23b: {  	v16 =	vld [tilespmem:$0x86A0];
	_ =	sdelay $0x4  }
0x23c: {  	[tilespmem:s2+$0x6F80] =	vst v16  }
0x23d: {  	v16 =	vld [tilespmem:$0x86B8];
	_ =	sdelay $0x4  }
0x23e: {  	[tilespmem:s2+$0x7000] =	vst v16  }
0x23f: {  	v16 =	vld [tilespmem:$0x86D0];
	_ =	sdelay $0x4  }
0x240: {  	[tilespmem:s2+$0x7080] =	vst v16  }
0x241: {  	p0 =	sne.s32 s31, $0x3FC0;
	v16 =	vld [tilespmem:$0x86E8]  }
.Ltmp4:
0x242: {  	_ = 	snop;
	(pc) =	sbr.rel @p0 .LBB2_9-.Ltmp4, $2  }
0x243: {  	_ =	sdelay $0x2  }
0x244: {  	s31 =	sadd.s32 $0x40, s31;
	s0 =	sadd.s32 $0x400, s0;
	[tilespmem:s2+$0x7100] =	vst v16  }
0x245: {  	s29 =	sadd.s32 $0x1, s29  }
0x246: {  	p0 =	sne.s32 s29, $0x19  }
.Ltmp5:
0x247: {  	s0 =	sshll.u32 s30, $0x12;
	(pc) =	sbr.rel @p0 .LBB2_2-.Ltmp5, $4  }
0x248: {  	s0 =	sor.u32 s9, s0  }
0x249: {  	s0 =	sshrl.u32 s0, $0x3  }
0x24a: {  	s0 =	sadd.s32 s1, s0  }
0x24b: {  	[hbm4b:s0+s20] =	stream.strided.scatter [tilespmem:s25], [sflag:$0x4], $0x2000, s21, s20, $0x38;
	[tilespmem:$0x8700] =	vst v63  }
0x24c: {  	s28 =	sadd.s32 $0x1, s28  }
0x24d: {  	_ =	swait.ge [sflag:s26], $0x2000;
	p0 =	sne.s32 s28, s10  }
.Ltmp6:
0x24e: {  	[sflag:s26] =	ssyncset.done $0x0;
	(pc) =	sbr.rel @p0 .LBB2_1-.Ltmp6, $4  }
0x24f: {  	[sflag:s26] =	ssyncadd.s32 $0xFFFFE000  }
0x250: {  	_ =	swait.ge [sflag:s24], $0x2000  }
0x251: {  	[sflag:s24] =	ssyncset.done $0x0  }
0x252: {  	[sflag:s24] =	ssyncadd.s32 $0xFFFFE000  }
0x253: {  	_ =	sfence.sel $0x180000  }
0x254: {  	[bflag:$0x0] =	sbarrier.arrive $0xFFFF  }
0x255: {  	_ =	strace $0x90000047  }
0x256: {  	s0 =	stileid.u32;
	[bflag:$0x2] =	sbarrier.arrive $0xFFFF  }
0x257: {  	p0 =	sne.s32 s0, $0x0;
	s0 =	rddreg [dreg:$0x2]  }
0x258: {  	s0 =	sadd.s32 @!p0 $0x100000, s0  }
0x259: {  	[sflag:s0] =	ssyncadd.tile.s32 @!p0 $0x1;
	_ =	shalt  }
.Lfunc_end2:
_tile_overlayer_lowered:
.L_overlay_start_2:
0x25a: {  	(tag) =	ssettag $0x2  }
0x25b: {  	s0 =	rddreg [dreg:$0x0];
	s2 =	stileid.u32  }
0x25c: {  	s1 =	rddreg [dreg:$0x1];
	p0 =	sne.s32 s2, $0x0  }
0x25d: {  	s3 =	rddreg [dreg:$0x2];
	[bflag:$0x3] =	sbarrier.arrive $0xFFFF;
	s2 =	simm.s32 @!p0 $0x1C05  }
0x25e: {  	[timem:s3], [sflag:s2] =	dma.local @!p0 [hbm:s0], s1  }
0x25f: {  	s0 =	simm.s32 @!p0 $0x5  }
0x260: {  	_ =	swait.ge @!p0 [sflag:s0], s1  }
0x261: {  	s1 =	ssub.s32 @!p0 $0x0, s1;
	[sflag:s0] =	ssyncset.done @!p0 $0x0  }
0x262: {  	[sflag:s0] =	ssyncadd.s32 @!p0 s1  }
0x263: {  	[bflag:$0x3] =	sbarrier.arrive $0xFFFF  }
0x264: {  	_ =	shalt  }

</sc_bundles>
